<compile_context>
chip_gen: v7x
topology: tpu7x:2x2x1
jax: 0.10.2.dev20260603
libtpu: 0.0.44.dev20260713+nightly
codegen_flags: <defaults>
</compile_context>

<pallas_src>
import jax
import jax.numpy as jnp
from jax import lax
from jax.experimental import pallas as pl
from jax.experimental.pallas import tpu as pltpu
from jax.experimental.pallas import tpu_sc as plsc

NC = 2
NS = 16
CHUNK = 128
GK = 8


def _make_aggregate(n, e_pad, d, with_deg):
    nw = NC * NS
    n_chunks = e_pad // CHUNK
    cpw = n_chunks // nw
    ng = cpw // GK
    n_acc = n
    rpt = n // NS
    zpt = n_acc // NS
    assert n % NS == 0 and n_chunks % nw == 0 and cpw % GK == 0 and ng >= 2

    out_type = [jax.ShapeDtypeStruct((2 * n, d), jnp.float32)]
    scratch = [
        [pltpu.VMEM((GK, CHUNK), jnp.int32) for _ in range(2)],
        [pltpu.VMEM((GK, CHUNK), jnp.int32) for _ in range(2)],
        [pltpu.VMEM((CHUNK, d), jnp.float32) for _ in range(2)],
        pltpu.VMEM_SHARED((n_acc, d), jnp.float32),
        [pltpu.SemaphoreType.DMA for _ in range(2)],
        [pltpu.SemaphoreType.DMA for _ in range(2)],
        [pltpu.SemaphoreType.DMA for _ in range(2)],
    ]
    if with_deg:
        out_type.append(jax.ShapeDtypeStruct((2 * n, 16), jnp.float32))
        scratch += [
            pltpu.VMEM((CHUNK, 16), jnp.float32),
            pltpu.VMEM_SHARED((n_acc, 16), jnp.float32),
            [pltpu.SemaphoreType.DMA for _ in range(2)],
        ]

    mesh = plsc.VectorSubcoreMesh(core_axis_name="c", subcore_axis_name="s")

    def body(feat_hbm, src_hbm, dst_hbm, zacc_hbm, *rest):
        if with_deg:
            (zdeg_hbm, ones_hbm, out_hbm, deg_out,
             srcg, dstg, rows, acc_sh, sem_i, sem_g, sem_s,
             ones_v, deg_sh, sem_d) = rest
        else:
            (out_hbm, srcg, dstg, rows, acc_sh, sem_i, sem_g, sem_s) = rest
        c = lax.axis_index("c")
        s = lax.axis_index("s")
        w = s * NC + c

        pltpu.sync_copy(zacc_hbm.at[pl.ds(s * zpt, zpt)],
                        acc_sh.at[pl.ds(s * zpt, zpt)])
        if with_deg:
            pltpu.sync_copy(zdeg_hbm.at[pl.ds(s * zpt, zpt)],
                            deg_sh.at[pl.ds(s * zpt, zpt)])
            pltpu.sync_copy(ones_hbm, ones_v)
        plsc.subcore_barrier()

        def idx_fetch(g, p):
            base = (g * nw + w) * GK
            pltpu.async_copy(src_hbm.at[pl.ds(base, GK)], srcg[p], sem_i[p])
            pltpu.async_copy(dst_hbm.at[pl.ds(base, GK)], dstg[p], sem_i[p])

        def idx_wait(p):
            pltpu.make_async_copy(src_hbm.at[pl.ds(0, GK)], srcg[p],
                                  sem_i[p]).wait()
            pltpu.make_async_copy(dst_hbm.at[pl.ds(0, GK)], dstg[p],
                                  sem_i[p]).wait()

        def gather(kr, pg, b):
            pltpu.async_copy(feat_hbm.at[srcg[pg].at[kr]], rows[b], sem_g[b])

        def gather_wait(b):
            pltpu.make_async_copy(feat_hbm.at[srcg[0].at[0]], rows[b],
                                  sem_g[b]).wait()

        def scatter(kr, pg, b):
            pltpu.async_copy(rows[b], acc_sh.at[dstg[pg].at[kr]], sem_s[b],
                             add=True)
            if with_deg:
                pltpu.async_copy(ones_v, deg_sh.at[dstg[pg].at[kr]],
                                 sem_d[b], add=True)

        def scatter_wait(b):
            pltpu.make_async_copy(rows[b], acc_sh.at[dstg[0].at[0]],
                                  sem_s[b]).wait()
            if with_deg:
                pltpu.make_async_copy(ones_v, deg_sh.at[dstg[0].at[0]],
                                      sem_d[b]).wait()

        nj = ng // 2
        assert cpw == 16 * nj
        idx_fetch(0, 0)
        idx_wait(0)
        gather(0, 0, 0)

        def pair_body(j, carry):
            g0 = 2 * j
            for k in range(16):
                b = k % 2
                pg = k // 8
                kr = k % 8
                gather_wait(b)
                scatter(kr, pg, b)
                if k == 15:
                    scatter_wait(0)

                    @pl.when(j < nj - 1)
                    def _():
                        idx_wait(0)
                        gather(0, 0, 0)

                    @pl.when(j == nj - 1)
                    def _():
                        scatter_wait(1)
                else:
                    if k == 7:
                        idx_wait(1)
                    if k == 0:
                        @pl.when(j > 0)
                        def _():
                            scatter_wait(1)
                    else:
                        scatter_wait((k - 1) % 2)
                    if k == 1:
                        idx_fetch(g0 + 1, 1)
                    if k == 9:
                        @pl.when(j < nj - 1)
                        def _():
                            idx_fetch(g0 + 2, 0)
                    gather((k + 1) % 8, (k + 1) // 8 % 2, (k + 1) % 2)
            return carry

        lax.fori_loop(0, nj, pair_body, 0)
        plsc.subcore_barrier()

        pltpu.sync_copy(acc_sh.at[pl.ds(s * rpt, rpt)],
                        out_hbm.at[pl.ds(c * n + s * rpt, rpt)])
        if with_deg:
            pltpu.sync_copy(deg_sh.at[pl.ds(s * rpt, rpt)],
                            deg_out.at[pl.ds(c * n + s * rpt, rpt)])

    return pl.kernel(
        body, out_type=out_type, mesh=mesh, scratch_types=scratch,
        compiler_params=pltpu.CompilerParams(use_tc_tiling_on_sc=False))


def _make_xr(n, d):
    blk = 1000
    grid = (n // blk,)

    def body(x_r, wr_r, b_r, o_r):
        o_r[...] = (jnp.dot(x_r[...], wr_r[...],
                            preferred_element_type=jnp.float32,
                            precision=lax.Precision.HIGHEST) + b_r[...])

    row_spec = pl.BlockSpec((blk, d), lambda i: (i, 0))
    full_spec = pl.BlockSpec((d, d), lambda i: (0, 0))
    bias_spec = pl.BlockSpec((1, d), lambda i: (0, 0))
    return pl.pallas_call(
        body, grid=grid,
        in_specs=[row_spec, full_spec, bias_spec],
        out_specs=row_spec,
        out_shape=jax.ShapeDtypeStruct((n, d), jnp.float32),
    )


def _make_dense(n, d, act, pad_cnt):
    blk = 2000
    assert n % blk == 0 and pad_cnt <= n
    grid = (n // blk,)
    fuse_next = act == "relu"

    def body(p0_r, p1_r, d0_r, d1_r, x_r, wl_r, xr_r, wr2_r, b2_r, o_r,
             xr2_r=None):
        base = pl.program_id(0) * blk
        rowid = base + lax.broadcasted_iota(jnp.int32, (blk, 1), 0)
        padm = (rowid < pad_cnt).astype(jnp.float32)
        deg = d0_r[:, :1] + d1_r[:, :1] - padm
        agg = (p0_r[...] + p1_r[...] - padm * x_r[...]) / jnp.maximum(deg, 1.0)
        h = (jnp.dot(agg, wl_r[...], preferred_element_type=jnp.float32,
                     precision=lax.Precision.HIGHEST)
             + xr_r[...])
        if fuse_next:
            h = jnp.maximum(h, 0.0)
            o_r[...] = h
            xr2_r[...] = (jnp.dot(h, wr2_r[...],
                                  preferred_element_type=jnp.float32,
                                  precision=lax.Precision.HIGHEST)
                          + b2_r[...])
        else:
            m = jnp.max(h, axis=1, keepdims=True)
            ex = jnp.exp(h - m)
            o_r[...] = ex / jnp.sum(ex, axis=1, keepdims=True)

    row_spec = pl.BlockSpec((blk, d), lambda i: (i, 0))
    deg_spec = pl.BlockSpec((blk, 16), lambda i: (i, 0))
    full_spec = pl.BlockSpec((d, d), lambda i: (0, 0))
    bias_spec = pl.BlockSpec((1, d), lambda i: (0, 0))
    return pl.pallas_call(
        body,
        grid=grid,
        in_specs=[row_spec, row_spec, deg_spec, deg_spec, row_spec,
                  full_spec, row_spec, full_spec, bias_spec],
        out_specs=[row_spec, row_spec] if fuse_next else [row_spec],
        out_shape=([jax.ShapeDtypeStruct((n, d), jnp.float32)] * 2
                   if fuse_next else
                   [jax.ShapeDtypeStruct((n, d), jnp.float32)]),
    )


def kernel(x, edge_index, W1_l, b1, W1_r, W2_l, b2, W2_r):
    n, d = x.shape
    e = edge_index.shape[1]
    nw = NC * NS
    quantum = CHUNK * nw * GK
    e_pad = ((e + quantum - 1) // quantum) * quantum
    src1d = jnp.concatenate(
        [edge_index[0], jnp.arange(e_pad - e, dtype=jnp.int32)])
    pad_cnt = e_pad - e
    assert pad_cnt <= n
    dst1d = jnp.concatenate(
        [edge_index[1], jnp.arange(pad_cnt, dtype=jnp.int32)])
    src2d = src1d.reshape(e_pad // CHUNK, CHUNK)
    dst2d = dst1d.reshape(e_pad // CHUNK, CHUNK)
    zacc = jnp.zeros((n, d), jnp.float32)
    zdeg = jnp.zeros((n, 16), jnp.float32)
    ones = jnp.ones((CHUNK, 16), jnp.float32)

    xr1 = _make_xr(n, d)(x, W1_r.T, b1.reshape(1, -1))
    agg1, deg = _make_aggregate(n, e_pad, d, True)(
        x, src2d, dst2d, zacc, zdeg, ones)
    d0, d1 = deg[:n], deg[n:]
    h, xr2 = _make_dense(n, d, "relu", pad_cnt)(
        agg1[:n], agg1[n:], d0, d1, x, W1_l.T, xr1, W2_r.T,
        b2.reshape(1, -1))
    agg2 = _make_aggregate(n, e_pad, d, False)(h, src2d, dst2d, zacc)
    out, = _make_dense(n, d, "softmax", pad_cnt)(
        agg2[0][:n], agg2[0][n:], d0, d1, h, W2_l.T, xr2, W2_r.T,
        b2.reshape(1, -1))
    return out

# --- scband reference (transcript-rebuilt; emitter-appended) ---
"""Pipeline reference for scband-graph-sage-8426725835327 (READ-ONLY COPY).

The authoritative reference and input builder live on the scoring server;
editing this copy changes nothing except your own understanding.
"""

import jax, jax.numpy as jnp
import numpy as np

N = 10000
E = 320000
D_IN = 128
D_H = 128
D_OUT = 128


def sage_conv(x, edge_index, W_l, b_l, W_r):
    # PyG SAGEConv (mean aggregation):
    #   out = lin_l(mean_{j in N(i)} x_j) + lin_r(x_i)
    src = edge_index[0]
    dst = edge_index[1]
    msgs = jnp.take(x, src, axis=0)                      # gather  [E, d]
    agg_sum = jax.ops.segment_sum(msgs, dst, num_segments=N)   # scatter-add [N, d]
    deg = jax.ops.segment_sum(jnp.ones((E,), dtype=x.dtype), dst, num_segments=N)
    agg = agg_sum / jnp.clip(deg, 1.0)[:, None]
    return agg @ W_l.T + b_l + x @ W_r.T


def setup_inputs(seed: int = 0) -> dict:
    key = jax.random.key(seed)
    ks = jax.random.split(key, 8)
    x = jax.random.normal(ks[0], (N, D_IN), dtype=jnp.float32)
    edge_index = jax.random.randint(ks[1], (2, E), 0, N, dtype=jnp.int32)
    W1_l = jax.random.normal(ks[2], (D_H, D_IN), dtype=jnp.float32) * 0.05
    b1 = jnp.zeros((D_H,), dtype=jnp.float32)
    W1_r = jax.random.normal(ks[3], (D_H, D_IN), dtype=jnp.float32) * 0.05
    W2_l = jax.random.normal(ks[4], (D_OUT, D_H), dtype=jnp.float32) * 0.05
    b2 = jnp.zeros((D_OUT,), dtype=jnp.float32)
    W2_r = jax.random.normal(ks[5], (D_OUT, D_H), dtype=jnp.float32) * 0.05
    return {"x": x, "edge_index": edge_index, "W1_l": W1_l, "b1": b1, "W1_r": W1_r, "W2_l": W2_l, "b2": b2, "W2_r": W2_r}


def reference(x, edge_index, W1_l, b1, W1_r, W2_l, b2, W2_r):
    h = jax.nn.relu(sage_conv(x, edge_index, W1_l, b1, W1_r))
    h = sage_conv(h, edge_index, W2_l, b2, W2_r)
    return jax.nn.softmax(h, axis=1)

if __name__ == "__main__":
    import jax
    _d = setup_inputs()
    print(jax.jit(kernel)(*tuple(_d.values())))

</pallas_src>

<mosaic_0001>
#map = affine_map<(d0, d1) -> (0, 0)>
module attributes {stable_mosaic.version = 14 : i64} {
  func.func @body(%arg0: i32, %arg1: i32, %arg2: memref<10000x128xf32, #tpu.memory_space<hbm>>, %arg3: memref<2560x128xi32, #tpu.memory_space<hbm>>, %arg4: memref<2560x128xi32, #tpu.memory_space<hbm>>, %arg5: memref<10000x128xf32, #tpu.memory_space<hbm>>, %arg6: memref<10000x16xf32, #tpu.memory_space<hbm>>, %arg7: memref<128x16xf32, #tpu.memory_space<hbm>>, %arg8: memref<20000x128xf32, #tpu.memory_space<hbm>>, %arg9: memref<20000x16xf32, #tpu.memory_space<hbm>>, %arg10: memref<8x128xi32, #tpu.memory_space<vmem>>, %arg11: memref<8x128xi32, #tpu.memory_space<vmem>>, %arg12: memref<8x128xi32, #tpu.memory_space<vmem>>, %arg13: memref<8x128xi32, #tpu.memory_space<vmem>>, %arg14: memref<128x128xf32, #tpu.memory_space<vmem>>, %arg15: memref<128x128xf32, #tpu.memory_space<vmem>>, %arg16: memref<10000x128xf32, #tpu.memory_space<vmem_shared>>, %arg17: memref<!tpu.dma_semaphore, #tpu.memory_space<semaphore_mem>>, %arg18: memref<!tpu.dma_semaphore, #tpu.memory_space<semaphore_mem>>, %arg19: memref<!tpu.dma_semaphore, #tpu.memory_space<semaphore_mem>>, %arg20: memref<!tpu.dma_semaphore, #tpu.memory_space<semaphore_mem>>, %arg21: memref<!tpu.dma_semaphore, #tpu.memory_space<semaphore_mem>>, %arg22: memref<!tpu.dma_semaphore, #tpu.memory_space<semaphore_mem>>, %arg23: memref<128x16xf32, #tpu.memory_space<vmem>>, %arg24: memref<10000x16xf32, #tpu.memory_space<vmem_shared>>, %arg25: memref<!tpu.dma_semaphore, #tpu.memory_space<semaphore_mem>>, %arg26: memref<!tpu.dma_semaphore, #tpu.memory_space<semaphore_mem>>) attributes {dimension_semantics = [#tpu.dimension_semantics<core_parallel>, #tpu.dimension_semantics<subcore_parallel>], iteration_bounds = array<i64: 2, 16>, scalar_prefetch = 0 : i64, scratch_operands = 17 : i64, tpu.core_type = #tpu.core_type<sc_vector_subcore>, window_params = [{transform_indices = #map}, {transform_indices = #map}, {transform_indices = #map}, {transform_indices = #map}, {transform_indices = #map}, {transform_indices = #map}, {transform_indices = #map}, {transform_indices = #map}]} {
    %mul3A = arith.constant 2 : i32
    %mul3A_0 = arith.muli %arg1, %mul3A : i32
    %add3A = arith.addi %mul3A_0, %arg0 : i32
    %mul3A_1 = arith.constant 625 : i32
    %mul3A_2 = arith.muli %arg1, %mul3A_1 : i32
    %mul3A_3 = arith.constant 625 : i32
    %mul3A_4 = arith.muli %arg1, %mul3A_3 : i32
    "tpu.region"() ({
      %run_scoped3A = tpu.sem_alloc : memref<!tpu.dma_semaphore, #tpu.memory_space<semaphore_mem>>
      %dma_start3A_58 = arith.constant 0 : i32
      %dma_start3A_59 = tpu.memref_slice %arg16[%mul3A_4, %dma_start3A_58] : memref<10000x128xf32, #tpu.memory_space<vmem_shared>> -> memref<625x128xf32, #tpu.memory_space<vmem_shared>>
      %dma_start3A_60 = arith.constant 0 : i32
      %dma_start3A_61 = tpu.memref_slice %arg5[%mul3A_2, %dma_start3A_60] : memref<10000x128xf32, #tpu.memory_space<hbm>> -> memref<625x128xf32, #tpu.memory_space<hbm>>
      tpu.enqueue_dma source(%dma_start3A_61 : memref<625x128xf32, #tpu.memory_space<hbm>>) target(%dma_start3A_59 : memref<625x128xf32, #tpu.memory_space<vmem_shared>>) target_semaphore(%run_scoped3A : memref<!tpu.dma_semaphore, #tpu.memory_space<semaphore_mem>>)
      %dma_wait3A_62 = arith.constant 0 : i32
      %dma_wait3A_63 = tpu.memref_slice %arg16[%mul3A_4, %dma_wait3A_62] : memref<10000x128xf32, #tpu.memory_space<vmem_shared>> -> memref<625x128xf32, #tpu.memory_space<vmem_shared>>
      %dma_wait3A_64 = arith.constant 0 : i32
      %dma_wait3A_65 = tpu.memref_slice %arg5[%mul3A_2, %dma_wait3A_64] : memref<10000x128xf32, #tpu.memory_space<hbm>> -> memref<625x128xf32, #tpu.memory_space<hbm>>
      tpu.wait_dma2 semaphore(%run_scoped3A : memref<!tpu.dma_semaphore, #tpu.memory_space<semaphore_mem>>) src(%dma_wait3A_65 : memref<625x128xf32, #tpu.memory_space<hbm>>) dst(%dma_wait3A_63 : memref<625x128xf32, #tpu.memory_space<vmem_shared>>)
      tpu.yield
    }) : () -> ()
    %mul3A_5 = arith.constant 625 : i32
    %mul3A_6 = arith.muli %arg1, %mul3A_5 : i32
    %mul3A_7 = arith.constant 625 : i32
    %mul3A_8 = arith.muli %arg1, %mul3A_7 : i32
    "tpu.region"() ({
      %run_scoped3A = tpu.sem_alloc : memref<!tpu.dma_semaphore, #tpu.memory_space<semaphore_mem>>
      %dma_start3A_58 = arith.constant 0 : i32
      %dma_start3A_59 = tpu.memref_slice %arg24[%mul3A_8, %dma_start3A_58] : memref<10000x16xf32, #tpu.memory_space<vmem_shared>> -> memref<625x16xf32, #tpu.memory_space<vmem_shared>>
      %dma_start3A_60 = arith.constant 0 : i32
      %dma_start3A_61 = tpu.memref_slice %arg6[%mul3A_6, %dma_start3A_60] : memref<10000x16xf32, #tpu.memory_space<hbm>> -> memref<625x16xf32, #tpu.memory_space<hbm>>
      tpu.enqueue_dma source(%dma_start3A_61 : memref<625x16xf32, #tpu.memory_space<hbm>>) target(%dma_start3A_59 : memref<625x16xf32, #tpu.memory_space<vmem_shared>>) target_semaphore(%run_scoped3A : memref<!tpu.dma_semaphore, #tpu.memory_space<semaphore_mem>>)
      %dma_wait3A_62 = arith.constant 0 : i32
      %dma_wait3A_63 = tpu.memref_slice %arg24[%mul3A_8, %dma_wait3A_62] : memref<10000x16xf32, #tpu.memory_space<vmem_shared>> -> memref<625x16xf32, #tpu.memory_space<vmem_shared>>
      %dma_wait3A_64 = arith.constant 0 : i32
      %dma_wait3A_65 = tpu.memref_slice %arg6[%mul3A_6, %dma_wait3A_64] : memref<10000x16xf32, #tpu.memory_space<hbm>> -> memref<625x16xf32, #tpu.memory_space<hbm>>
      tpu.wait_dma2 semaphore(%run_scoped3A : memref<!tpu.dma_semaphore, #tpu.memory_space<semaphore_mem>>) src(%dma_wait3A_65 : memref<625x16xf32, #tpu.memory_space<hbm>>) dst(%dma_wait3A_63 : memref<625x16xf32, #tpu.memory_space<vmem_shared>>)
      tpu.yield
    }) : () -> ()
    "tpu.region"() ({
      %run_scoped3A = tpu.sem_alloc : memref<!tpu.dma_semaphore, #tpu.memory_space<semaphore_mem>>
      tpu.enqueue_dma source(%arg7 : memref<128x16xf32, #tpu.memory_space<hbm>>) target(%arg23 : memref<128x16xf32, #tpu.memory_space<vmem>>) target_semaphore(%run_scoped3A : memref<!tpu.dma_semaphore, #tpu.memory_space<semaphore_mem>>)
      tpu.wait_dma2 semaphore(%run_scoped3A : memref<!tpu.dma_semaphore, #tpu.memory_space<semaphore_mem>>) src(%arg7 : memref<128x16xf32, #tpu.memory_space<hbm>>) dst(%arg23 : memref<128x16xf32, #tpu.memory_space<vmem>>)
      tpu.yield
    }) : () -> ()
    %barrier3A = arith.constant 0 : index
    tpu.barrier barrier_id(%barrier3A)
    %add3A_9 = arith.constant 0 : i32
    %add3A_10 = arith.addi %add3A_9, %add3A : i32
    %mul3A_11 = arith.constant 8 : i32
    %mul3A_12 = arith.muli %add3A_10, %mul3A_11 : i32
    %dma_start3A = arith.constant 0 : i32
    %dma_start3A_13 = tpu.memref_slice %arg3[%mul3A_12, %dma_start3A] : memref<2560x128xi32, #tpu.memory_space<hbm>> -> memref<8x128xi32, #tpu.memory_space<hbm>>
    %dma_start3A_14 = arith.constant 0 : i32
    %dma_start3A_15 = tpu.memref_slice %arg3[%mul3A_12, %dma_start3A_14] : memref<2560x128xi32, #tpu.memory_space<hbm>> -> memref<8x128xi32, #tpu.memory_space<hbm>>
    tpu.enqueue_dma source(%dma_start3A_15 : memref<8x128xi32, #tpu.memory_space<hbm>>) target(%arg10 : memref<8x128xi32, #tpu.memory_space<vmem>>) target_semaphore(%arg17 : memref<!tpu.dma_semaphore, #tpu.memory_space<semaphore_mem>>)
    %dma_start3A_16 = arith.constant 0 : i32
    %dma_start3A_17 = tpu.memref_slice %arg4[%mul3A_12, %dma_start3A_16] : memref<2560x128xi32, #tpu.memory_space<hbm>> -> memref<8x128xi32, #tpu.memory_space<hbm>>
    %dma_start3A_18 = arith.constant 0 : i32
    %dma_start3A_19 = tpu.memref_slice %arg4[%mul3A_12, %dma_start3A_18] : memref<2560x128xi32, #tpu.memory_space<hbm>> -> memref<8x128xi32, #tpu.memory_space<hbm>>
    tpu.enqueue_dma source(%dma_start3A_19 : memref<8x128xi32, #tpu.memory_space<hbm>>) target(%arg12 : memref<8x128xi32, #tpu.memory_space<vmem>>) target_semaphore(%arg17 : memref<!tpu.dma_semaphore, #tpu.memory_space<semaphore_mem>>)
    %dma_wait3A = arith.constant 0 : i32
    %dma_wait3A_20 = arith.constant 0 : i32
    %dma_wait3A_21 = tpu.memref_slice %arg3[%dma_wait3A, %dma_wait3A_20] : memref<2560x128xi32, #tpu.memory_space<hbm>> -> memref<8x128xi32, #tpu.memory_space<hbm>>
    %dma_wait3A_22 = arith.constant 0 : i32
    %dma_wait3A_23 = arith.constant 0 : i32
    %dma_wait3A_24 = tpu.memref_slice %arg3[%dma_wait3A_22, %dma_wait3A_23] : memref<2560x128xi32, #tpu.memory_space<hbm>> -> memref<8x128xi32, #tpu.memory_space<hbm>>
    tpu.wait_dma2 semaphore(%arg17 : memref<!tpu.dma_semaphore, #tpu.memory_space<semaphore_mem>>) src(%dma_wait3A_24 : memref<8x128xi32, #tpu.memory_space<hbm>>) dst(%arg10 : memref<8x128xi32, #tpu.memory_space<vmem>>)
    %dma_wait3A_25 = arith.constant 0 : i32
    %dma_wait3A_26 = arith.constant 0 : i32
    %dma_wait3A_27 = tpu.memref_slice %arg4[%dma_wait3A_25, %dma_wait3A_26] : memref<2560x128xi32, #tpu.memory_space<hbm>> -> memref<8x128xi32, #tpu.memory_space<hbm>>
    %dma_wait3A_28 = arith.constant 0 : i32
    %dma_wait3A_29 = arith.constant 0 : i32
    %dma_wait3A_30 = tpu.memref_slice %arg4[%dma_wait3A_28, %dma_wait3A_29] : memref<2560x128xi32, #tpu.memory_space<hbm>> -> memref<8x128xi32, #tpu.memory_space<hbm>>
    tpu.wait_dma2 semaphore(%arg17 : memref<!tpu.dma_semaphore, #tpu.memory_space<semaphore_mem>>) src(%dma_wait3A_30 : memref<8x128xi32, #tpu.memory_space<hbm>>) dst(%arg12 : memref<8x128xi32, #tpu.memory_space<vmem>>)
    %dma_start3A_31 = arith.constant 0 : i32
    %dma_start3A_32 = arith.constant 0 : i32
    %dma_start3A_33 = tpu.memref_slice %arg10[%dma_start3A_31, %dma_start3A_32] : memref<8x128xi32, #tpu.memory_space<vmem>> -> memref<1x128xi32, #tpu.memory_space<vmem>>
    %dma_start3A_34 = tpu.memref_squeeze %dma_start3A_33 : memref<1x128xi32, #tpu.memory_space<vmem>> -> memref<128xi32, #tpu.memory_space<vmem>>
    %dma_start3A_35 = arith.constant 0 : i32
    %dma_start3A_36 = arith.constant 0 : i32
    %dma_start3A_37 = tpu.memref_slice %arg2[%dma_start3A_35, %dma_start3A_36] : memref<10000x128xf32, #tpu.memory_space<hbm>> -> memref<10000x128xf32, #tpu.memory_space<hbm>>
    tpu.enqueue_indirect_dma source(%dma_start3A_37 : memref<10000x128xf32, #tpu.memory_space<hbm>>) target(%arg14 : memref<128x128xf32, #tpu.memory_space<vmem>>) offsets(%dma_start3A_34 : memref<128xi32, #tpu.memory_space<vmem>>) semaphore(%arg19 : memref<!tpu.dma_semaphore, #tpu.memory_space<semaphore_mem>>)
    %scan3A = arith.constant 0 : i32
    %scan3A_38 = arith.constant 0 : i32
    %scan3A_39 = arith.constant 5 : i32
    %scan3A_40 = arith.addi %scan3A_38, %scan3A_39 : i32
    %scan3A_41 = arith.constant 1 : i32
    scf.for %scan3A_58 = %scan3A_38 to %scan3A_40 step %scan3A_41  : i32 {
      %mul3A_59 = arith.constant 2 : i32
      %mul3A_60 = arith.muli %mul3A_59, %scan3A_58 : i32
      %dma_wait3A_61 = arith.constant 0 : i32
      %dma_wait3A_62 = arith.constant 0 : i32
      %dma_wait3A_63 = tpu.memref_slice %arg10[%dma_wait3A_61, %dma_wait3A_62] : memref<8x128xi32, #tpu.memory_space<vmem>> -> memref<1x128xi32, #tpu.memory_space<vmem>>
      %dma_wait3A_64 = tpu.memref_squeeze %dma_wait3A_63 : memref<1x128xi32, #tpu.memory_space<vmem>> -> memref<128xi32, #tpu.memory_space<vmem>>
      %dma_wait3A_65 = arith.constant 0 : i32
      %dma_wait3A_66 = arith.constant 0 : i32
      %dma_wait3A_67 = tpu.memref_slice %arg2[%dma_wait3A_65, %dma_wait3A_66] : memref<10000x128xf32, #tpu.memory_space<hbm>> -> memref<10000x128xf32, #tpu.memory_space<hbm>>
      tpu.wait_indirect_dma semaphore(%arg19 : memref<!tpu.dma_semaphore, #tpu.memory_space<semaphore_mem>>) src(%dma_wait3A_67 : memref<10000x128xf32, #tpu.memory_space<hbm>>) dst(%arg14 : memref<128x128xf32, #tpu.memory_space<vmem>>)
      %dma_start3A_68 = arith.constant 0 : i32
      %dma_start3A_69 = arith.constant 0 : i32
      %dma_start3A_70 = tpu.memref_slice %arg12[%dma_start3A_68, %dma_start3A_69] : memref<8x128xi32, #tpu.memory_space<vmem>> -> memref<1x128xi32, #tpu.memory_space<vmem>>
      %dma_start3A_71 = tpu.memref_squeeze %dma_start3A_70 : memref<1x128xi32, #tpu.memory_space<vmem>> -> memref<128xi32, #tpu.memory_space<vmem>>
      %dma_start3A_72 = arith.constant 0 : i32
      %dma_start3A_73 = arith.constant 0 : i32
      %dma_start3A_74 = tpu.memref_slice %arg16[%dma_start3A_72, %dma_start3A_73] : memref<10000x128xf32, #tpu.memory_space<vmem_shared>> -> memref<10000x128xf32, #tpu.memory_space<vmem_shared>>
      tpu.enqueue_indirect_dma source(%arg14 : memref<128x128xf32, #tpu.memory_space<vmem>>) target(%dma_start3A_74 : memref<10000x128xf32, #tpu.memory_space<vmem_shared>>) offsets(%dma_start3A_71 : memref<128xi32, #tpu.memory_space<vmem>>) semaphore(%arg21 : memref<!tpu.dma_semaphore, #tpu.memory_space<semaphore_mem>>) {add = true}
      %dma_start3A_75 = arith.constant 0 : i32
      %dma_start3A_76 = arith.constant 0 : i32
      %dma_start3A_77 = tpu.memref_slice %arg12[%dma_start3A_75, %dma_start3A_76] : memref<8x128xi32, #tpu.memory_space<vmem>> -> memref<1x128xi32, #tpu.memory_space<vmem>>
      %dma_start3A_78 = tpu.memref_squeeze %dma_start3A_77 : memref<1x128xi32, #tpu.memory_space<vmem>> -> memref<128xi32, #tpu.memory_space<vmem>>
      %dma_start3A_79 = arith.constant 0 : i32
      %dma_start3A_80 = arith.constant 0 : i32
      %dma_start3A_81 = tpu.memref_slice %arg24[%dma_start3A_79, %dma_start3A_80] : memref<10000x16xf32, #tpu.memory_space<vmem_shared>> -> memref<10000x16xf32, #tpu.memory_space<vmem_shared>>
      tpu.enqueue_indirect_dma source(%arg23 : memref<128x16xf32, #tpu.memory_space<vmem>>) target(%dma_start3A_81 : memref<10000x16xf32, #tpu.memory_space<vmem_shared>>) offsets(%dma_start3A_78 : memref<128xi32, #tpu.memory_space<vmem>>) semaphore(%arg25 : memref<!tpu.dma_semaphore, #tpu.memory_space<semaphore_mem>>) {add = true}
      %gt3A = arith.constant 0 : i32
      %gt3A_82 = arith.cmpi sgt, %scan3A_58, %gt3A : i32
      %convert_element_type3A = arith.extui %gt3A_82 : i1 to i32
      %cond3A = arith.constant 0 : i32
      %cond3A_83 = arith.cmpi ne, %convert_element_type3A, %cond3A : i32
      scf.if %cond3A_83 {
        %dma_wait3A_754 = arith.constant 0 : i32
        %dma_wait3A_755 = arith.constant 0 : i32
        %dma_wait3A_756 = tpu.memref_slice %arg12[%dma_wait3A_754, %dma_wait3A_755] : memref<8x128xi32, #tpu.memory_space<vmem>> -> memref<1x128xi32, #tpu.memory_space<vmem>>
        %dma_wait3A_757 = tpu.memref_squeeze %dma_wait3A_756 : memref<1x128xi32, #tpu.memory_space<vmem>> -> memref<128xi32, #tpu.memory_space<vmem>>
        %dma_wait3A_758 = arith.constant 0 : i32
        %dma_wait3A_759 = arith.constant 0 : i32
        %dma_wait3A_760 = tpu.memref_slice %arg16[%dma_wait3A_758, %dma_wait3A_759] : memref<10000x128xf32, #tpu.memory_space<vmem_shared>> -> memref<10000x128xf32, #tpu.memory_space<vmem_shared>>
        tpu.wait_indirect_dma semaphore(%arg22 : memref<!tpu.dma_semaphore, #tpu.memory_space<semaphore_mem>>) src(%arg15 : memref<128x128xf32, #tpu.memory_space<vmem>>) dst(%dma_wait3A_760 : memref<10000x128xf32, #tpu.memory_space<vmem_shared>>)
        %dma_wait3A_761 = arith.constant 0 : i32
        %dma_wait3A_762 = arith.constant 0 : i32
        %dma_wait3A_763 = tpu.memref_slice %arg12[%dma_wait3A_761, %dma_wait3A_762] : memref<8x128xi32, #tpu.memory_space<vmem>> -> memref<1x128xi32, #tpu.memory_space<vmem>>
        %dma_wait3A_764 = tpu.memref_squeeze %dma_wait3A_763 : memref<1x128xi32, #tpu.memory_space<vmem>> -> memref<128xi32, #tpu.memory_space<vmem>>
        %dma_wait3A_765 = arith.constant 0 : i32
        %dma_wait3A_766 = arith.constant 0 : i32
        %dma_wait3A_767 = tpu.memref_slice %arg24[%dma_wait3A_765, %dma_wait3A_766] : memref<10000x16xf32, #tpu.memory_space<vmem_shared>> -> memref<10000x16xf32, #tpu.memory_space<vmem_shared>>
        tpu.wait_indirect_dma semaphore(%arg26 : memref<!tpu.dma_semaphore, #tpu.memory_space<semaphore_mem>>) src(%arg23 : memref<128x16xf32, #tpu.memory_space<vmem>>) dst(%dma_wait3A_767 : memref<10000x16xf32, #tpu.memory_space<vmem_shared>>)
      } else {
      }
      %dma_start3A_84 = arith.constant 1 : i32
      %dma_start3A_85 = arith.constant 0 : i32
      %dma_start3A_86 = tpu.memref_slice %arg10[%dma_start3A_84, %dma_start3A_85] : memref<8x128xi32, #tpu.memory_space<vmem>> -> memref<1x128xi32, #tpu.memory_space<vmem>>
      %dma_start3A_87 = tpu.memref_squeeze %dma_start3A_86 : memref<1x128xi32, #tpu.memory_space<vmem>> -> memref<128xi32, #tpu.memory_space<vmem>>
      %dma_start3A_88 = arith.constant 0 : i32
      %dma_start3A_89 = arith.constant 0 : i32
      %dma_start3A_90 = tpu.memref_slice %arg2[%dma_start3A_88, %dma_start3A_89] : memref<10000x128xf32, #tpu.memory_space<hbm>> -> memref<10000x128xf32, #tpu.memory_space<hbm>>
      tpu.enqueue_indirect_dma source(%dma_start3A_90 : memref<10000x128xf32, #tpu.memory_space<hbm>>) target(%arg15 : memref<128x128xf32, #tpu.memory_space<vmem>>) offsets(%dma_start3A_87 : memref<128xi32, #tpu.memory_space<vmem>>) semaphore(%arg20 : memref<!tpu.dma_semaphore, #tpu.memory_space<semaphore_mem>>)
      %dma_wait3A_91 = arith.constant 0 : i32
      %dma_wait3A_92 = arith.constant 0 : i32
      %dma_wait3A_93 = tpu.memref_slice %arg10[%dma_wait3A_91, %dma_wait3A_92] : memref<8x128xi32, #tpu.memory_space<vmem>> -> memref<1x128xi32, #tpu.memory_space<vmem>>
      %dma_wait3A_94 = tpu.memref_squeeze %dma_wait3A_93 : memref<1x128xi32, #tpu.memory_space<vmem>> -> memref<128xi32, #tpu.memory_space<vmem>>
      %dma_wait3A_95 = arith.constant 0 : i32
      %dma_wait3A_96 = arith.constant 0 : i32
      %dma_wait3A_97 = tpu.memref_slice %arg2[%dma_wait3A_95, %dma_wait3A_96] : memref<10000x128xf32, #tpu.memory_space<hbm>> -> memref<10000x128xf32, #tpu.memory_space<hbm>>
      tpu.wait_indirect_dma semaphore(%arg20 : memref<!tpu.dma_semaphore, #tpu.memory_space<semaphore_mem>>) src(%dma_wait3A_97 : memref<10000x128xf32, #tpu.memory_space<hbm>>) dst(%arg15 : memref<128x128xf32, #tpu.memory_space<vmem>>)
      %dma_start3A_98 = arith.constant 1 : i32
      %dma_start3A_99 = arith.constant 0 : i32
      %dma_start3A_100 = tpu.memref_slice %arg12[%dma_start3A_98, %dma_start3A_99] : memref<8x128xi32, #tpu.memory_space<vmem>> -> memref<1x128xi32, #tpu.memory_space<vmem>>
      %dma_start3A_101 = tpu.memref_squeeze %dma_start3A_100 : memref<1x128xi32, #tpu.memory_space<vmem>> -> memref<128xi32, #tpu.memory_space<vmem>>
      %dma_start3A_102 = arith.constant 0 : i32
      %dma_start3A_103 = arith.constant 0 : i32
      %dma_start3A_104 = tpu.memref_slice %arg16[%dma_start3A_102, %dma_start3A_103] : memref<10000x128xf32, #tpu.memory_space<vmem_shared>> -> memref<10000x128xf32, #tpu.memory_space<vmem_shared>>
      tpu.enqueue_indirect_dma source(%arg15 : memref<128x128xf32, #tpu.memory_space<vmem>>) target(%dma_start3A_104 : memref<10000x128xf32, #tpu.memory_space<vmem_shared>>) offsets(%dma_start3A_101 : memref<128xi32, #tpu.memory_space<vmem>>) semaphore(%arg22 : memref<!tpu.dma_semaphore, #tpu.memory_space<semaphore_mem>>) {add = true}
      %dma_start3A_105 = arith.constant 1 : i32
      %dma_start3A_106 = arith.constant 0 : i32
      %dma_start3A_107 = tpu.memref_slice %arg12[%dma_start3A_105, %dma_start3A_106] : memref<8x128xi32, #tpu.memory_space<vmem>> -> memref<1x128xi32, #tpu.memory_space<vmem>>
      %dma_start3A_108 = tpu.memref_squeeze %dma_start3A_107 : memref<1x128xi32, #tpu.memory_space<vmem>> -> memref<128xi32, #tpu.memory_space<vmem>>
      %dma_start3A_109 = arith.constant 0 : i32
      %dma_start3A_110 = arith.constant 0 : i32
      %dma_start3A_111 = tpu.memref_slice %arg24[%dma_start3A_109, %dma_start3A_110] : memref<10000x16xf32, #tpu.memory_space<vmem_shared>> -> memref<10000x16xf32, #tpu.memory_space<vmem_shared>>
      tpu.enqueue_indirect_dma source(%arg23 : memref<128x16xf32, #tpu.memory_space<vmem>>) target(%dma_start3A_111 : memref<10000x16xf32, #tpu.memory_space<vmem_shared>>) offsets(%dma_start3A_108 : memref<128xi32, #tpu.memory_space<vmem>>) semaphore(%arg26 : memref<!tpu.dma_semaphore, #tpu.memory_space<semaphore_mem>>) {add = true}
      %dma_wait3A_112 = arith.constant 0 : i32
      %dma_wait3A_113 = arith.constant 0 : i32
      %dma_wait3A_114 = tpu.memref_slice %arg12[%dma_wait3A_112, %dma_wait3A_113] : memref<8x128xi32, #tpu.memory_space<vmem>> -> memref<1x128xi32, #tpu.memory_space<vmem>>
      %dma_wait3A_115 = tpu.memref_squeeze %dma_wait3A_114 : memref<1x128xi32, #tpu.memory_space<vmem>> -> memref<128xi32, #tpu.memory_space<vmem>>
      %dma_wait3A_116 = arith.constant 0 : i32
      %dma_wait3A_117 = arith.constant 0 : i32
      %dma_wait3A_118 = tpu.memref_slice %arg16[%dma_wait3A_116, %dma_wait3A_117] : memref<10000x128xf32, #tpu.memory_space<vmem_shared>> -> memref<10000x128xf32, #tpu.memory_space<vmem_shared>>
      tpu.wait_indirect_dma semaphore(%arg21 : memref<!tpu.dma_semaphore, #tpu.memory_space<semaphore_mem>>) src(%arg14 : memref<128x128xf32, #tpu.memory_space<vmem>>) dst(%dma_wait3A_118 : memref<10000x128xf32, #tpu.memory_space<vmem_shared>>)
      %dma_wait3A_119 = arith.constant 0 : i32
      %dma_wait3A_120 = arith.constant 0 : i32
      %dma_wait3A_121 = tpu.memref_slice %arg12[%dma_wait3A_119, %dma_wait3A_120] : memref<8x128xi32, #tpu.memory_space<vmem>> -> memref<1x128xi32, #tpu.memory_space<vmem>>
      %dma_wait3A_122 = tpu.memref_squeeze %dma_wait3A_121 : memref<1x128xi32, #tpu.memory_space<vmem>> -> memref<128xi32, #tpu.memory_space<vmem>>
      %dma_wait3A_123 = arith.constant 0 : i32
      %dma_wait3A_124 = arith.constant 0 : i32
      %dma_wait3A_125 = tpu.memref_slice %arg24[%dma_wait3A_123, %dma_wait3A_124] : memref<10000x16xf32, #tpu.memory_space<vmem_shared>> -> memref<10000x16xf32, #tpu.memory_space<vmem_shared>>
      tpu.wait_indirect_dma semaphore(%arg25 : memref<!tpu.dma_semaphore, #tpu.memory_space<semaphore_mem>>) src(%arg23 : memref<128x16xf32, #tpu.memory_space<vmem>>) dst(%dma_wait3A_125 : memref<10000x16xf32, #tpu.memory_space<vmem_shared>>)
      %add3A_126 = arith.constant 1 : i32
      %add3A_127 = arith.addi %mul3A_60, %add3A_126 : i32
      %mul3A_128 = arith.constant 32 : i32
      %mul3A_129 = arith.muli %add3A_127, %mul3A_128 : i32
      %add3A_130 = arith.addi %mul3A_129, %add3A : i32
      %mul3A_131 = arith.constant 8 : i32
      %mul3A_132 = arith.muli %add3A_130, %mul3A_131 : i32
      %dma_start3A_133 = arith.constant 0 : i32
      %dma_start3A_134 = tpu.memref_slice %arg3[%mul3A_132, %dma_start3A_133] : memref<2560x128xi32, #tpu.memory_space<hbm>> -> memref<8x128xi32, #tpu.memory_space<hbm>>
      %dma_start3A_135 = arith.constant 0 : i32
      %dma_start3A_136 = tpu.memref_slice %arg3[%mul3A_132, %dma_start3A_135] : memref<2560x128xi32, #tpu.memory_space<hbm>> -> memref<8x128xi32, #tpu.memory_space<hbm>>
      tpu.enqueue_dma source(%dma_start3A_136 : memref<8x128xi32, #tpu.memory_space<hbm>>) target(%arg11 : memref<8x128xi32, #tpu.memory_space<vmem>>) target_semaphore(%arg18 : memref<!tpu.dma_semaphore, #tpu.memory_space<semaphore_mem>>)
      %dma_start3A_137 = arith.constant 0 : i32
      %dma_start3A_138 = tpu.memref_slice %arg4[%mul3A_132, %dma_start3A_137] : memref<2560x128xi32, #tpu.memory_space<hbm>> -> memref<8x128xi32, #tpu.memory_space<hbm>>
      %dma_start3A_139 = arith.constant 0 : i32
      %dma_start3A_140 = tpu.memref_slice %arg4[%mul3A_132, %dma_start3A_139] : memref<2560x128xi32, #tpu.memory_space<hbm>> -> memref<8x128xi32, #tpu.memory_space<hbm>>
      tpu.enqueue_dma source(%dma_start3A_140 : memref<8x128xi32, #tpu.memory_space<hbm>>) target(%arg13 : memref<8x128xi32, #tpu.memory_space<vmem>>) target_semaphore(%arg18 : memref<!tpu.dma_semaphore, #tpu.memory_space<semaphore_mem>>)
      %dma_start3A_141 = arith.constant 2 : i32
      %dma_start3A_142 = arith.constant 0 : i32
      %dma_start3A_143 = tpu.memref_slice %arg10[%dma_start3A_141, %dma_start3A_142] : memref<8x128xi32, #tpu.memory_space<vmem>> -> memref<1x128xi32, #tpu.memory_space<vmem>>
      %dma_start3A_144 = tpu.memref_squeeze %dma_start3A_143 : memref<1x128xi32, #tpu.memory_space<vmem>> -> memref<128xi32, #tpu.memory_space<vmem>>
      %dma_start3A_145 = arith.constant 0 : i32
      %dma_start3A_146 = arith.constant 0 : i32
      %dma_start3A_147 = tpu.memref_slice %arg2[%dma_start3A_145, %dma_start3A_146] : memref<10000x128xf32, #tpu.memory_space<hbm>> -> memref<10000x128xf32, #tpu.memory_space<hbm>>
      tpu.enqueue_indirect_dma source(%dma_start3A_147 : memref<10000x128xf32, #tpu.memory_space<hbm>>) target(%arg14 : memref<128x128xf32, #tpu.memory_space<vmem>>) offsets(%dma_start3A_144 : memref<128xi32, #tpu.memory_space<vmem>>) semaphore(%arg19 : memref<!tpu.dma_semaphore, #tpu.memory_space<semaphore_mem>>)
      %dma_wait3A_148 = arith.constant 0 : i32
      %dma_wait3A_149 = arith.constant 0 : i32
      %dma_wait3A_150 = tpu.memref_slice %arg10[%dma_wait3A_148, %dma_wait3A_149] : memref<8x128xi32, #tpu.memory_space<vmem>> -> memref<1x128xi32, #tpu.memory_space<vmem>>
      %dma_wait3A_151 = tpu.memref_squeeze %dma_wait3A_150 : memref<1x128xi32, #tpu.memory_space<vmem>> -> memref<128xi32, #tpu.memory_space<vmem>>
      %dma_wait3A_152 = arith.constant 0 : i32
      %dma_wait3A_153 = arith.constant 0 : i32
      %dma_wait3A_154 = tpu.memref_slice %arg2[%dma_wait3A_152, %dma_wait3A_153] : memref<10000x128xf32, #tpu.memory_space<hbm>> -> memref<10000x128xf32, #tpu.memory_space<hbm>>
      tpu.wait_indirect_dma semaphore(%arg19 : memref<!tpu.dma_semaphore, #tpu.memory_space<semaphore_mem>>) src(%dma_wait3A_154 : memref<10000x128xf32, #tpu.memory_space<hbm>>) dst(%arg14 : memref<128x128xf32, #tpu.memory_space<vmem>>)
      %dma_start3A_155 = arith.constant 2 : i32
      %dma_start3A_156 = arith.constant 0 : i32
      %dma_start3A_157 = tpu.memref_slice %arg12[%dma_start3A_155, %dma_start3A_156] : memref<8x128xi32, #tpu.memory_space<vmem>> -> memref<1x128xi32, #tpu.memory_space<vmem>>
      %dma_start3A_158 = tpu.memref_squeeze %dma_start3A_157 : memref<1x128xi32, #tpu.memory_space<vmem>> -> memref<128xi32, #tpu.memory_space<vmem>>
      %dma_start3A_159 = arith.constant 0 : i32
      %dma_start3A_160 = arith.constant 0 : i32
      %dma_start3A_161 = tpu.memref_slice %arg16[%dma_start3A_159, %dma_start3A_160] : memref<10000x128xf32, #tpu.memory_space<vmem_shared>> -> memref<10000x128xf32, #tpu.memory_space<vmem_shared>>
      tpu.enqueue_indirect_dma source(%arg14 : memref<128x128xf32, #tpu.memory_space<vmem>>) target(%dma_start3A_161 : memref<10000x128xf32, #tpu.memory_space<vmem_shared>>) offsets(%dma_start3A_158 : memref<128xi32, #tpu.memory_space<vmem>>) semaphore(%arg21 : memref<!tpu.dma_semaphore, #tpu.memory_space<semaphore_mem>>) {add = true}
      %dma_start3A_162 = arith.constant 2 : i32
      %dma_start3A_163 = arith.constant 0 : i32
      %dma_start3A_164 = tpu.memref_slice %arg12[%dma_start3A_162, %dma_start3A_163] : memref<8x128xi32, #tpu.memory_space<vmem>> -> memref<1x128xi32, #tpu.memory_space<vmem>>
      %dma_start3A_165 = tpu.memref_squeeze %dma_start3A_164 : memref<1x128xi32, #tpu.memory_space<vmem>> -> memref<128xi32, #tpu.memory_space<vmem>>
      %dma_start3A_166 = arith.constant 0 : i32
      %dma_start3A_167 = arith.constant 0 : i32
      %dma_start3A_168 = tpu.memref_slice %arg24[%dma_start3A_166, %dma_start3A_167] : memref<10000x16xf32, #tpu.memory_space<vmem_shared>> -> memref<10000x16xf32, #tpu.memory_space<vmem_shared>>
      tpu.enqueue_indirect_dma source(%arg23 : memref<128x16xf32, #tpu.memory_space<vmem>>) target(%dma_start3A_168 : memref<10000x16xf32, #tpu.memory_space<vmem_shared>>) offsets(%dma_start3A_165 : memref<128xi32, #tpu.memory_space<vmem>>) semaphore(%arg25 : memref<!tpu.dma_semaphore, #tpu.memory_space<semaphore_mem>>) {add = true}
      %dma_wait3A_169 = arith.constant 0 : i32
      %dma_wait3A_170 = arith.constant 0 : i32
      %dma_wait3A_171 = tpu.memref_slice %arg12[%dma_wait3A_169, %dma_wait3A_170] : memref<8x128xi32, #tpu.memory_space<vmem>> -> memref<1x128xi32, #tpu.memory_space<vmem>>
      %dma_wait3A_172 = tpu.memref_squeeze %dma_wait3A_171 : memref<1x128xi32, #tpu.memory_space<vmem>> -> memref<128xi32, #tpu.memory_space<vmem>>
      %dma_wait3A_173 = arith.constant 0 : i32
      %dma_wait3A_174 = arith.constant 0 : i32
      %dma_wait3A_175 = tpu.memref_slice %arg16[%dma_wait3A_173, %dma_wait3A_174] : memref<10000x128xf32, #tpu.memory_space<vmem_shared>> -> memref<10000x128xf32, #tpu.memory_space<vmem_shared>>
      tpu.wait_indirect_dma semaphore(%arg22 : memref<!tpu.dma_semaphore, #tpu.memory_space<semaphore_mem>>) src(%arg15 : memref<128x128xf32, #tpu.memory_space<vmem>>) dst(%dma_wait3A_175 : memref<10000x128xf32, #tpu.memory_space<vmem_shared>>)
      %dma_wait3A_176 = arith.constant 0 : i32
      %dma_wait3A_177 = arith.constant 0 : i32
      %dma_wait3A_178 = tpu.memref_slice %arg12[%dma_wait3A_176, %dma_wait3A_177] : memref<8x128xi32, #tpu.memory_space<vmem>> -> memref<1x128xi32, #tpu.memory_space<vmem>>
      %dma_wait3A_179 = tpu.memref_squeeze %dma_wait3A_178 : memref<1x128xi32, #tpu.memory_space<vmem>> -> memref<128xi32, #tpu.memory_space<vmem>>
      %dma_wait3A_180 = arith.constant 0 : i32
      %dma_wait3A_181 = arith.constant 0 : i32
      %dma_wait3A_182 = tpu.memref_slice %arg24[%dma_wait3A_180, %dma_wait3A_181] : memref<10000x16xf32, #tpu.memory_space<vmem_shared>> -> memref<10000x16xf32, #tpu.memory_space<vmem_shared>>
      tpu.wait_indirect_dma semaphore(%arg26 : memref<!tpu.dma_semaphore, #tpu.memory_space<semaphore_mem>>) src(%arg23 : memref<128x16xf32, #tpu.memory_space<vmem>>) dst(%dma_wait3A_182 : memref<10000x16xf32, #tpu.memory_space<vmem_shared>>)
      %dma_start3A_183 = arith.constant 3 : i32
      %dma_start3A_184 = arith.constant 0 : i32
      %dma_start3A_185 = tpu.memref_slice %arg10[%dma_start3A_183, %dma_start3A_184] : memref<8x128xi32, #tpu.memory_space<vmem>> -> memref<1x128xi32, #tpu.memory_space<vmem>>
      %dma_start3A_186 = tpu.memref_squeeze %dma_start3A_185 : memref<1x128xi32, #tpu.memory_space<vmem>> -> memref<128xi32, #tpu.memory_space<vmem>>
      %dma_start3A_187 = arith.constant 0 : i32
      %dma_start3A_188 = arith.constant 0 : i32
      %dma_start3A_189 = tpu.memref_slice %arg2[%dma_start3A_187, %dma_start3A_188] : memref<10000x128xf32, #tpu.memory_space<hbm>> -> memref<10000x128xf32, #tpu.memory_space<hbm>>
      tpu.enqueue_indirect_dma source(%dma_start3A_189 : memref<10000x128xf32, #tpu.memory_space<hbm>>) target(%arg15 : memref<128x128xf32, #tpu.memory_space<vmem>>) offsets(%dma_start3A_186 : memref<128xi32, #tpu.memory_space<vmem>>) semaphore(%arg20 : memref<!tpu.dma_semaphore, #tpu.memory_space<semaphore_mem>>)
      %dma_wait3A_190 = arith.constant 0 : i32
      %dma_wait3A_191 = arith.constant 0 : i32
      %dma_wait3A_192 = tpu.memref_slice %arg10[%dma_wait3A_190, %dma_wait3A_191] : memref<8x128xi32, #tpu.memory_space<vmem>> -> memref<1x128xi32, #tpu.memory_space<vmem>>
      %dma_wait3A_193 = tpu.memref_squeeze %dma_wait3A_192 : memref<1x128xi32, #tpu.memory_space<vmem>> -> memref<128xi32, #tpu.memory_space<vmem>>
      %dma_wait3A_194 = arith.constant 0 : i32
      %dma_wait3A_195 = arith.constant 0 : i32
      %dma_wait3A_196 = tpu.memref_slice %arg2[%dma_wait3A_194, %dma_wait3A_195] : memref<10000x128xf32, #tpu.memory_space<hbm>> -> memref<10000x128xf32, #tpu.memory_space<hbm>>
      tpu.wait_indirect_dma semaphore(%arg20 : memref<!tpu.dma_semaphore, #tpu.memory_space<semaphore_mem>>) src(%dma_wait3A_196 : memref<10000x128xf32, #tpu.memory_space<hbm>>) dst(%arg15 : memref<128x128xf32, #tpu.memory_space<vmem>>)
      %dma_start3A_197 = arith.constant 3 : i32
      %dma_start3A_198 = arith.constant 0 : i32
      %dma_start3A_199 = tpu.memref_slice %arg12[%dma_start3A_197, %dma_start3A_198] : memref<8x128xi32, #tpu.memory_space<vmem>> -> memref<1x128xi32, #tpu.memory_space<vmem>>
      %dma_start3A_200 = tpu.memref_squeeze %dma_start3A_199 : memref<1x128xi32, #tpu.memory_space<vmem>> -> memref<128xi32, #tpu.memory_space<vmem>>
      %dma_start3A_201 = arith.constant 0 : i32
      %dma_start3A_202 = arith.constant 0 : i32
      %dma_start3A_203 = tpu.memref_slice %arg16[%dma_start3A_201, %dma_start3A_202] : memref<10000x128xf32, #tpu.memory_space<vmem_shared>> -> memref<10000x128xf32, #tpu.memory_space<vmem_shared>>
      tpu.enqueue_indirect_dma source(%arg15 : memref<128x128xf32, #tpu.memory_space<vmem>>) target(%dma_start3A_203 : memref<10000x128xf32, #tpu.memory_space<vmem_shared>>) offsets(%dma_start3A_200 : memref<128xi32, #tpu.memory_space<vmem>>) semaphore(%arg22 : memref<!tpu.dma_semaphore, #tpu.memory_space<semaphore_mem>>) {add = true}
      %dma_start3A_204 = arith.constant 3 : i32
      %dma_start3A_205 = arith.constant 0 : i32
      %dma_start3A_206 = tpu.memref_slice %arg12[%dma_start3A_204, %dma_start3A_205] : memref<8x128xi32, #tpu.memory_space<vmem>> -> memref<1x128xi32, #tpu.memory_space<vmem>>
      %dma_start3A_207 = tpu.memref_squeeze %dma_start3A_206 : memref<1x128xi32, #tpu.memory_space<vmem>> -> memref<128xi32, #tpu.memory_space<vmem>>
      %dma_start3A_208 = arith.constant 0 : i32
      %dma_start3A_209 = arith.constant 0 : i32
      %dma_start3A_210 = tpu.memref_slice %arg24[%dma_start3A_208, %dma_start3A_209] : memref<10000x16xf32, #tpu.memory_space<vmem_shared>> -> memref<10000x16xf32, #tpu.memory_space<vmem_shared>>
      tpu.enqueue_indirect_dma source(%arg23 : memref<128x16xf32, #tpu.memory_space<vmem>>) target(%dma_start3A_210 : memref<10000x16xf32, #tpu.memory_space<vmem_shared>>) offsets(%dma_start3A_207 : memref<128xi32, #tpu.memory_space<vmem>>) semaphore(%arg26 : memref<!tpu.dma_semaphore, #tpu.memory_space<semaphore_mem>>) {add = true}
      %dma_wait3A_211 = arith.constant 0 : i32
      %dma_wait3A_212 = arith.constant 0 : i32
      %dma_wait3A_213 = tpu.memref_slice %arg12[%dma_wait3A_211, %dma_wait3A_212] : memref<8x128xi32, #tpu.memory_space<vmem>> -> memref<1x128xi32, #tpu.memory_space<vmem>>
      %dma_wait3A_214 = tpu.memref_squeeze %dma_wait3A_213 : memref<1x128xi32, #tpu.memory_space<vmem>> -> memref<128xi32, #tpu.memory_space<vmem>>
      %dma_wait3A_215 = arith.constant 0 : i32
      %dma_wait3A_216 = arith.constant 0 : i32
      %dma_wait3A_217 = tpu.memref_slice %arg16[%dma_wait3A_215, %dma_wait3A_216] : memref<10000x128xf32, #tpu.memory_space<vmem_shared>> -> memref<10000x128xf32, #tpu.memory_space<vmem_shared>>
      tpu.wait_indirect_dma semaphore(%arg21 : memref<!tpu.dma_semaphore, #tpu.memory_space<semaphore_mem>>) src(%arg14 : memref<128x128xf32, #tpu.memory_space<vmem>>) dst(%dma_wait3A_217 : memref<10000x128xf32, #tpu.memory_space<vmem_shared>>)
      %dma_wait3A_218 = arith.constant 0 : i32
      %dma_wait3A_219 = arith.constant 0 : i32
      %dma_wait3A_220 = tpu.memref_slice %arg12[%dma_wait3A_218, %dma_wait3A_219] : memref<8x128xi32, #tpu.memory_space<vmem>> -> memref<1x128xi32, #tpu.memory_space<vmem>>
      %dma_wait3A_221 = tpu.memref_squeeze %dma_wait3A_220 : memref<1x128xi32, #tpu.memory_space<vmem>> -> memref<128xi32, #tpu.memory_space<vmem>>
      %dma_wait3A_222 = arith.constant 0 : i32
      %dma_wait3A_223 = arith.constant 0 : i32
      %dma_wait3A_224 = tpu.memref_slice %arg24[%dma_wait3A_222, %dma_wait3A_223] : memref<10000x16xf32, #tpu.memory_space<vmem_shared>> -> memref<10000x16xf32, #tpu.memory_space<vmem_shared>>
      tpu.wait_indirect_dma semaphore(%arg25 : memref<!tpu.dma_semaphore, #tpu.memory_space<semaphore_mem>>) src(%arg23 : memref<128x16xf32, #tpu.memory_space<vmem>>) dst(%dma_wait3A_224 : memref<10000x16xf32, #tpu.memory_space<vmem_shared>>)
      %dma_start3A_225 = arith.constant 4 : i32
      %dma_start3A_226 = arith.constant 0 : i32
      %dma_start3A_227 = tpu.memref_slice %arg10[%dma_start3A_225, %dma_start3A_226] : memref<8x128xi32, #tpu.memory_space<vmem>> -> memref<1x128xi32, #tpu.memory_space<vmem>>
      %dma_start3A_228 = tpu.memref_squeeze %dma_start3A_227 : memref<1x128xi32, #tpu.memory_space<vmem>> -> memref<128xi32, #tpu.memory_space<vmem>>
      %dma_start3A_229 = arith.constant 0 : i32
      %dma_start3A_230 = arith.constant 0 : i32
      %dma_start3A_231 = tpu.memref_slice %arg2[%dma_start3A_229, %dma_start3A_230] : memref<10000x128xf32, #tpu.memory_space<hbm>> -> memref<10000x128xf32, #tpu.memory_space<hbm>>
      tpu.enqueue_indirect_dma source(%dma_start3A_231 : memref<10000x128xf32, #tpu.memory_space<hbm>>) target(%arg14 : memref<128x128xf32, #tpu.memory_space<vmem>>) offsets(%dma_start3A_228 : memref<128xi32, #tpu.memory_space<vmem>>) semaphore(%arg19 : memref<!tpu.dma_semaphore, #tpu.memory_space<semaphore_mem>>)
      %dma_wait3A_232 = arith.constant 0 : i32
      %dma_wait3A_233 = arith.constant 0 : i32
      %dma_wait3A_234 = tpu.memref_slice %arg10[%dma_wait3A_232, %dma_wait3A_233] : memref<8x128xi32, #tpu.memory_space<vmem>> -> memref<1x128xi32, #tpu.memory_space<vmem>>
      %dma_wait3A_235 = tpu.memref_squeeze %dma_wait3A_234 : memref<1x128xi32, #tpu.memory_space<vmem>> -> memref<128xi32, #tpu.memory_space<vmem>>
      %dma_wait3A_236 = arith.constant 0 : i32
      %dma_wait3A_237 = arith.constant 0 : i32
      %dma_wait3A_238 = tpu.memref_slice %arg2[%dma_wait3A_236, %dma_wait3A_237] : memref<10000x128xf32, #tpu.memory_space<hbm>> -> memref<10000x128xf32, #tpu.memory_space<hbm>>
      tpu.wait_indirect_dma semaphore(%arg19 : memref<!tpu.dma_semaphore, #tpu.memory_space<semaphore_mem>>) src(%dma_wait3A_238 : memref<10000x128xf32, #tpu.memory_space<hbm>>) dst(%arg14 : memref<128x128xf32, #tpu.memory_space<vmem>>)
      %dma_start3A_239 = arith.constant 4 : i32
      %dma_start3A_240 = arith.constant 0 : i32
      %dma_start3A_241 = tpu.memref_slice %arg12[%dma_start3A_239, %dma_start3A_240] : memref<8x128xi32, #tpu.memory_space<vmem>> -> memref<1x128xi32, #tpu.memory_space<vmem>>
      %dma_start3A_242 = tpu.memref_squeeze %dma_start3A_241 : memref<1x128xi32, #tpu.memory_space<vmem>> -> memref<128xi32, #tpu.memory_space<vmem>>
      %dma_start3A_243 = arith.constant 0 : i32
      %dma_start3A_244 = arith.constant 0 : i32
      %dma_start3A_245 = tpu.memref_slice %arg16[%dma_start3A_243, %dma_start3A_244] : memref<10000x128xf32, #tpu.memory_space<vmem_shared>> -> memref<10000x128xf32, #tpu.memory_space<vmem_shared>>
      tpu.enqueue_indirect_dma source(%arg14 : memref<128x128xf32, #tpu.memory_space<vmem>>) target(%dma_start3A_245 : memref<10000x128xf32, #tpu.memory_space<vmem_shared>>) offsets(%dma_start3A_242 : memref<128xi32, #tpu.memory_space<vmem>>) semaphore(%arg21 : memref<!tpu.dma_semaphore, #tpu.memory_space<semaphore_mem>>) {add = true}
      %dma_start3A_246 = arith.constant 4 : i32
      %dma_start3A_247 = arith.constant 0 : i32
      %dma_start3A_248 = tpu.memref_slice %arg12[%dma_start3A_246, %dma_start3A_247] : memref<8x128xi32, #tpu.memory_space<vmem>> -> memref<1x128xi32, #tpu.memory_space<vmem>>
      %dma_start3A_249 = tpu.memref_squeeze %dma_start3A_248 : memref<1x128xi32, #tpu.memory_space<vmem>> -> memref<128xi32, #tpu.memory_space<vmem>>
      %dma_start3A_250 = arith.constant 0 : i32
      %dma_start3A_251 = arith.constant 0 : i32
      %dma_start3A_252 = tpu.memref_slice %arg24[%dma_start3A_250, %dma_start3A_251] : memref<10000x16xf32, #tpu.memory_space<vmem_shared>> -> memref<10000x16xf32, #tpu.memory_space<vmem_shared>>
      tpu.enqueue_indirect_dma source(%arg23 : memref<128x16xf32, #tpu.memory_space<vmem>>) target(%dma_start3A_252 : memref<10000x16xf32, #tpu.memory_space<vmem_shared>>) offsets(%dma_start3A_249 : memref<128xi32, #tpu.memory_space<vmem>>) semaphore(%arg25 : memref<!tpu.dma_semaphore, #tpu.memory_space<semaphore_mem>>) {add = true}
      %dma_wait3A_253 = arith.constant 0 : i32
      %dma_wait3A_254 = arith.constant 0 : i32
      %dma_wait3A_255 = tpu.memref_slice %arg12[%dma_wait3A_253, %dma_wait3A_254] : memref<8x128xi32, #tpu.memory_space<vmem>> -> memref<1x128xi32, #tpu.memory_space<vmem>>
      %dma_wait3A_256 = tpu.memref_squeeze %dma_wait3A_255 : memref<1x128xi32, #tpu.memory_space<vmem>> -> memref<128xi32, #tpu.memory_space<vmem>>
      %dma_wait3A_257 = arith.constant 0 : i32
      %dma_wait3A_258 = arith.constant 0 : i32
      %dma_wait3A_259 = tpu.memref_slice %arg16[%dma_wait3A_257, %dma_wait3A_258] : memref<10000x128xf32, #tpu.memory_space<vmem_shared>> -> memref<10000x128xf32, #tpu.memory_space<vmem_shared>>
      tpu.wait_indirect_dma semaphore(%arg22 : memref<!tpu.dma_semaphore, #tpu.memory_space<semaphore_mem>>) src(%arg15 : memref<128x128xf32, #tpu.memory_space<vmem>>) dst(%dma_wait3A_259 : memref<10000x128xf32, #tpu.memory_space<vmem_shared>>)
      %dma_wait3A_260 = arith.constant 0 : i32
      %dma_wait3A_261 = arith.constant 0 : i32
      %dma_wait3A_262 = tpu.memref_slice %arg12[%dma_wait3A_260, %dma_wait3A_261] : memref<8x128xi32, #tpu.memory_space<vmem>> -> memref<1x128xi32, #tpu.memory_space<vmem>>
      %dma_wait3A_263 = tpu.memref_squeeze %dma_wait3A_262 : memref<1x128xi32, #tpu.memory_space<vmem>> -> memref<128xi32, #tpu.memory_space<vmem>>
      %dma_wait3A_264 = arith.constant 0 : i32
      %dma_wait3A_265 = arith.constant 0 : i32
      %dma_wait3A_266 = tpu.memref_slice %arg24[%dma_wait3A_264, %dma_wait3A_265] : memref<10000x16xf32, #tpu.memory_space<vmem_shared>> -> memref<10000x16xf32, #tpu.memory_space<vmem_shared>>
      tpu.wait_indirect_dma semaphore(%arg26 : memref<!tpu.dma_semaphore, #tpu.memory_space<semaphore_mem>>) src(%arg23 : memref<128x16xf32, #tpu.memory_space<vmem>>) dst(%dma_wait3A_266 : memref<10000x16xf32, #tpu.memory_space<vmem_shared>>)
      %dma_start3A_267 = arith.constant 5 : i32
      %dma_start3A_268 = arith.constant 0 : i32
      %dma_start3A_269 = tpu.memref_slice %arg10[%dma_start3A_267, %dma_start3A_268] : memref<8x128xi32, #tpu.memory_space<vmem>> -> memref<1x128xi32, #tpu.memory_space<vmem>>
      %dma_start3A_270 = tpu.memref_squeeze %dma_start3A_269 : memref<1x128xi32, #tpu.memory_space<vmem>> -> memref<128xi32, #tpu.memory_space<vmem>>
      %dma_start3A_271 = arith.constant 0 : i32
      %dma_start3A_272 = arith.constant 0 : i32
      %dma_start3A_273 = tpu.memref_slice %arg2[%dma_start3A_271, %dma_start3A_272] : memref<10000x128xf32, #tpu.memory_space<hbm>> -> memref<10000x128xf32, #tpu.memory_space<hbm>>
      tpu.enqueue_indirect_dma source(%dma_start3A_273 : memref<10000x128xf32, #tpu.memory_space<hbm>>) target(%arg15 : memref<128x128xf32, #tpu.memory_space<vmem>>) offsets(%dma_start3A_270 : memref<128xi32, #tpu.memory_space<vmem>>) semaphore(%arg20 : memref<!tpu.dma_semaphore, #tpu.memory_space<semaphore_mem>>)
      %dma_wait3A_274 = arith.constant 0 : i32
      %dma_wait3A_275 = arith.constant 0 : i32
      %dma_wait3A_276 = tpu.memref_slice %arg10[%dma_wait3A_274, %dma_wait3A_275] : memref<8x128xi32, #tpu.memory_space<vmem>> -> memref<1x128xi32, #tpu.memory_space<vmem>>
      %dma_wait3A_277 = tpu.memref_squeeze %dma_wait3A_276 : memref<1x128xi32, #tpu.memory_space<vmem>> -> memref<128xi32, #tpu.memory_space<vmem>>
      %dma_wait3A_278 = arith.constant 0 : i32
      %dma_wait3A_279 = arith.constant 0 : i32
      %dma_wait3A_280 = tpu.memref_slice %arg2[%dma_wait3A_278, %dma_wait3A_279] : memref<10000x128xf32, #tpu.memory_space<hbm>> -> memref<10000x128xf32, #tpu.memory_space<hbm>>
      tpu.wait_indirect_dma semaphore(%arg20 : memref<!tpu.dma_semaphore, #tpu.memory_space<semaphore_mem>>) src(%dma_wait3A_280 : memref<10000x128xf32, #tpu.memory_space<hbm>>) dst(%arg15 : memref<128x128xf32, #tpu.memory_space<vmem>>)
      %dma_start3A_281 = arith.constant 5 : i32
      %dma_start3A_282 = arith.constant 0 : i32
      %dma_start3A_283 = tpu.memref_slice %arg12[%dma_start3A_281, %dma_start3A_282] : memref<8x128xi32, #tpu.memory_space<vmem>> -> memref<1x128xi32, #tpu.memory_space<vmem>>
      %dma_start3A_284 = tpu.memref_squeeze %dma_start3A_283 : memref<1x128xi32, #tpu.memory_space<vmem>> -> memref<128xi32, #tpu.memory_space<vmem>>
      %dma_start3A_285 = arith.constant 0 : i32
      %dma_start3A_286 = arith.constant 0 : i32
      %dma_start3A_287 = tpu.memref_slice %arg16[%dma_start3A_285, %dma_start3A_286] : memref<10000x128xf32, #tpu.memory_space<vmem_shared>> -> memref<10000x128xf32, #tpu.memory_space<vmem_shared>>
      tpu.enqueue_indirect_dma source(%arg15 : memref<128x128xf32, #tpu.memory_space<vmem>>) target(%dma_start3A_287 : memref<10000x128xf32, #tpu.memory_space<vmem_shared>>) offsets(%dma_start3A_284 : memref<128xi32, #tpu.memory_space<vmem>>) semaphore(%arg22 : memref<!tpu.dma_semaphore, #tpu.memory_space<semaphore_mem>>) {add = true}
      %dma_start3A_288 = arith.constant 5 : i32
      %dma_start3A_289 = arith.constant 0 : i32
      %dma_start3A_290 = tpu.memref_slice %arg12[%dma_start3A_288, %dma_start3A_289] : memref<8x128xi32, #tpu.memory_space<vmem>> -> memref<1x128xi32, #tpu.memory_space<vmem>>
      %dma_start3A_291 = tpu.memref_squeeze %dma_start3A_290 : memref<1x128xi32, #tpu.memory_space<vmem>> -> memref<128xi32, #tpu.memory_space<vmem>>
      %dma_start3A_292 = arith.constant 0 : i32
      %dma_start3A_293 = arith.constant 0 : i32
      %dma_start3A_294 = tpu.memref_slice %arg24[%dma_start3A_292, %dma_start3A_293] : memref<10000x16xf32, #tpu.memory_space<vmem_shared>> -> memref<10000x16xf32, #tpu.memory_space<vmem_shared>>
      tpu.enqueue_indirect_dma source(%arg23 : memref<128x16xf32, #tpu.memory_space<vmem>>) target(%dma_start3A_294 : memref<10000x16xf32, #tpu.memory_space<vmem_shared>>) offsets(%dma_start3A_291 : memref<128xi32, #tpu.memory_space<vmem>>) semaphore(%arg26 : memref<!tpu.dma_semaphore, #tpu.memory_space<semaphore_mem>>) {add = true}
      %dma_wait3A_295 = arith.constant 0 : i32
      %dma_wait3A_296 = arith.constant 0 : i32
      %dma_wait3A_297 = tpu.memref_slice %arg12[%dma_wait3A_295, %dma_wait3A_296] : memref<8x128xi32, #tpu.memory_space<vmem>> -> memref<1x128xi32, #tpu.memory_space<vmem>>
      %dma_wait3A_298 = tpu.memref_squeeze %dma_wait3A_297 : memref<1x128xi32, #tpu.memory_space<vmem>> -> memref<128xi32, #tpu.memory_space<vmem>>
      %dma_wait3A_299 = arith.constant 0 : i32
      %dma_wait3A_300 = arith.constant 0 : i32
      %dma_wait3A_301 = tpu.memref_slice %arg16[%dma_wait3A_299, %dma_wait3A_300] : memref<10000x128xf32, #tpu.memory_space<vmem_shared>> -> memref<10000x128xf32, #tpu.memory_space<vmem_shared>>
      tpu.wait_indirect_dma semaphore(%arg21 : memref<!tpu.dma_semaphore, #tpu.memory_space<semaphore_mem>>) src(%arg14 : memref<128x128xf32, #tpu.memory_space<vmem>>) dst(%dma_wait3A_301 : memref<10000x128xf32, #tpu.memory_space<vmem_shared>>)
      %dma_wait3A_302 = arith.constant 0 : i32
      %dma_wait3A_303 = arith.constant 0 : i32
      %dma_wait3A_304 = tpu.memref_slice %arg12[%dma_wait3A_302, %dma_wait3A_303] : memref<8x128xi32, #tpu.memory_space<vmem>> -> memref<1x128xi32, #tpu.memory_space<vmem>>
      %dma_wait3A_305 = tpu.memref_squeeze %dma_wait3A_304 : memref<1x128xi32, #tpu.memory_space<vmem>> -> memref<128xi32, #tpu.memory_space<vmem>>
      %dma_wait3A_306 = arith.constant 0 : i32
      %dma_wait3A_307 = arith.constant 0 : i32
      %dma_wait3A_308 = tpu.memref_slice %arg24[%dma_wait3A_306, %dma_wait3A_307] : memref<10000x16xf32, #tpu.memory_space<vmem_shared>> -> memref<10000x16xf32, #tpu.memory_space<vmem_shared>>
      tpu.wait_indirect_dma semaphore(%arg25 : memref<!tpu.dma_semaphore, #tpu.memory_space<semaphore_mem>>) src(%arg23 : memref<128x16xf32, #tpu.memory_space<vmem>>) dst(%dma_wait3A_308 : memref<10000x16xf32, #tpu.memory_space<vmem_shared>>)
      %dma_start3A_309 = arith.constant 6 : i32
      %dma_start3A_310 = arith.constant 0 : i32
      %dma_start3A_311 = tpu.memref_slice %arg10[%dma_start3A_309, %dma_start3A_310] : memref<8x128xi32, #tpu.memory_space<vmem>> -> memref<1x128xi32, #tpu.memory_space<vmem>>
      %dma_start3A_312 = tpu.memref_squeeze %dma_start3A_311 : memref<1x128xi32, #tpu.memory_space<vmem>> -> memref<128xi32, #tpu.memory_space<vmem>>
      %dma_start3A_313 = arith.constant 0 : i32
      %dma_start3A_314 = arith.constant 0 : i32
      %dma_start3A_315 = tpu.memref_slice %arg2[%dma_start3A_313, %dma_start3A_314] : memref<10000x128xf32, #tpu.memory_space<hbm>> -> memref<10000x128xf32, #tpu.memory_space<hbm>>
      tpu.enqueue_indirect_dma source(%dma_start3A_315 : memref<10000x128xf32, #tpu.memory_space<hbm>>) target(%arg14 : memref<128x128xf32, #tpu.memory_space<vmem>>) offsets(%dma_start3A_312 : memref<128xi32, #tpu.memory_space<vmem>>) semaphore(%arg19 : memref<!tpu.dma_semaphore, #tpu.memory_space<semaphore_mem>>)
      %dma_wait3A_316 = arith.constant 0 : i32
      %dma_wait3A_317 = arith.constant 0 : i32
      %dma_wait3A_318 = tpu.memref_slice %arg10[%dma_wait3A_316, %dma_wait3A_317] : memref<8x128xi32, #tpu.memory_space<vmem>> -> memref<1x128xi32, #tpu.memory_space<vmem>>
      %dma_wait3A_319 = tpu.memref_squeeze %dma_wait3A_318 : memref<1x128xi32, #tpu.memory_space<vmem>> -> memref<128xi32, #tpu.memory_space<vmem>>
      %dma_wait3A_320 = arith.constant 0 : i32
      %dma_wait3A_321 = arith.constant 0 : i32
      %dma_wait3A_322 = tpu.memref_slice %arg2[%dma_wait3A_320, %dma_wait3A_321] : memref<10000x128xf32, #tpu.memory_space<hbm>> -> memref<10000x128xf32, #tpu.memory_space<hbm>>
      tpu.wait_indirect_dma semaphore(%arg19 : memref<!tpu.dma_semaphore, #tpu.memory_space<semaphore_mem>>) src(%dma_wait3A_322 : memref<10000x128xf32, #tpu.memory_space<hbm>>) dst(%arg14 : memref<128x128xf32, #tpu.memory_space<vmem>>)
      %dma_start3A_323 = arith.constant 6 : i32
      %dma_start3A_324 = arith.constant 0 : i32
      %dma_start3A_325 = tpu.memref_slice %arg12[%dma_start3A_323, %dma_start3A_324] : memref<8x128xi32, #tpu.memory_space<vmem>> -> memref<1x128xi32, #tpu.memory_space<vmem>>
      %dma_start3A_326 = tpu.memref_squeeze %dma_start3A_325 : memref<1x128xi32, #tpu.memory_space<vmem>> -> memref<128xi32, #tpu.memory_space<vmem>>
      %dma_start3A_327 = arith.constant 0 : i32
      %dma_start3A_328 = arith.constant 0 : i32
      %dma_start3A_329 = tpu.memref_slice %arg16[%dma_start3A_327, %dma_start3A_328] : memref<10000x128xf32, #tpu.memory_space<vmem_shared>> -> memref<10000x128xf32, #tpu.memory_space<vmem_shared>>
      tpu.enqueue_indirect_dma source(%arg14 : memref<128x128xf32, #tpu.memory_space<vmem>>) target(%dma_start3A_329 : memref<10000x128xf32, #tpu.memory_space<vmem_shared>>) offsets(%dma_start3A_326 : memref<128xi32, #tpu.memory_space<vmem>>) semaphore(%arg21 : memref<!tpu.dma_semaphore, #tpu.memory_space<semaphore_mem>>) {add = true}
      %dma_start3A_330 = arith.constant 6 : i32
      %dma_start3A_331 = arith.constant 0 : i32
      %dma_start3A_332 = tpu.memref_slice %arg12[%dma_start3A_330, %dma_start3A_331] : memref<8x128xi32, #tpu.memory_space<vmem>> -> memref<1x128xi32, #tpu.memory_space<vmem>>
      %dma_start3A_333 = tpu.memref_squeeze %dma_start3A_332 : memref<1x128xi32, #tpu.memory_space<vmem>> -> memref<128xi32, #tpu.memory_space<vmem>>
      %dma_start3A_334 = arith.constant 0 : i32
      %dma_start3A_335 = arith.constant 0 : i32
      %dma_start3A_336 = tpu.memref_slice %arg24[%dma_start3A_334, %dma_start3A_335] : memref<10000x16xf32, #tpu.memory_space<vmem_shared>> -> memref<10000x16xf32, #tpu.memory_space<vmem_shared>>
      tpu.enqueue_indirect_dma source(%arg23 : memref<128x16xf32, #tpu.memory_space<vmem>>) target(%dma_start3A_336 : memref<10000x16xf32, #tpu.memory_space<vmem_shared>>) offsets(%dma_start3A_333 : memref<128xi32, #tpu.memory_space<vmem>>) semaphore(%arg25 : memref<!tpu.dma_semaphore, #tpu.memory_space<semaphore_mem>>) {add = true}
      %dma_wait3A_337 = arith.constant 0 : i32
      %dma_wait3A_338 = arith.constant 0 : i32
      %dma_wait3A_339 = tpu.memref_slice %arg12[%dma_wait3A_337, %dma_wait3A_338] : memref<8x128xi32, #tpu.memory_space<vmem>> -> memref<1x128xi32, #tpu.memory_space<vmem>>
      %dma_wait3A_340 = tpu.memref_squeeze %dma_wait3A_339 : memref<1x128xi32, #tpu.memory_space<vmem>> -> memref<128xi32, #tpu.memory_space<vmem>>
      %dma_wait3A_341 = arith.constant 0 : i32
      %dma_wait3A_342 = arith.constant 0 : i32
      %dma_wait3A_343 = tpu.memref_slice %arg16[%dma_wait3A_341, %dma_wait3A_342] : memref<10000x128xf32, #tpu.memory_space<vmem_shared>> -> memref<10000x128xf32, #tpu.memory_space<vmem_shared>>
      tpu.wait_indirect_dma semaphore(%arg22 : memref<!tpu.dma_semaphore, #tpu.memory_space<semaphore_mem>>) src(%arg15 : memref<128x128xf32, #tpu.memory_space<vmem>>) dst(%dma_wait3A_343 : memref<10000x128xf32, #tpu.memory_space<vmem_shared>>)
      %dma_wait3A_344 = arith.constant 0 : i32
      %dma_wait3A_345 = arith.constant 0 : i32
      %dma_wait3A_346 = tpu.memref_slice %arg12[%dma_wait3A_344, %dma_wait3A_345] : memref<8x128xi32, #tpu.memory_space<vmem>> -> memref<1x128xi32, #tpu.memory_space<vmem>>
      %dma_wait3A_347 = tpu.memref_squeeze %dma_wait3A_346 : memref<1x128xi32, #tpu.memory_space<vmem>> -> memref<128xi32, #tpu.memory_space<vmem>>
      %dma_wait3A_348 = arith.constant 0 : i32
      %dma_wait3A_349 = arith.constant 0 : i32
      %dma_wait3A_350 = tpu.memref_slice %arg24[%dma_wait3A_348, %dma_wait3A_349] : memref<10000x16xf32, #tpu.memory_space<vmem_shared>> -> memref<10000x16xf32, #tpu.memory_space<vmem_shared>>
      tpu.wait_indirect_dma semaphore(%arg26 : memref<!tpu.dma_semaphore, #tpu.memory_space<semaphore_mem>>) src(%arg23 : memref<128x16xf32, #tpu.memory_space<vmem>>) dst(%dma_wait3A_350 : memref<10000x16xf32, #tpu.memory_space<vmem_shared>>)
      %dma_start3A_351 = arith.constant 7 : i32
      %dma_start3A_352 = arith.constant 0 : i32
      %dma_start3A_353 = tpu.memref_slice %arg10[%dma_start3A_351, %dma_start3A_352] : memref<8x128xi32, #tpu.memory_space<vmem>> -> memref<1x128xi32, #tpu.memory_space<vmem>>
      %dma_start3A_354 = tpu.memref_squeeze %dma_start3A_353 : memref<1x128xi32, #tpu.memory_space<vmem>> -> memref<128xi32, #tpu.memory_space<vmem>>
      %dma_start3A_355 = arith.constant 0 : i32
      %dma_start3A_356 = arith.constant 0 : i32
      %dma_start3A_357 = tpu.memref_slice %arg2[%dma_start3A_355, %dma_start3A_356] : memref<10000x128xf32, #tpu.memory_space<hbm>> -> memref<10000x128xf32, #tpu.memory_space<hbm>>
      tpu.enqueue_indirect_dma source(%dma_start3A_357 : memref<10000x128xf32, #tpu.memory_space<hbm>>) target(%arg15 : memref<128x128xf32, #tpu.memory_space<vmem>>) offsets(%dma_start3A_354 : memref<128xi32, #tpu.memory_space<vmem>>) semaphore(%arg20 : memref<!tpu.dma_semaphore, #tpu.memory_space<semaphore_mem>>)
      %dma_wait3A_358 = arith.constant 0 : i32
      %dma_wait3A_359 = arith.constant 0 : i32
      %dma_wait3A_360 = tpu.memref_slice %arg10[%dma_wait3A_358, %dma_wait3A_359] : memref<8x128xi32, #tpu.memory_space<vmem>> -> memref<1x128xi32, #tpu.memory_space<vmem>>
      %dma_wait3A_361 = tpu.memref_squeeze %dma_wait3A_360 : memref<1x128xi32, #tpu.memory_space<vmem>> -> memref<128xi32, #tpu.memory_space<vmem>>
      %dma_wait3A_362 = arith.constant 0 : i32
      %dma_wait3A_363 = arith.constant 0 : i32
      %dma_wait3A_364 = tpu.memref_slice %arg2[%dma_wait3A_362, %dma_wait3A_363] : memref<10000x128xf32, #tpu.memory_space<hbm>> -> memref<10000x128xf32, #tpu.memory_space<hbm>>
      tpu.wait_indirect_dma semaphore(%arg20 : memref<!tpu.dma_semaphore, #tpu.memory_space<semaphore_mem>>) src(%dma_wait3A_364 : memref<10000x128xf32, #tpu.memory_space<hbm>>) dst(%arg15 : memref<128x128xf32, #tpu.memory_space<vmem>>)
      %dma_start3A_365 = arith.constant 7 : i32
      %dma_start3A_366 = arith.constant 0 : i32
      %dma_start3A_367 = tpu.memref_slice %arg12[%dma_start3A_365, %dma_start3A_366] : memref<8x128xi32, #tpu.memory_space<vmem>> -> memref<1x128xi32, #tpu.memory_space<vmem>>
      %dma_start3A_368 = tpu.memref_squeeze %dma_start3A_367 : memref<1x128xi32, #tpu.memory_space<vmem>> -> memref<128xi32, #tpu.memory_space<vmem>>
      %dma_start3A_369 = arith.constant 0 : i32
      %dma_start3A_370 = arith.constant 0 : i32
      %dma_start3A_371 = tpu.memref_slice %arg16[%dma_start3A_369, %dma_start3A_370] : memref<10000x128xf32, #tpu.memory_space<vmem_shared>> -> memref<10000x128xf32, #tpu.memory_space<vmem_shared>>
      tpu.enqueue_indirect_dma source(%arg15 : memref<128x128xf32, #tpu.memory_space<vmem>>) target(%dma_start3A_371 : memref<10000x128xf32, #tpu.memory_space<vmem_shared>>) offsets(%dma_start3A_368 : memref<128xi32, #tpu.memory_space<vmem>>) semaphore(%arg22 : memref<!tpu.dma_semaphore, #tpu.memory_space<semaphore_mem>>) {add = true}
      %dma_start3A_372 = arith.constant 7 : i32
      %dma_start3A_373 = arith.constant 0 : i32
      %dma_start3A_374 = tpu.memref_slice %arg12[%dma_start3A_372, %dma_start3A_373] : memref<8x128xi32, #tpu.memory_space<vmem>> -> memref<1x128xi32, #tpu.memory_space<vmem>>
      %dma_start3A_375 = tpu.memref_squeeze %dma_start3A_374 : memref<1x128xi32, #tpu.memory_space<vmem>> -> memref<128xi32, #tpu.memory_space<vmem>>
      %dma_start3A_376 = arith.constant 0 : i32
      %dma_start3A_377 = arith.constant 0 : i32
      %dma_start3A_378 = tpu.memref_slice %arg24[%dma_start3A_376, %dma_start3A_377] : memref<10000x16xf32, #tpu.memory_space<vmem_shared>> -> memref<10000x16xf32, #tpu.memory_space<vmem_shared>>
      tpu.enqueue_indirect_dma source(%arg23 : memref<128x16xf32, #tpu.memory_space<vmem>>) target(%dma_start3A_378 : memref<10000x16xf32, #tpu.memory_space<vmem_shared>>) offsets(%dma_start3A_375 : memref<128xi32, #tpu.memory_space<vmem>>) semaphore(%arg26 : memref<!tpu.dma_semaphore, #tpu.memory_space<semaphore_mem>>) {add = true}
      %dma_wait3A_379 = arith.constant 0 : i32
      %dma_wait3A_380 = arith.constant 0 : i32
      %dma_wait3A_381 = tpu.memref_slice %arg3[%dma_wait3A_379, %dma_wait3A_380] : memref<2560x128xi32, #tpu.memory_space<hbm>> -> memref<8x128xi32, #tpu.memory_space<hbm>>
      %dma_wait3A_382 = arith.constant 0 : i32
      %dma_wait3A_383 = arith.constant 0 : i32
      %dma_wait3A_384 = tpu.memref_slice %arg3[%dma_wait3A_382, %dma_wait3A_383] : memref<2560x128xi32, #tpu.memory_space<hbm>> -> memref<8x128xi32, #tpu.memory_space<hbm>>
      tpu.wait_dma2 semaphore(%arg18 : memref<!tpu.dma_semaphore, #tpu.memory_space<semaphore_mem>>) src(%dma_wait3A_384 : memref<8x128xi32, #tpu.memory_space<hbm>>) dst(%arg11 : memref<8x128xi32, #tpu.memory_space<vmem>>)
      %dma_wait3A_385 = arith.constant 0 : i32
      %dma_wait3A_386 = arith.constant 0 : i32
      %dma_wait3A_387 = tpu.memref_slice %arg4[%dma_wait3A_385, %dma_wait3A_386] : memref<2560x128xi32, #tpu.memory_space<hbm>> -> memref<8x128xi32, #tpu.memory_space<hbm>>
      %dma_wait3A_388 = arith.constant 0 : i32
      %dma_wait3A_389 = arith.constant 0 : i32
      %dma_wait3A_390 = tpu.memref_slice %arg4[%dma_wait3A_388, %dma_wait3A_389] : memref<2560x128xi32, #tpu.memory_space<hbm>> -> memref<8x128xi32, #tpu.memory_space<hbm>>
      tpu.wait_dma2 semaphore(%arg18 : memref<!tpu.dma_semaphore, #tpu.memory_space<semaphore_mem>>) src(%dma_wait3A_390 : memref<8x128xi32, #tpu.memory_space<hbm>>) dst(%arg13 : memref<8x128xi32, #tpu.memory_space<vmem>>)
      %dma_wait3A_391 = arith.constant 0 : i32
      %dma_wait3A_392 = arith.constant 0 : i32
      %dma_wait3A_393 = tpu.memref_slice %arg12[%dma_wait3A_391, %dma_wait3A_392] : memref<8x128xi32, #tpu.memory_space<vmem>> -> memref<1x128xi32, #tpu.memory_space<vmem>>
      %dma_wait3A_394 = tpu.memref_squeeze %dma_wait3A_393 : memref<1x128xi32, #tpu.memory_space<vmem>> -> memref<128xi32, #tpu.memory_space<vmem>>
      %dma_wait3A_395 = arith.constant 0 : i32
      %dma_wait3A_396 = arith.constant 0 : i32
      %dma_wait3A_397 = tpu.memref_slice %arg16[%dma_wait3A_395, %dma_wait3A_396] : memref<10000x128xf32, #tpu.memory_space<vmem_shared>> -> memref<10000x128xf32, #tpu.memory_space<vmem_shared>>
      tpu.wait_indirect_dma semaphore(%arg21 : memref<!tpu.dma_semaphore, #tpu.memory_space<semaphore_mem>>) src(%arg14 : memref<128x128xf32, #tpu.memory_space<vmem>>) dst(%dma_wait3A_397 : memref<10000x128xf32, #tpu.memory_space<vmem_shared>>)
      %dma_wait3A_398 = arith.constant 0 : i32
      %dma_wait3A_399 = arith.constant 0 : i32
      %dma_wait3A_400 = tpu.memref_slice %arg12[%dma_wait3A_398, %dma_wait3A_399] : memref<8x128xi32, #tpu.memory_space<vmem>> -> memref<1x128xi32, #tpu.memory_space<vmem>>
      %dma_wait3A_401 = tpu.memref_squeeze %dma_wait3A_400 : memref<1x128xi32, #tpu.memory_space<vmem>> -> memref<128xi32, #tpu.memory_space<vmem>>
      %dma_wait3A_402 = arith.constant 0 : i32
      %dma_wait3A_403 = arith.constant 0 : i32
      %dma_wait3A_404 = tpu.memref_slice %arg24[%dma_wait3A_402, %dma_wait3A_403] : memref<10000x16xf32, #tpu.memory_space<vmem_shared>> -> memref<10000x16xf32, #tpu.memory_space<vmem_shared>>
      tpu.wait_indirect_dma semaphore(%arg25 : memref<!tpu.dma_semaphore, #tpu.memory_space<semaphore_mem>>) src(%arg23 : memref<128x16xf32, #tpu.memory_space<vmem>>) dst(%dma_wait3A_404 : memref<10000x16xf32, #tpu.memory_space<vmem_shared>>)
      %dma_start3A_405 = arith.constant 0 : i32
      %dma_start3A_406 = arith.constant 0 : i32
      %dma_start3A_407 = tpu.memref_slice %arg11[%dma_start3A_405, %dma_start3A_406] : memref<8x128xi32, #tpu.memory_space<vmem>> -> memref<1x128xi32, #tpu.memory_space<vmem>>
      %dma_start3A_408 = tpu.memref_squeeze %dma_start3A_407 : memref<1x128xi32, #tpu.memory_space<vmem>> -> memref<128xi32, #tpu.memory_space<vmem>>
      %dma_start3A_409 = arith.constant 0 : i32
      %dma_start3A_410 = arith.constant 0 : i32
      %dma_start3A_411 = tpu.memref_slice %arg2[%dma_start3A_409, %dma_start3A_410] : memref<10000x128xf32, #tpu.memory_space<hbm>> -> memref<10000x128xf32, #tpu.memory_space<hbm>>
      tpu.enqueue_indirect_dma source(%dma_start3A_411 : memref<10000x128xf32, #tpu.memory_space<hbm>>) target(%arg14 : memref<128x128xf32, #tpu.memory_space<vmem>>) offsets(%dma_start3A_408 : memref<128xi32, #tpu.memory_space<vmem>>) semaphore(%arg19 : memref<!tpu.dma_semaphore, #tpu.memory_space<semaphore_mem>>)
      %dma_wait3A_412 = arith.constant 0 : i32
      %dma_wait3A_413 = arith.constant 0 : i32
      %dma_wait3A_414 = tpu.memref_slice %arg10[%dma_wait3A_412, %dma_wait3A_413] : memref<8x128xi32, #tpu.memory_space<vmem>> -> memref<1x128xi32, #tpu.memory_space<vmem>>
      %dma_wait3A_415 = tpu.memref_squeeze %dma_wait3A_414 : memref<1x128xi32, #tpu.memory_space<vmem>> -> memref<128xi32, #tpu.memory_space<vmem>>
      %dma_wait3A_416 = arith.constant 0 : i32
      %dma_wait3A_417 = arith.constant 0 : i32
      %dma_wait3A_418 = tpu.memref_slice %arg2[%dma_wait3A_416, %dma_wait3A_417] : memref<10000x128xf32, #tpu.memory_space<hbm>> -> memref<10000x128xf32, #tpu.memory_space<hbm>>
      tpu.wait_indirect_dma semaphore(%arg19 : memref<!tpu.dma_semaphore, #tpu.memory_space<semaphore_mem>>) src(%dma_wait3A_418 : memref<10000x128xf32, #tpu.memory_space<hbm>>) dst(%arg14 : memref<128x128xf32, #tpu.memory_space<vmem>>)
      %dma_start3A_419 = arith.constant 0 : i32
      %dma_start3A_420 = arith.constant 0 : i32
      %dma_start3A_421 = tpu.memref_slice %arg13[%dma_start3A_419, %dma_start3A_420] : memref<8x128xi32, #tpu.memory_space<vmem>> -> memref<1x128xi32, #tpu.memory_space<vmem>>
      %dma_start3A_422 = tpu.memref_squeeze %dma_start3A_421 : memref<1x128xi32, #tpu.memory_space<vmem>> -> memref<128xi32, #tpu.memory_space<vmem>>
      %dma_start3A_423 = arith.constant 0 : i32
      %dma_start3A_424 = arith.constant 0 : i32
      %dma_start3A_425 = tpu.memref_slice %arg16[%dma_start3A_423, %dma_start3A_424] : memref<10000x128xf32, #tpu.memory_space<vmem_shared>> -> memref<10000x128xf32, #tpu.memory_space<vmem_shared>>
      tpu.enqueue_indirect_dma source(%arg14 : memref<128x128xf32, #tpu.memory_space<vmem>>) target(%dma_start3A_425 : memref<10000x128xf32, #tpu.memory_space<vmem_shared>>) offsets(%dma_start3A_422 : memref<128xi32, #tpu.memory_space<vmem>>) semaphore(%arg21 : memref<!tpu.dma_semaphore, #tpu.memory_space<semaphore_mem>>) {add = true}
      %dma_start3A_426 = arith.constant 0 : i32
      %dma_start3A_427 = arith.constant 0 : i32
      %dma_start3A_428 = tpu.memref_slice %arg13[%dma_start3A_426, %dma_start3A_427] : memref<8x128xi32, #tpu.memory_space<vmem>> -> memref<1x128xi32, #tpu.memory_space<vmem>>
      %dma_start3A_429 = tpu.memref_squeeze %dma_start3A_428 : memref<1x128xi32, #tpu.memory_space<vmem>> -> memref<128xi32, #tpu.memory_space<vmem>>
      %dma_start3A_430 = arith.constant 0 : i32
      %dma_start3A_431 = arith.constant 0 : i32
      %dma_start3A_432 = tpu.memref_slice %arg24[%dma_start3A_430, %dma_start3A_431] : memref<10000x16xf32, #tpu.memory_space<vmem_shared>> -> memref<10000x16xf32, #tpu.memory_space<vmem_shared>>
      tpu.enqueue_indirect_dma source(%arg23 : memref<128x16xf32, #tpu.memory_space<vmem>>) target(%dma_start3A_432 : memref<10000x16xf32, #tpu.memory_space<vmem_shared>>) offsets(%dma_start3A_429 : memref<128xi32, #tpu.memory_space<vmem>>) semaphore(%arg25 : memref<!tpu.dma_semaphore, #tpu.memory_space<semaphore_mem>>) {add = true}
      %dma_wait3A_433 = arith.constant 0 : i32
      %dma_wait3A_434 = arith.constant 0 : i32
      %dma_wait3A_435 = tpu.memref_slice %arg12[%dma_wait3A_433, %dma_wait3A_434] : memref<8x128xi32, #tpu.memory_space<vmem>> -> memref<1x128xi32, #tpu.memory_space<vmem>>
      %dma_wait3A_436 = tpu.memref_squeeze %dma_wait3A_435 : memref<1x128xi32, #tpu.memory_space<vmem>> -> memref<128xi32, #tpu.memory_space<vmem>>
      %dma_wait3A_437 = arith.constant 0 : i32
      %dma_wait3A_438 = arith.constant 0 : i32
      %dma_wait3A_439 = tpu.memref_slice %arg16[%dma_wait3A_437, %dma_wait3A_438] : memref<10000x128xf32, #tpu.memory_space<vmem_shared>> -> memref<10000x128xf32, #tpu.memory_space<vmem_shared>>
      tpu.wait_indirect_dma semaphore(%arg22 : memref<!tpu.dma_semaphore, #tpu.memory_space<semaphore_mem>>) src(%arg15 : memref<128x128xf32, #tpu.memory_space<vmem>>) dst(%dma_wait3A_439 : memref<10000x128xf32, #tpu.memory_space<vmem_shared>>)
      %dma_wait3A_440 = arith.constant 0 : i32
      %dma_wait3A_441 = arith.constant 0 : i32
      %dma_wait3A_442 = tpu.memref_slice %arg12[%dma_wait3A_440, %dma_wait3A_441] : memref<8x128xi32, #tpu.memory_space<vmem>> -> memref<1x128xi32, #tpu.memory_space<vmem>>
      %dma_wait3A_443 = tpu.memref_squeeze %dma_wait3A_442 : memref<1x128xi32, #tpu.memory_space<vmem>> -> memref<128xi32, #tpu.memory_space<vmem>>
      %dma_wait3A_444 = arith.constant 0 : i32
      %dma_wait3A_445 = arith.constant 0 : i32
      %dma_wait3A_446 = tpu.memref_slice %arg24[%dma_wait3A_444, %dma_wait3A_445] : memref<10000x16xf32, #tpu.memory_space<vmem_shared>> -> memref<10000x16xf32, #tpu.memory_space<vmem_shared>>
      tpu.wait_indirect_dma semaphore(%arg26 : memref<!tpu.dma_semaphore, #tpu.memory_space<semaphore_mem>>) src(%arg23 : memref<128x16xf32, #tpu.memory_space<vmem>>) dst(%dma_wait3A_446 : memref<10000x16xf32, #tpu.memory_space<vmem_shared>>)
      %dma_start3A_447 = arith.constant 1 : i32
      %dma_start3A_448 = arith.constant 0 : i32
      %dma_start3A_449 = tpu.memref_slice %arg11[%dma_start3A_447, %dma_start3A_448] : memref<8x128xi32, #tpu.memory_space<vmem>> -> memref<1x128xi32, #tpu.memory_space<vmem>>
      %dma_start3A_450 = tpu.memref_squeeze %dma_start3A_449 : memref<1x128xi32, #tpu.memory_space<vmem>> -> memref<128xi32, #tpu.memory_space<vmem>>
      %dma_start3A_451 = arith.constant 0 : i32
      %dma_start3A_452 = arith.constant 0 : i32
      %dma_start3A_453 = tpu.memref_slice %arg2[%dma_start3A_451, %dma_start3A_452] : memref<10000x128xf32, #tpu.memory_space<hbm>> -> memref<10000x128xf32, #tpu.memory_space<hbm>>
      tpu.enqueue_indirect_dma source(%dma_start3A_453 : memref<10000x128xf32, #tpu.memory_space<hbm>>) target(%arg15 : memref<128x128xf32, #tpu.memory_space<vmem>>) offsets(%dma_start3A_450 : memref<128xi32, #tpu.memory_space<vmem>>) semaphore(%arg20 : memref<!tpu.dma_semaphore, #tpu.memory_space<semaphore_mem>>)
      %dma_wait3A_454 = arith.constant 0 : i32
      %dma_wait3A_455 = arith.constant 0 : i32
      %dma_wait3A_456 = tpu.memref_slice %arg10[%dma_wait3A_454, %dma_wait3A_455] : memref<8x128xi32, #tpu.memory_space<vmem>> -> memref<1x128xi32, #tpu.memory_space<vmem>>
      %dma_wait3A_457 = tpu.memref_squeeze %dma_wait3A_456 : memref<1x128xi32, #tpu.memory_space<vmem>> -> memref<128xi32, #tpu.memory_space<vmem>>
      %dma_wait3A_458 = arith.constant 0 : i32
      %dma_wait3A_459 = arith.constant 0 : i32
      %dma_wait3A_460 = tpu.memref_slice %arg2[%dma_wait3A_458, %dma_wait3A_459] : memref<10000x128xf32, #tpu.memory_space<hbm>> -> memref<10000x128xf32, #tpu.memory_space<hbm>>
      tpu.wait_indirect_dma semaphore(%arg20 : memref<!tpu.dma_semaphore, #tpu.memory_space<semaphore_mem>>) src(%dma_wait3A_460 : memref<10000x128xf32, #tpu.memory_space<hbm>>) dst(%arg15 : memref<128x128xf32, #tpu.memory_space<vmem>>)
      %dma_start3A_461 = arith.constant 1 : i32
      %dma_start3A_462 = arith.constant 0 : i32
      %dma_start3A_463 = tpu.memref_slice %arg13[%dma_start3A_461, %dma_start3A_462] : memref<8x128xi32, #tpu.memory_space<vmem>> -> memref<1x128xi32, #tpu.memory_space<vmem>>
      %dma_start3A_464 = tpu.memref_squeeze %dma_start3A_463 : memref<1x128xi32, #tpu.memory_space<vmem>> -> memref<128xi32, #tpu.memory_space<vmem>>
      %dma_start3A_465 = arith.constant 0 : i32
      %dma_start3A_466 = arith.constant 0 : i32
      %dma_start3A_467 = tpu.memref_slice %arg16[%dma_start3A_465, %dma_start3A_466] : memref<10000x128xf32, #tpu.memory_space<vmem_shared>> -> memref<10000x128xf32, #tpu.memory_space<vmem_shared>>
      tpu.enqueue_indirect_dma source(%arg15 : memref<128x128xf32, #tpu.memory_space<vmem>>) target(%dma_start3A_467 : memref<10000x128xf32, #tpu.memory_space<vmem_shared>>) offsets(%dma_start3A_464 : memref<128xi32, #tpu.memory_space<vmem>>) semaphore(%arg22 : memref<!tpu.dma_semaphore, #tpu.memory_space<semaphore_mem>>) {add = true}
      %dma_start3A_468 = arith.constant 1 : i32
      %dma_start3A_469 = arith.constant 0 : i32
      %dma_start3A_470 = tpu.memref_slice %arg13[%dma_start3A_468, %dma_start3A_469] : memref<8x128xi32, #tpu.memory_space<vmem>> -> memref<1x128xi32, #tpu.memory_space<vmem>>
      %dma_start3A_471 = tpu.memref_squeeze %dma_start3A_470 : memref<1x128xi32, #tpu.memory_space<vmem>> -> memref<128xi32, #tpu.memory_space<vmem>>
      %dma_start3A_472 = arith.constant 0 : i32
      %dma_start3A_473 = arith.constant 0 : i32
      %dma_start3A_474 = tpu.memref_slice %arg24[%dma_start3A_472, %dma_start3A_473] : memref<10000x16xf32, #tpu.memory_space<vmem_shared>> -> memref<10000x16xf32, #tpu.memory_space<vmem_shared>>
      tpu.enqueue_indirect_dma source(%arg23 : memref<128x16xf32, #tpu.memory_space<vmem>>) target(%dma_start3A_474 : memref<10000x16xf32, #tpu.memory_space<vmem_shared>>) offsets(%dma_start3A_471 : memref<128xi32, #tpu.memory_space<vmem>>) semaphore(%arg26 : memref<!tpu.dma_semaphore, #tpu.memory_space<semaphore_mem>>) {add = true}
      %dma_wait3A_475 = arith.constant 0 : i32
      %dma_wait3A_476 = arith.constant 0 : i32
      %dma_wait3A_477 = tpu.memref_slice %arg12[%dma_wait3A_475, %dma_wait3A_476] : memref<8x128xi32, #tpu.memory_space<vmem>> -> memref<1x128xi32, #tpu.memory_space<vmem>>
      %dma_wait3A_478 = tpu.memref_squeeze %dma_wait3A_477 : memref<1x128xi32, #tpu.memory_space<vmem>> -> memref<128xi32, #tpu.memory_space<vmem>>
      %dma_wait3A_479 = arith.constant 0 : i32
      %dma_wait3A_480 = arith.constant 0 : i32
      %dma_wait3A_481 = tpu.memref_slice %arg16[%dma_wait3A_479, %dma_wait3A_480] : memref<10000x128xf32, #tpu.memory_space<vmem_shared>> -> memref<10000x128xf32, #tpu.memory_space<vmem_shared>>
      tpu.wait_indirect_dma semaphore(%arg21 : memref<!tpu.dma_semaphore, #tpu.memory_space<semaphore_mem>>) src(%arg14 : memref<128x128xf32, #tpu.memory_space<vmem>>) dst(%dma_wait3A_481 : memref<10000x128xf32, #tpu.memory_space<vmem_shared>>)
      %dma_wait3A_482 = arith.constant 0 : i32
      %dma_wait3A_483 = arith.constant 0 : i32
      %dma_wait3A_484 = tpu.memref_slice %arg12[%dma_wait3A_482, %dma_wait3A_483] : memref<8x128xi32, #tpu.memory_space<vmem>> -> memref<1x128xi32, #tpu.memory_space<vmem>>
      %dma_wait3A_485 = tpu.memref_squeeze %dma_wait3A_484 : memref<1x128xi32, #tpu.memory_space<vmem>> -> memref<128xi32, #tpu.memory_space<vmem>>
      %dma_wait3A_486 = arith.constant 0 : i32
      %dma_wait3A_487 = arith.constant 0 : i32
      %dma_wait3A_488 = tpu.memref_slice %arg24[%dma_wait3A_486, %dma_wait3A_487] : memref<10000x16xf32, #tpu.memory_space<vmem_shared>> -> memref<10000x16xf32, #tpu.memory_space<vmem_shared>>
      tpu.wait_indirect_dma semaphore(%arg25 : memref<!tpu.dma_semaphore, #tpu.memory_space<semaphore_mem>>) src(%arg23 : memref<128x16xf32, #tpu.memory_space<vmem>>) dst(%dma_wait3A_488 : memref<10000x16xf32, #tpu.memory_space<vmem_shared>>)
      %lt3A = arith.constant 4 : i32
      %lt3A_489 = arith.cmpi slt, %scan3A_58, %lt3A : i32
      %convert_element_type3A_490 = arith.extui %lt3A_489 : i1 to i32
      %cond3A_491 = arith.constant 0 : i32
      %cond3A_492 = arith.cmpi ne, %convert_element_type3A_490, %cond3A_491 : i32
      scf.if %cond3A_492 {
        %add3A_754 = arith.constant 2 : i32
        %add3A_755 = arith.addi %mul3A_60, %add3A_754 : i32
        %mul3A_756 = arith.constant 32 : i32
        %mul3A_757 = arith.muli %add3A_755, %mul3A_756 : i32
        %add3A_758 = arith.addi %mul3A_757, %add3A : i32
        %mul3A_759 = arith.constant 8 : i32
        %mul3A_760 = arith.muli %add3A_758, %mul3A_759 : i32
        %dma_start3A_761 = arith.constant 0 : i32
        %dma_start3A_762 = tpu.memref_slice %arg3[%mul3A_760, %dma_start3A_761] : memref<2560x128xi32, #tpu.memory_space<hbm>> -> memref<8x128xi32, #tpu.memory_space<hbm>>
        %dma_start3A_763 = arith.constant 0 : i32
        %dma_start3A_764 = tpu.memref_slice %arg3[%mul3A_760, %dma_start3A_763] : memref<2560x128xi32, #tpu.memory_space<hbm>> -> memref<8x128xi32, #tpu.memory_space<hbm>>
        tpu.enqueue_dma source(%dma_start3A_764 : memref<8x128xi32, #tpu.memory_space<hbm>>) target(%arg10 : memref<8x128xi32, #tpu.memory_space<vmem>>) target_semaphore(%arg17 : memref<!tpu.dma_semaphore, #tpu.memory_space<semaphore_mem>>)
        %dma_start3A_765 = arith.constant 0 : i32
        %dma_start3A_766 = tpu.memref_slice %arg4[%mul3A_760, %dma_start3A_765] : memref<2560x128xi32, #tpu.memory_space<hbm>> -> memref<8x128xi32, #tpu.memory_space<hbm>>
        %dma_start3A_767 = arith.constant 0 : i32
        %dma_start3A_768 = tpu.memref_slice %arg4[%mul3A_760, %dma_start3A_767] : memref<2560x128xi32, #tpu.memory_space<hbm>> -> memref<8x128xi32, #tpu.memory_space<hbm>>
        tpu.enqueue_dma source(%dma_start3A_768 : memref<8x128xi32, #tpu.memory_space<hbm>>) target(%arg12 : memref<8x128xi32, #tpu.memory_space<vmem>>) target_semaphore(%arg17 : memref<!tpu.dma_semaphore, #tpu.memory_space<semaphore_mem>>)
      } else {
      }
      %dma_start3A_493 = arith.constant 2 : i32
      %dma_start3A_494 = arith.constant 0 : i32
      %dma_start3A_495 = tpu.memref_slice %arg11[%dma_start3A_493, %dma_start3A_494] : memref<8x128xi32, #tpu.memory_space<vmem>> -> memref<1x128xi32, #tpu.memory_space<vmem>>
      %dma_start3A_496 = tpu.memref_squeeze %dma_start3A_495 : memref<1x128xi32, #tpu.memory_space<vmem>> -> memref<128xi32, #tpu.memory_space<vmem>>
      %dma_start3A_497 = arith.constant 0 : i32
      %dma_start3A_498 = arith.constant 0 : i32
      %dma_start3A_499 = tpu.memref_slice %arg2[%dma_start3A_497, %dma_start3A_498] : memref<10000x128xf32, #tpu.memory_space<hbm>> -> memref<10000x128xf32, #tpu.memory_space<hbm>>
      tpu.enqueue_indirect_dma source(%dma_start3A_499 : memref<10000x128xf32, #tpu.memory_space<hbm>>) target(%arg14 : memref<128x128xf32, #tpu.memory_space<vmem>>) offsets(%dma_start3A_496 : memref<128xi32, #tpu.memory_space<vmem>>) semaphore(%arg19 : memref<!tpu.dma_semaphore, #tpu.memory_space<semaphore_mem>>)
      %dma_wait3A_500 = arith.constant 0 : i32
      %dma_wait3A_501 = arith.constant 0 : i32
      %dma_wait3A_502 = tpu.memref_slice %arg10[%dma_wait3A_500, %dma_wait3A_501] : memref<8x128xi32, #tpu.memory_space<vmem>> -> memref<1x128xi32, #tpu.memory_space<vmem>>
      %dma_wait3A_503 = tpu.memref_squeeze %dma_wait3A_502 : memref<1x128xi32, #tpu.memory_space<vmem>> -> memref<128xi32, #tpu.memory_space<vmem>>
      %dma_wait3A_504 = arith.constant 0 : i32
      %dma_wait3A_505 = arith.constant 0 : i32
      %dma_wait3A_506 = tpu.memref_slice %arg2[%dma_wait3A_504, %dma_wait3A_505] : memref<10000x128xf32, #tpu.memory_space<hbm>> -> memref<10000x128xf32, #tpu.memory_space<hbm>>
      tpu.wait_indirect_dma semaphore(%arg19 : memref<!tpu.dma_semaphore, #tpu.memory_space<semaphore_mem>>) src(%dma_wait3A_506 : memref<10000x128xf32, #tpu.memory_space<hbm>>) dst(%arg14 : memref<128x128xf32, #tpu.memory_space<vmem>>)
      %dma_start3A_507 = arith.constant 2 : i32
      %dma_start3A_508 = arith.constant 0 : i32
      %dma_start3A_509 = tpu.memref_slice %arg13[%dma_start3A_507, %dma_start3A_508] : memref<8x128xi32, #tpu.memory_space<vmem>> -> memref<1x128xi32, #tpu.memory_space<vmem>>
      %dma_start3A_510 = tpu.memref_squeeze %dma_start3A_509 : memref<1x128xi32, #tpu.memory_space<vmem>> -> memref<128xi32, #tpu.memory_space<vmem>>
      %dma_start3A_511 = arith.constant 0 : i32
      %dma_start3A_512 = arith.constant 0 : i32
      %dma_start3A_513 = tpu.memref_slice %arg16[%dma_start3A_511, %dma_start3A_512] : memref<10000x128xf32, #tpu.memory_space<vmem_shared>> -> memref<10000x128xf32, #tpu.memory_space<vmem_shared>>
      tpu.enqueue_indirect_dma source(%arg14 : memref<128x128xf32, #tpu.memory_space<vmem>>) target(%dma_start3A_513 : memref<10000x128xf32, #tpu.memory_space<vmem_shared>>) offsets(%dma_start3A_510 : memref<128xi32, #tpu.memory_space<vmem>>) semaphore(%arg21 : memref<!tpu.dma_semaphore, #tpu.memory_space<semaphore_mem>>) {add = true}
      %dma_start3A_514 = arith.constant 2 : i32
      %dma_start3A_515 = arith.constant 0 : i32
      %dma_start3A_516 = tpu.memref_slice %arg13[%dma_start3A_514, %dma_start3A_515] : memref<8x128xi32, #tpu.memory_space<vmem>> -> memref<1x128xi32, #tpu.memory_space<vmem>>
      %dma_start3A_517 = tpu.memref_squeeze %dma_start3A_516 : memref<1x128xi32, #tpu.memory_space<vmem>> -> memref<128xi32, #tpu.memory_space<vmem>>
      %dma_start3A_518 = arith.constant 0 : i32
      %dma_start3A_519 = arith.constant 0 : i32
      %dma_start3A_520 = tpu.memref_slice %arg24[%dma_start3A_518, %dma_start3A_519] : memref<10000x16xf32, #tpu.memory_space<vmem_shared>> -> memref<10000x16xf32, #tpu.memory_space<vmem_shared>>
      tpu.enqueue_indirect_dma source(%arg23 : memref<128x16xf32, #tpu.memory_space<vmem>>) target(%dma_start3A_520 : memref<10000x16xf32, #tpu.memory_space<vmem_shared>>) offsets(%dma_start3A_517 : memref<128xi32, #tpu.memory_space<vmem>>) semaphore(%arg25 : memref<!tpu.dma_semaphore, #tpu.memory_space<semaphore_mem>>) {add = true}
      %dma_wait3A_521 = arith.constant 0 : i32
      %dma_wait3A_522 = arith.constant 0 : i32
      %dma_wait3A_523 = tpu.memref_slice %arg12[%dma_wait3A_521, %dma_wait3A_522] : memref<8x128xi32, #tpu.memory_space<vmem>> -> memref<1x128xi32, #tpu.memory_space<vmem>>
      %dma_wait3A_524 = tpu.memref_squeeze %dma_wait3A_523 : memref<1x128xi32, #tpu.memory_space<vmem>> -> memref<128xi32, #tpu.memory_space<vmem>>
      %dma_wait3A_525 = arith.constant 0 : i32
      %dma_wait3A_526 = arith.constant 0 : i32
      %dma_wait3A_527 = tpu.memref_slice %arg16[%dma_wait3A_525, %dma_wait3A_526] : memref<10000x128xf32, #tpu.memory_space<vmem_shared>> -> memref<10000x128xf32, #tpu.memory_space<vmem_shared>>
      tpu.wait_indirect_dma semaphore(%arg22 : memref<!tpu.dma_semaphore, #tpu.memory_space<semaphore_mem>>) src(%arg15 : memref<128x128xf32, #tpu.memory_space<vmem>>) dst(%dma_wait3A_527 : memref<10000x128xf32, #tpu.memory_space<vmem_shared>>)
      %dma_wait3A_528 = arith.constant 0 : i32
      %dma_wait3A_529 = arith.constant 0 : i32
      %dma_wait3A_530 = tpu.memref_slice %arg12[%dma_wait3A_528, %dma_wait3A_529] : memref<8x128xi32, #tpu.memory_space<vmem>> -> memref<1x128xi32, #tpu.memory_space<vmem>>
      %dma_wait3A_531 = tpu.memref_squeeze %dma_wait3A_530 : memref<1x128xi32, #tpu.memory_space<vmem>> -> memref<128xi32, #tpu.memory_space<vmem>>
      %dma_wait3A_532 = arith.constant 0 : i32
      %dma_wait3A_533 = arith.constant 0 : i32
      %dma_wait3A_534 = tpu.memref_slice %arg24[%dma_wait3A_532, %dma_wait3A_533] : memref<10000x16xf32, #tpu.memory_space<vmem_shared>> -> memref<10000x16xf32, #tpu.memory_space<vmem_shared>>
      tpu.wait_indirect_dma semaphore(%arg26 : memref<!tpu.dma_semaphore, #tpu.memory_space<semaphore_mem>>) src(%arg23 : memref<128x16xf32, #tpu.memory_space<vmem>>) dst(%dma_wait3A_534 : memref<10000x16xf32, #tpu.memory_space<vmem_shared>>)
      %dma_start3A_535 = arith.constant 3 : i32
      %dma_start3A_536 = arith.constant 0 : i32
      %dma_start3A_537 = tpu.memref_slice %arg11[%dma_start3A_535, %dma_start3A_536] : memref<8x128xi32, #tpu.memory_space<vmem>> -> memref<1x128xi32, #tpu.memory_space<vmem>>
      %dma_start3A_538 = tpu.memref_squeeze %dma_start3A_537 : memref<1x128xi32, #tpu.memory_space<vmem>> -> memref<128xi32, #tpu.memory_space<vmem>>
      %dma_start3A_539 = arith.constant 0 : i32
      %dma_start3A_540 = arith.constant 0 : i32
      %dma_start3A_541 = tpu.memref_slice %arg2[%dma_start3A_539, %dma_start3A_540] : memref<10000x128xf32, #tpu.memory_space<hbm>> -> memref<10000x128xf32, #tpu.memory_space<hbm>>
      tpu.enqueue_indirect_dma source(%dma_start3A_541 : memref<10000x128xf32, #tpu.memory_space<hbm>>) target(%arg15 : memref<128x128xf32, #tpu.memory_space<vmem>>) offsets(%dma_start3A_538 : memref<128xi32, #tpu.memory_space<vmem>>) semaphore(%arg20 : memref<!tpu.dma_semaphore, #tpu.memory_space<semaphore_mem>>)
      %dma_wait3A_542 = arith.constant 0 : i32
      %dma_wait3A_543 = arith.constant 0 : i32
      %dma_wait3A_544 = tpu.memref_slice %arg10[%dma_wait3A_542, %dma_wait3A_543] : memref<8x128xi32, #tpu.memory_space<vmem>> -> memref<1x128xi32, #tpu.memory_space<vmem>>
      %dma_wait3A_545 = tpu.memref_squeeze %dma_wait3A_544 : memref<1x128xi32, #tpu.memory_space<vmem>> -> memref<128xi32, #tpu.memory_space<vmem>>
      %dma_wait3A_546 = arith.constant 0 : i32
      %dma_wait3A_547 = arith.constant 0 : i32
      %dma_wait3A_548 = tpu.memref_slice %arg2[%dma_wait3A_546, %dma_wait3A_547] : memref<10000x128xf32, #tpu.memory_space<hbm>> -> memref<10000x128xf32, #tpu.memory_space<hbm>>
      tpu.wait_indirect_dma semaphore(%arg20 : memref<!tpu.dma_semaphore, #tpu.memory_space<semaphore_mem>>) src(%dma_wait3A_548 : memref<10000x128xf32, #tpu.memory_space<hbm>>) dst(%arg15 : memref<128x128xf32, #tpu.memory_space<vmem>>)
      %dma_start3A_549 = arith.constant 3 : i32
      %dma_start3A_550 = arith.constant 0 : i32
      %dma_start3A_551 = tpu.memref_slice %arg13[%dma_start3A_549, %dma_start3A_550] : memref<8x128xi32, #tpu.memory_space<vmem>> -> memref<1x128xi32, #tpu.memory_space<vmem>>
      %dma_start3A_552 = tpu.memref_squeeze %dma_start3A_551 : memref<1x128xi32, #tpu.memory_space<vmem>> -> memref<128xi32, #tpu.memory_space<vmem>>
      %dma_start3A_553 = arith.constant 0 : i32
      %dma_start3A_554 = arith.constant 0 : i32
      %dma_start3A_555 = tpu.memref_slice %arg16[%dma_start3A_553, %dma_start3A_554] : memref<10000x128xf32, #tpu.memory_space<vmem_shared>> -> memref<10000x128xf32, #tpu.memory_space<vmem_shared>>
      tpu.enqueue_indirect_dma source(%arg15 : memref<128x128xf32, #tpu.memory_space<vmem>>) target(%dma_start3A_555 : memref<10000x128xf32, #tpu.memory_space<vmem_shared>>) offsets(%dma_start3A_552 : memref<128xi32, #tpu.memory_space<vmem>>) semaphore(%arg22 : memref<!tpu.dma_semaphore, #tpu.memory_space<semaphore_mem>>) {add = true}
      %dma_start3A_556 = arith.constant 3 : i32
      %dma_start3A_557 = arith.constant 0 : i32
      %dma_start3A_558 = tpu.memref_slice %arg13[%dma_start3A_556, %dma_start3A_557] : memref<8x128xi32, #tpu.memory_space<vmem>> -> memref<1x128xi32, #tpu.memory_space<vmem>>
      %dma_start3A_559 = tpu.memref_squeeze %dma_start3A_558 : memref<1x128xi32, #tpu.memory_space<vmem>> -> memref<128xi32, #tpu.memory_space<vmem>>
      %dma_start3A_560 = arith.constant 0 : i32
      %dma_start3A_561 = arith.constant 0 : i32
      %dma_start3A_562 = tpu.memref_slice %arg24[%dma_start3A_560, %dma_start3A_561] : memref<10000x16xf32, #tpu.memory_space<vmem_shared>> -> memref<10000x16xf32, #tpu.memory_space<vmem_shared>>
      tpu.enqueue_indirect_dma source(%arg23 : memref<128x16xf32, #tpu.memory_space<vmem>>) target(%dma_start3A_562 : memref<10000x16xf32, #tpu.memory_space<vmem_shared>>) offsets(%dma_start3A_559 : memref<128xi32, #tpu.memory_space<vmem>>) semaphore(%arg26 : memref<!tpu.dma_semaphore, #tpu.memory_space<semaphore_mem>>) {add = true}
      %dma_wait3A_563 = arith.constant 0 : i32
      %dma_wait3A_564 = arith.constant 0 : i32
      %dma_wait3A_565 = tpu.memref_slice %arg12[%dma_wait3A_563, %dma_wait3A_564] : memref<8x128xi32, #tpu.memory_space<vmem>> -> memref<1x128xi32, #tpu.memory_space<vmem>>
      %dma_wait3A_566 = tpu.memref_squeeze %dma_wait3A_565 : memref<1x128xi32, #tpu.memory_space<vmem>> -> memref<128xi32, #tpu.memory_space<vmem>>
      %dma_wait3A_567 = arith.constant 0 : i32
      %dma_wait3A_568 = arith.constant 0 : i32
      %dma_wait3A_569 = tpu.memref_slice %arg16[%dma_wait3A_567, %dma_wait3A_568] : memref<10000x128xf32, #tpu.memory_space<vmem_shared>> -> memref<10000x128xf32, #tpu.memory_space<vmem_shared>>
      tpu.wait_indirect_dma semaphore(%arg21 : memref<!tpu.dma_semaphore, #tpu.memory_space<semaphore_mem>>) src(%arg14 : memref<128x128xf32, #tpu.memory_space<vmem>>) dst(%dma_wait3A_569 : memref<10000x128xf32, #tpu.memory_space<vmem_shared>>)
      %dma_wait3A_570 = arith.constant 0 : i32
      %dma_wait3A_571 = arith.constant 0 : i32
      %dma_wait3A_572 = tpu.memref_slice %arg12[%dma_wait3A_570, %dma_wait3A_571] : memref<8x128xi32, #tpu.memory_space<vmem>> -> memref<1x128xi32, #tpu.memory_space<vmem>>
      %dma_wait3A_573 = tpu.memref_squeeze %dma_wait3A_572 : memref<1x128xi32, #tpu.memory_space<vmem>> -> memref<128xi32, #tpu.memory_space<vmem>>
      %dma_wait3A_574 = arith.constant 0 : i32
      %dma_wait3A_575 = arith.constant 0 : i32
      %dma_wait3A_576 = tpu.memref_slice %arg24[%dma_wait3A_574, %dma_wait3A_575] : memref<10000x16xf32, #tpu.memory_space<vmem_shared>> -> memref<10000x16xf32, #tpu.memory_space<vmem_shared>>
      tpu.wait_indirect_dma semaphore(%arg25 : memref<!tpu.dma_semaphore, #tpu.memory_space<semaphore_mem>>) src(%arg23 : memref<128x16xf32, #tpu.memory_space<vmem>>) dst(%dma_wait3A_576 : memref<10000x16xf32, #tpu.memory_space<vmem_shared>>)
      %dma_start3A_577 = arith.constant 4 : i32
      %dma_start3A_578 = arith.constant 0 : i32
      %dma_start3A_579 = tpu.memref_slice %arg11[%dma_start3A_577, %dma_start3A_578] : memref<8x128xi32, #tpu.memory_space<vmem>> -> memref<1x128xi32, #tpu.memory_space<vmem>>
      %dma_start3A_580 = tpu.memref_squeeze %dma_start3A_579 : memref<1x128xi32, #tpu.memory_space<vmem>> -> memref<128xi32, #tpu.memory_space<vmem>>
      %dma_start3A_581 = arith.constant 0 : i32
      %dma_start3A_582 = arith.constant 0 : i32
      %dma_start3A_583 = tpu.memref_slice %arg2[%dma_start3A_581, %dma_start3A_582] : memref<10000x128xf32, #tpu.memory_space<hbm>> -> memref<10000x128xf32, #tpu.memory_space<hbm>>
      tpu.enqueue_indirect_dma source(%dma_start3A_583 : memref<10000x128xf32, #tpu.memory_space<hbm>>) target(%arg14 : memref<128x128xf32, #tpu.memory_space<vmem>>) offsets(%dma_start3A_580 : memref<128xi32, #tpu.memory_space<vmem>>) semaphore(%arg19 : memref<!tpu.dma_semaphore, #tpu.memory_space<semaphore_mem>>)
      %dma_wait3A_584 = arith.constant 0 : i32
      %dma_wait3A_585 = arith.constant 0 : i32
      %dma_wait3A_586 = tpu.memref_slice %arg10[%dma_wait3A_584, %dma_wait3A_585] : memref<8x128xi32, #tpu.memory_space<vmem>> -> memref<1x128xi32, #tpu.memory_space<vmem>>
      %dma_wait3A_587 = tpu.memref_squeeze %dma_wait3A_586 : memref<1x128xi32, #tpu.memory_space<vmem>> -> memref<128xi32, #tpu.memory_space<vmem>>
      %dma_wait3A_588 = arith.constant 0 : i32
      %dma_wait3A_589 = arith.constant 0 : i32
      %dma_wait3A_590 = tpu.memref_slice %arg2[%dma_wait3A_588, %dma_wait3A_589] : memref<10000x128xf32, #tpu.memory_space<hbm>> -> memref<10000x128xf32, #tpu.memory_space<hbm>>
      tpu.wait_indirect_dma semaphore(%arg19 : memref<!tpu.dma_semaphore, #tpu.memory_space<semaphore_mem>>) src(%dma_wait3A_590 : memref<10000x128xf32, #tpu.memory_space<hbm>>) dst(%arg14 : memref<128x128xf32, #tpu.memory_space<vmem>>)
      %dma_start3A_591 = arith.constant 4 : i32
      %dma_start3A_592 = arith.constant 0 : i32
      %dma_start3A_593 = tpu.memref_slice %arg13[%dma_start3A_591, %dma_start3A_592] : memref<8x128xi32, #tpu.memory_space<vmem>> -> memref<1x128xi32, #tpu.memory_space<vmem>>
      %dma_start3A_594 = tpu.memref_squeeze %dma_start3A_593 : memref<1x128xi32, #tpu.memory_space<vmem>> -> memref<128xi32, #tpu.memory_space<vmem>>
      %dma_start3A_595 = arith.constant 0 : i32
      %dma_start3A_596 = arith.constant 0 : i32
      %dma_start3A_597 = tpu.memref_slice %arg16[%dma_start3A_595, %dma_start3A_596] : memref<10000x128xf32, #tpu.memory_space<vmem_shared>> -> memref<10000x128xf32, #tpu.memory_space<vmem_shared>>
      tpu.enqueue_indirect_dma source(%arg14 : memref<128x128xf32, #tpu.memory_space<vmem>>) target(%dma_start3A_597 : memref<10000x128xf32, #tpu.memory_space<vmem_shared>>) offsets(%dma_start3A_594 : memref<128xi32, #tpu.memory_space<vmem>>) semaphore(%arg21 : memref<!tpu.dma_semaphore, #tpu.memory_space<semaphore_mem>>) {add = true}
      %dma_start3A_598 = arith.constant 4 : i32
      %dma_start3A_599 = arith.constant 0 : i32
      %dma_start3A_600 = tpu.memref_slice %arg13[%dma_start3A_598, %dma_start3A_599] : memref<8x128xi32, #tpu.memory_space<vmem>> -> memref<1x128xi32, #tpu.memory_space<vmem>>
      %dma_start3A_601 = tpu.memref_squeeze %dma_start3A_600 : memref<1x128xi32, #tpu.memory_space<vmem>> -> memref<128xi32, #tpu.memory_space<vmem>>
      %dma_start3A_602 = arith.constant 0 : i32
      %dma_start3A_603 = arith.constant 0 : i32
      %dma_start3A_604 = tpu.memref_slice %arg24[%dma_start3A_602, %dma_start3A_603] : memref<10000x16xf32, #tpu.memory_space<vmem_shared>> -> memref<10000x16xf32, #tpu.memory_space<vmem_shared>>
      tpu.enqueue_indirect_dma source(%arg23 : memref<128x16xf32, #tpu.memory_space<vmem>>) target(%dma_start3A_604 : memref<10000x16xf32, #tpu.memory_space<vmem_shared>>) offsets(%dma_start3A_601 : memref<128xi32, #tpu.memory_space<vmem>>) semaphore(%arg25 : memref<!tpu.dma_semaphore, #tpu.memory_space<semaphore_mem>>) {add = true}
      %dma_wait3A_605 = arith.constant 0 : i32
      %dma_wait3A_606 = arith.constant 0 : i32
      %dma_wait3A_607 = tpu.memref_slice %arg12[%dma_wait3A_605, %dma_wait3A_606] : memref<8x128xi32, #tpu.memory_space<vmem>> -> memref<1x128xi32, #tpu.memory_space<vmem>>
      %dma_wait3A_608 = tpu.memref_squeeze %dma_wait3A_607 : memref<1x128xi32, #tpu.memory_space<vmem>> -> memref<128xi32, #tpu.memory_space<vmem>>
      %dma_wait3A_609 = arith.constant 0 : i32
      %dma_wait3A_610 = arith.constant 0 : i32
      %dma_wait3A_611 = tpu.memref_slice %arg16[%dma_wait3A_609, %dma_wait3A_610] : memref<10000x128xf32, #tpu.memory_space<vmem_shared>> -> memref<10000x128xf32, #tpu.memory_space<vmem_shared>>
      tpu.wait_indirect_dma semaphore(%arg22 : memref<!tpu.dma_semaphore, #tpu.memory_space<semaphore_mem>>) src(%arg15 : memref<128x128xf32, #tpu.memory_space<vmem>>) dst(%dma_wait3A_611 : memref<10000x128xf32, #tpu.memory_space<vmem_shared>>)
      %dma_wait3A_612 = arith.constant 0 : i32
      %dma_wait3A_613 = arith.constant 0 : i32
      %dma_wait3A_614 = tpu.memref_slice %arg12[%dma_wait3A_612, %dma_wait3A_613] : memref<8x128xi32, #tpu.memory_space<vmem>> -> memref<1x128xi32, #tpu.memory_space<vmem>>
      %dma_wait3A_615 = tpu.memref_squeeze %dma_wait3A_614 : memref<1x128xi32, #tpu.memory_space<vmem>> -> memref<128xi32, #tpu.memory_space<vmem>>
      %dma_wait3A_616 = arith.constant 0 : i32
      %dma_wait3A_617 = arith.constant 0 : i32
      %dma_wait3A_618 = tpu.memref_slice %arg24[%dma_wait3A_616, %dma_wait3A_617] : memref<10000x16xf32, #tpu.memory_space<vmem_shared>> -> memref<10000x16xf32, #tpu.memory_space<vmem_shared>>
      tpu.wait_indirect_dma semaphore(%arg26 : memref<!tpu.dma_semaphore, #tpu.memory_space<semaphore_mem>>) src(%arg23 : memref<128x16xf32, #tpu.memory_space<vmem>>) dst(%dma_wait3A_618 : memref<10000x16xf32, #tpu.memory_space<vmem_shared>>)
      %dma_start3A_619 = arith.constant 5 : i32
      %dma_start3A_620 = arith.constant 0 : i32
      %dma_start3A_621 = tpu.memref_slice %arg11[%dma_start3A_619, %dma_start3A_620] : memref<8x128xi32, #tpu.memory_space<vmem>> -> memref<1x128xi32, #tpu.memory_space<vmem>>
      %dma_start3A_622 = tpu.memref_squeeze %dma_start3A_621 : memref<1x128xi32, #tpu.memory_space<vmem>> -> memref<128xi32, #tpu.memory_space<vmem>>
      %dma_start3A_623 = arith.constant 0 : i32
      %dma_start3A_624 = arith.constant 0 : i32
      %dma_start3A_625 = tpu.memref_slice %arg2[%dma_start3A_623, %dma_start3A_624] : memref<10000x128xf32, #tpu.memory_space<hbm>> -> memref<10000x128xf32, #tpu.memory_space<hbm>>
      tpu.enqueue_indirect_dma source(%dma_start3A_625 : memref<10000x128xf32, #tpu.memory_space<hbm>>) target(%arg15 : memref<128x128xf32, #tpu.memory_space<vmem>>) offsets(%dma_start3A_622 : memref<128xi32, #tpu.memory_space<vmem>>) semaphore(%arg20 : memref<!tpu.dma_semaphore, #tpu.memory_space<semaphore_mem>>)
      %dma_wait3A_626 = arith.constant 0 : i32
      %dma_wait3A_627 = arith.constant 0 : i32
      %dma_wait3A_628 = tpu.memref_slice %arg10[%dma_wait3A_626, %dma_wait3A_627] : memref<8x128xi32, #tpu.memory_space<vmem>> -> memref<1x128xi32, #tpu.memory_space<vmem>>
      %dma_wait3A_629 = tpu.memref_squeeze %dma_wait3A_628 : memref<1x128xi32, #tpu.memory_space<vmem>> -> memref<128xi32, #tpu.memory_space<vmem>>
      %dma_wait3A_630 = arith.constant 0 : i32
      %dma_wait3A_631 = arith.constant 0 : i32
      %dma_wait3A_632 = tpu.memref_slice %arg2[%dma_wait3A_630, %dma_wait3A_631] : memref<10000x128xf32, #tpu.memory_space<hbm>> -> memref<10000x128xf32, #tpu.memory_space<hbm>>
      tpu.wait_indirect_dma semaphore(%arg20 : memref<!tpu.dma_semaphore, #tpu.memory_space<semaphore_mem>>) src(%dma_wait3A_632 : memref<10000x128xf32, #tpu.memory_space<hbm>>) dst(%arg15 : memref<128x128xf32, #tpu.memory_space<vmem>>)
      %dma_start3A_633 = arith.constant 5 : i32
      %dma_start3A_634 = arith.constant 0 : i32
      %dma_start3A_635 = tpu.memref_slice %arg13[%dma_start3A_633, %dma_start3A_634] : memref<8x128xi32, #tpu.memory_space<vmem>> -> memref<1x128xi32, #tpu.memory_space<vmem>>
      %dma_start3A_636 = tpu.memref_squeeze %dma_start3A_635 : memref<1x128xi32, #tpu.memory_space<vmem>> -> memref<128xi32, #tpu.memory_space<vmem>>
      %dma_start3A_637 = arith.constant 0 : i32
      %dma_start3A_638 = arith.constant 0 : i32
      %dma_start3A_639 = tpu.memref_slice %arg16[%dma_start3A_637, %dma_start3A_638] : memref<10000x128xf32, #tpu.memory_space<vmem_shared>> -> memref<10000x128xf32, #tpu.memory_space<vmem_shared>>
      tpu.enqueue_indirect_dma source(%arg15 : memref<128x128xf32, #tpu.memory_space<vmem>>) target(%dma_start3A_639 : memref<10000x128xf32, #tpu.memory_space<vmem_shared>>) offsets(%dma_start3A_636 : memref<128xi32, #tpu.memory_space<vmem>>) semaphore(%arg22 : memref<!tpu.dma_semaphore, #tpu.memory_space<semaphore_mem>>) {add = true}
      %dma_start3A_640 = arith.constant 5 : i32
      %dma_start3A_641 = arith.constant 0 : i32
      %dma_start3A_642 = tpu.memref_slice %arg13[%dma_start3A_640, %dma_start3A_641] : memref<8x128xi32, #tpu.memory_space<vmem>> -> memref<1x128xi32, #tpu.memory_space<vmem>>
      %dma_start3A_643 = tpu.memref_squeeze %dma_start3A_642 : memref<1x128xi32, #tpu.memory_space<vmem>> -> memref<128xi32, #tpu.memory_space<vmem>>
      %dma_start3A_644 = arith.constant 0 : i32
      %dma_start3A_645 = arith.constant 0 : i32
      %dma_start3A_646 = tpu.memref_slice %arg24[%dma_start3A_644, %dma_start3A_645] : memref<10000x16xf32, #tpu.memory_space<vmem_shared>> -> memref<10000x16xf32, #tpu.memory_space<vmem_shared>>
      tpu.enqueue_indirect_dma source(%arg23 : memref<128x16xf32, #tpu.memory_space<vmem>>) target(%dma_start3A_646 : memref<10000x16xf32, #tpu.memory_space<vmem_shared>>) offsets(%dma_start3A_643 : memref<128xi32, #tpu.memory_space<vmem>>) semaphore(%arg26 : memref<!tpu.dma_semaphore, #tpu.memory_space<semaphore_mem>>) {add = true}
      %dma_wait3A_647 = arith.constant 0 : i32
      %dma_wait3A_648 = arith.constant 0 : i32
      %dma_wait3A_649 = tpu.memref_slice %arg12[%dma_wait3A_647, %dma_wait3A_648] : memref<8x128xi32, #tpu.memory_space<vmem>> -> memref<1x128xi32, #tpu.memory_space<vmem>>
      %dma_wait3A_650 = tpu.memref_squeeze %dma_wait3A_649 : memref<1x128xi32, #tpu.memory_space<vmem>> -> memref<128xi32, #tpu.memory_space<vmem>>
      %dma_wait3A_651 = arith.constant 0 : i32
      %dma_wait3A_652 = arith.constant 0 : i32
      %dma_wait3A_653 = tpu.memref_slice %arg16[%dma_wait3A_651, %dma_wait3A_652] : memref<10000x128xf32, #tpu.memory_space<vmem_shared>> -> memref<10000x128xf32, #tpu.memory_space<vmem_shared>>
      tpu.wait_indirect_dma semaphore(%arg21 : memref<!tpu.dma_semaphore, #tpu.memory_space<semaphore_mem>>) src(%arg14 : memref<128x128xf32, #tpu.memory_space<vmem>>) dst(%dma_wait3A_653 : memref<10000x128xf32, #tpu.memory_space<vmem_shared>>)
      %dma_wait3A_654 = arith.constant 0 : i32
      %dma_wait3A_655 = arith.constant 0 : i32
      %dma_wait3A_656 = tpu.memref_slice %arg12[%dma_wait3A_654, %dma_wait3A_655] : memref<8x128xi32, #tpu.memory_space<vmem>> -> memref<1x128xi32, #tpu.memory_space<vmem>>
      %dma_wait3A_657 = tpu.memref_squeeze %dma_wait3A_656 : memref<1x128xi32, #tpu.memory_space<vmem>> -> memref<128xi32, #tpu.memory_space<vmem>>
      %dma_wait3A_658 = arith.constant 0 : i32
      %dma_wait3A_659 = arith.constant 0 : i32
      %dma_wait3A_660 = tpu.memref_slice %arg24[%dma_wait3A_658, %dma_wait3A_659] : memref<10000x16xf32, #tpu.memory_space<vmem_shared>> -> memref<10000x16xf32, #tpu.memory_space<vmem_shared>>
      tpu.wait_indirect_dma semaphore(%arg25 : memref<!tpu.dma_semaphore, #tpu.memory_space<semaphore_mem>>) src(%arg23 : memref<128x16xf32, #tpu.memory_space<vmem>>) dst(%dma_wait3A_660 : memref<10000x16xf32, #tpu.memory_space<vmem_shared>>)
      %dma_start3A_661 = arith.constant 6 : i32
      %dma_start3A_662 = arith.constant 0 : i32
      %dma_start3A_663 = tpu.memref_slice %arg11[%dma_start3A_661, %dma_start3A_662] : memref<8x128xi32, #tpu.memory_space<vmem>> -> memref<1x128xi32, #tpu.memory_space<vmem>>
      %dma_start3A_664 = tpu.memref_squeeze %dma_start3A_663 : memref<1x128xi32, #tpu.memory_space<vmem>> -> memref<128xi32, #tpu.memory_space<vmem>>
      %dma_start3A_665 = arith.constant 0 : i32
      %dma_start3A_666 = arith.constant 0 : i32
      %dma_start3A_667 = tpu.memref_slice %arg2[%dma_start3A_665, %dma_start3A_666] : memref<10000x128xf32, #tpu.memory_space<hbm>> -> memref<10000x128xf32, #tpu.memory_space<hbm>>
      tpu.enqueue_indirect_dma source(%dma_start3A_667 : memref<10000x128xf32, #tpu.memory_space<hbm>>) target(%arg14 : memref<128x128xf32, #tpu.memory_space<vmem>>) offsets(%dma_start3A_664 : memref<128xi32, #tpu.memory_space<vmem>>) semaphore(%arg19 : memref<!tpu.dma_semaphore, #tpu.memory_space<semaphore_mem>>)
      %dma_wait3A_668 = arith.constant 0 : i32
      %dma_wait3A_669 = arith.constant 0 : i32
      %dma_wait3A_670 = tpu.memref_slice %arg10[%dma_wait3A_668, %dma_wait3A_669] : memref<8x128xi32, #tpu.memory_space<vmem>> -> memref<1x128xi32, #tpu.memory_space<vmem>>
      %dma_wait3A_671 = tpu.memref_squeeze %dma_wait3A_670 : memref<1x128xi32, #tpu.memory_space<vmem>> -> memref<128xi32, #tpu.memory_space<vmem>>
      %dma_wait3A_672 = arith.constant 0 : i32
      %dma_wait3A_673 = arith.constant 0 : i32
      %dma_wait3A_674 = tpu.memref_slice %arg2[%dma_wait3A_672, %dma_wait3A_673] : memref<10000x128xf32, #tpu.memory_space<hbm>> -> memref<10000x128xf32, #tpu.memory_space<hbm>>
      tpu.wait_indirect_dma semaphore(%arg19 : memref<!tpu.dma_semaphore, #tpu.memory_space<semaphore_mem>>) src(%dma_wait3A_674 : memref<10000x128xf32, #tpu.memory_space<hbm>>) dst(%arg14 : memref<128x128xf32, #tpu.memory_space<vmem>>)
      %dma_start3A_675 = arith.constant 6 : i32
      %dma_start3A_676 = arith.constant 0 : i32
      %dma_start3A_677 = tpu.memref_slice %arg13[%dma_start3A_675, %dma_start3A_676] : memref<8x128xi32, #tpu.memory_space<vmem>> -> memref<1x128xi32, #tpu.memory_space<vmem>>
      %dma_start3A_678 = tpu.memref_squeeze %dma_start3A_677 : memref<1x128xi32, #tpu.memory_space<vmem>> -> memref<128xi32, #tpu.memory_space<vmem>>
      %dma_start3A_679 = arith.constant 0 : i32
      %dma_start3A_680 = arith.constant 0 : i32
      %dma_start3A_681 = tpu.memref_slice %arg16[%dma_start3A_679, %dma_start3A_680] : memref<10000x128xf32, #tpu.memory_space<vmem_shared>> -> memref<10000x128xf32, #tpu.memory_space<vmem_shared>>
      tpu.enqueue_indirect_dma source(%arg14 : memref<128x128xf32, #tpu.memory_space<vmem>>) target(%dma_start3A_681 : memref<10000x128xf32, #tpu.memory_space<vmem_shared>>) offsets(%dma_start3A_678 : memref<128xi32, #tpu.memory_space<vmem>>) semaphore(%arg21 : memref<!tpu.dma_semaphore, #tpu.memory_space<semaphore_mem>>) {add = true}
      %dma_start3A_682 = arith.constant 6 : i32
      %dma_start3A_683 = arith.constant 0 : i32
      %dma_start3A_684 = tpu.memref_slice %arg13[%dma_start3A_682, %dma_start3A_683] : memref<8x128xi32, #tpu.memory_space<vmem>> -> memref<1x128xi32, #tpu.memory_space<vmem>>
      %dma_start3A_685 = tpu.memref_squeeze %dma_start3A_684 : memref<1x128xi32, #tpu.memory_space<vmem>> -> memref<128xi32, #tpu.memory_space<vmem>>
      %dma_start3A_686 = arith.constant 0 : i32
      %dma_start3A_687 = arith.constant 0 : i32
      %dma_start3A_688 = tpu.memref_slice %arg24[%dma_start3A_686, %dma_start3A_687] : memref<10000x16xf32, #tpu.memory_space<vmem_shared>> -> memref<10000x16xf32, #tpu.memory_space<vmem_shared>>
      tpu.enqueue_indirect_dma source(%arg23 : memref<128x16xf32, #tpu.memory_space<vmem>>) target(%dma_start3A_688 : memref<10000x16xf32, #tpu.memory_space<vmem_shared>>) offsets(%dma_start3A_685 : memref<128xi32, #tpu.memory_space<vmem>>) semaphore(%arg25 : memref<!tpu.dma_semaphore, #tpu.memory_space<semaphore_mem>>) {add = true}
      %dma_wait3A_689 = arith.constant 0 : i32
      %dma_wait3A_690 = arith.constant 0 : i32
      %dma_wait3A_691 = tpu.memref_slice %arg12[%dma_wait3A_689, %dma_wait3A_690] : memref<8x128xi32, #tpu.memory_space<vmem>> -> memref<1x128xi32, #tpu.memory_space<vmem>>
      %dma_wait3A_692 = tpu.memref_squeeze %dma_wait3A_691 : memref<1x128xi32, #tpu.memory_space<vmem>> -> memref<128xi32, #tpu.memory_space<vmem>>
      %dma_wait3A_693 = arith.constant 0 : i32
      %dma_wait3A_694 = arith.constant 0 : i32
      %dma_wait3A_695 = tpu.memref_slice %arg16[%dma_wait3A_693, %dma_wait3A_694] : memref<10000x128xf32, #tpu.memory_space<vmem_shared>> -> memref<10000x128xf32, #tpu.memory_space<vmem_shared>>
      tpu.wait_indirect_dma semaphore(%arg22 : memref<!tpu.dma_semaphore, #tpu.memory_space<semaphore_mem>>) src(%arg15 : memref<128x128xf32, #tpu.memory_space<vmem>>) dst(%dma_wait3A_695 : memref<10000x128xf32, #tpu.memory_space<vmem_shared>>)
      %dma_wait3A_696 = arith.constant 0 : i32
      %dma_wait3A_697 = arith.constant 0 : i32
      %dma_wait3A_698 = tpu.memref_slice %arg12[%dma_wait3A_696, %dma_wait3A_697] : memref<8x128xi32, #tpu.memory_space<vmem>> -> memref<1x128xi32, #tpu.memory_space<vmem>>
      %dma_wait3A_699 = tpu.memref_squeeze %dma_wait3A_698 : memref<1x128xi32, #tpu.memory_space<vmem>> -> memref<128xi32, #tpu.memory_space<vmem>>
      %dma_wait3A_700 = arith.constant 0 : i32
      %dma_wait3A_701 = arith.constant 0 : i32
      %dma_wait3A_702 = tpu.memref_slice %arg24[%dma_wait3A_700, %dma_wait3A_701] : memref<10000x16xf32, #tpu.memory_space<vmem_shared>> -> memref<10000x16xf32, #tpu.memory_space<vmem_shared>>
      tpu.wait_indirect_dma semaphore(%arg26 : memref<!tpu.dma_semaphore, #tpu.memory_space<semaphore_mem>>) src(%arg23 : memref<128x16xf32, #tpu.memory_space<vmem>>) dst(%dma_wait3A_702 : memref<10000x16xf32, #tpu.memory_space<vmem_shared>>)
      %dma_start3A_703 = arith.constant 7 : i32
      %dma_start3A_704 = arith.constant 0 : i32
      %dma_start3A_705 = tpu.memref_slice %arg11[%dma_start3A_703, %dma_start3A_704] : memref<8x128xi32, #tpu.memory_space<vmem>> -> memref<1x128xi32, #tpu.memory_space<vmem>>
      %dma_start3A_706 = tpu.memref_squeeze %dma_start3A_705 : memref<1x128xi32, #tpu.memory_space<vmem>> -> memref<128xi32, #tpu.memory_space<vmem>>
      %dma_start3A_707 = arith.constant 0 : i32
      %dma_start3A_708 = arith.constant 0 : i32
      %dma_start3A_709 = tpu.memref_slice %arg2[%dma_start3A_707, %dma_start3A_708] : memref<10000x128xf32, #tpu.memory_space<hbm>> -> memref<10000x128xf32, #tpu.memory_space<hbm>>
      tpu.enqueue_indirect_dma source(%dma_start3A_709 : memref<10000x128xf32, #tpu.memory_space<hbm>>) target(%arg15 : memref<128x128xf32, #tpu.memory_space<vmem>>) offsets(%dma_start3A_706 : memref<128xi32, #tpu.memory_space<vmem>>) semaphore(%arg20 : memref<!tpu.dma_semaphore, #tpu.memory_space<semaphore_mem>>)
      %dma_wait3A_710 = arith.constant 0 : i32
      %dma_wait3A_711 = arith.constant 0 : i32
      %dma_wait3A_712 = tpu.memref_slice %arg10[%dma_wait3A_710, %dma_wait3A_711] : memref<8x128xi32, #tpu.memory_space<vmem>> -> memref<1x128xi32, #tpu.memory_space<vmem>>
      %dma_wait3A_713 = tpu.memref_squeeze %dma_wait3A_712 : memref<1x128xi32, #tpu.memory_space<vmem>> -> memref<128xi32, #tpu.memory_space<vmem>>
      %dma_wait3A_714 = arith.constant 0 : i32
      %dma_wait3A_715 = arith.constant 0 : i32
      %dma_wait3A_716 = tpu.memref_slice %arg2[%dma_wait3A_714, %dma_wait3A_715] : memref<10000x128xf32, #tpu.memory_space<hbm>> -> memref<10000x128xf32, #tpu.memory_space<hbm>>
      tpu.wait_indirect_dma semaphore(%arg20 : memref<!tpu.dma_semaphore, #tpu.memory_space<semaphore_mem>>) src(%dma_wait3A_716 : memref<10000x128xf32, #tpu.memory_space<hbm>>) dst(%arg15 : memref<128x128xf32, #tpu.memory_space<vmem>>)
      %dma_start3A_717 = arith.constant 7 : i32
      %dma_start3A_718 = arith.constant 0 : i32
      %dma_start3A_719 = tpu.memref_slice %arg13[%dma_start3A_717, %dma_start3A_718] : memref<8x128xi32, #tpu.memory_space<vmem>> -> memref<1x128xi32, #tpu.memory_space<vmem>>
      %dma_start3A_720 = tpu.memref_squeeze %dma_start3A_719 : memref<1x128xi32, #tpu.memory_space<vmem>> -> memref<128xi32, #tpu.memory_space<vmem>>
      %dma_start3A_721 = arith.constant 0 : i32
      %dma_start3A_722 = arith.constant 0 : i32
      %dma_start3A_723 = tpu.memref_slice %arg16[%dma_start3A_721, %dma_start3A_722] : memref<10000x128xf32, #tpu.memory_space<vmem_shared>> -> memref<10000x128xf32, #tpu.memory_space<vmem_shared>>
      tpu.enqueue_indirect_dma source(%arg15 : memref<128x128xf32, #tpu.memory_space<vmem>>) target(%dma_start3A_723 : memref<10000x128xf32, #tpu.memory_space<vmem_shared>>) offsets(%dma_start3A_720 : memref<128xi32, #tpu.memory_space<vmem>>) semaphore(%arg22 : memref<!tpu.dma_semaphore, #tpu.memory_space<semaphore_mem>>) {add = true}
      %dma_start3A_724 = arith.constant 7 : i32
      %dma_start3A_725 = arith.constant 0 : i32
      %dma_start3A_726 = tpu.memref_slice %arg13[%dma_start3A_724, %dma_start3A_725] : memref<8x128xi32, #tpu.memory_space<vmem>> -> memref<1x128xi32, #tpu.memory_space<vmem>>
      %dma_start3A_727 = tpu.memref_squeeze %dma_start3A_726 : memref<1x128xi32, #tpu.memory_space<vmem>> -> memref<128xi32, #tpu.memory_space<vmem>>
      %dma_start3A_728 = arith.constant 0 : i32
      %dma_start3A_729 = arith.constant 0 : i32
      %dma_start3A_730 = tpu.memref_slice %arg24[%dma_start3A_728, %dma_start3A_729] : memref<10000x16xf32, #tpu.memory_space<vmem_shared>> -> memref<10000x16xf32, #tpu.memory_space<vmem_shared>>
      tpu.enqueue_indirect_dma source(%arg23 : memref<128x16xf32, #tpu.memory_space<vmem>>) target(%dma_start3A_730 : memref<10000x16xf32, #tpu.memory_space<vmem_shared>>) offsets(%dma_start3A_727 : memref<128xi32, #tpu.memory_space<vmem>>) semaphore(%arg26 : memref<!tpu.dma_semaphore, #tpu.memory_space<semaphore_mem>>) {add = true}
      %dma_wait3A_731 = arith.constant 0 : i32
      %dma_wait3A_732 = arith.constant 0 : i32
      %dma_wait3A_733 = tpu.memref_slice %arg12[%dma_wait3A_731, %dma_wait3A_732] : memref<8x128xi32, #tpu.memory_space<vmem>> -> memref<1x128xi32, #tpu.memory_space<vmem>>
      %dma_wait3A_734 = tpu.memref_squeeze %dma_wait3A_733 : memref<1x128xi32, #tpu.memory_space<vmem>> -> memref<128xi32, #tpu.memory_space<vmem>>
      %dma_wait3A_735 = arith.constant 0 : i32
      %dma_wait3A_736 = arith.constant 0 : i32
      %dma_wait3A_737 = tpu.memref_slice %arg16[%dma_wait3A_735, %dma_wait3A_736] : memref<10000x128xf32, #tpu.memory_space<vmem_shared>> -> memref<10000x128xf32, #tpu.memory_space<vmem_shared>>
      tpu.wait_indirect_dma semaphore(%arg21 : memref<!tpu.dma_semaphore, #tpu.memory_space<semaphore_mem>>) src(%arg14 : memref<128x128xf32, #tpu.memory_space<vmem>>) dst(%dma_wait3A_737 : memref<10000x128xf32, #tpu.memory_space<vmem_shared>>)
      %dma_wait3A_738 = arith.constant 0 : i32
      %dma_wait3A_739 = arith.constant 0 : i32
      %dma_wait3A_740 = tpu.memref_slice %arg12[%dma_wait3A_738, %dma_wait3A_739] : memref<8x128xi32, #tpu.memory_space<vmem>> -> memref<1x128xi32, #tpu.memory_space<vmem>>
      %dma_wait3A_741 = tpu.memref_squeeze %dma_wait3A_740 : memref<1x128xi32, #tpu.memory_space<vmem>> -> memref<128xi32, #tpu.memory_space<vmem>>
      %dma_wait3A_742 = arith.constant 0 : i32
      %dma_wait3A_743 = arith.constant 0 : i32
      %dma_wait3A_744 = tpu.memref_slice %arg24[%dma_wait3A_742, %dma_wait3A_743] : memref<10000x16xf32, #tpu.memory_space<vmem_shared>> -> memref<10000x16xf32, #tpu.memory_space<vmem_shared>>
      tpu.wait_indirect_dma semaphore(%arg25 : memref<!tpu.dma_semaphore, #tpu.memory_space<semaphore_mem>>) src(%arg23 : memref<128x16xf32, #tpu.memory_space<vmem>>) dst(%dma_wait3A_744 : memref<10000x16xf32, #tpu.memory_space<vmem_shared>>)
      %lt3A_745 = arith.constant 4 : i32
      %lt3A_746 = arith.cmpi slt, %scan3A_58, %lt3A_745 : i32
      %convert_element_type3A_747 = arith.extui %lt3A_746 : i1 to i32
      %cond3A_748 = arith.constant 0 : i32
      %cond3A_749 = arith.cmpi ne, %convert_element_type3A_747, %cond3A_748 : i32
      scf.if %cond3A_749 {
        %dma_wait3A_754 = arith.constant 0 : i32
        %dma_wait3A_755 = arith.constant 0 : i32
        %dma_wait3A_756 = tpu.memref_slice %arg3[%dma_wait3A_754, %dma_wait3A_755] : memref<2560x128xi32, #tpu.memory_space<hbm>> -> memref<8x128xi32, #tpu.memory_space<hbm>>
        %dma_wait3A_757 = arith.constant 0 : i32
        %dma_wait3A_758 = arith.constant 0 : i32
        %dma_wait3A_759 = tpu.memref_slice %arg3[%dma_wait3A_757, %dma_wait3A_758] : memref<2560x128xi32, #tpu.memory_space<hbm>> -> memref<8x128xi32, #tpu.memory_space<hbm>>
        tpu.wait_dma2 semaphore(%arg17 : memref<!tpu.dma_semaphore, #tpu.memory_space<semaphore_mem>>) src(%dma_wait3A_759 : memref<8x128xi32, #tpu.memory_space<hbm>>) dst(%arg10 : memref<8x128xi32, #tpu.memory_space<vmem>>)
        %dma_wait3A_760 = arith.constant 0 : i32
        %dma_wait3A_761 = arith.constant 0 : i32
        %dma_wait3A_762 = tpu.memref_slice %arg4[%dma_wait3A_760, %dma_wait3A_761] : memref<2560x128xi32, #tpu.memory_space<hbm>> -> memref<8x128xi32, #tpu.memory_space<hbm>>
        %dma_wait3A_763 = arith.constant 0 : i32
        %dma_wait3A_764 = arith.constant 0 : i32
        %dma_wait3A_765 = tpu.memref_slice %arg4[%dma_wait3A_763, %dma_wait3A_764] : memref<2560x128xi32, #tpu.memory_space<hbm>> -> memref<8x128xi32, #tpu.memory_space<hbm>>
        tpu.wait_dma2 semaphore(%arg17 : memref<!tpu.dma_semaphore, #tpu.memory_space<semaphore_mem>>) src(%dma_wait3A_765 : memref<8x128xi32, #tpu.memory_space<hbm>>) dst(%arg12 : memref<8x128xi32, #tpu.memory_space<vmem>>)
        %dma_start3A_766 = arith.constant 0 : i32
        %dma_start3A_767 = arith.constant 0 : i32
        %dma_start3A_768 = tpu.memref_slice %arg10[%dma_start3A_766, %dma_start3A_767] : memref<8x128xi32, #tpu.memory_space<vmem>> -> memref<1x128xi32, #tpu.memory_space<vmem>>
        %dma_start3A_769 = tpu.memref_squeeze %dma_start3A_768 : memref<1x128xi32, #tpu.memory_space<vmem>> -> memref<128xi32, #tpu.memory_space<vmem>>
        %dma_start3A_770 = arith.constant 0 : i32
        %dma_start3A_771 = arith.constant 0 : i32
        %dma_start3A_772 = tpu.memref_slice %arg2[%dma_start3A_770, %dma_start3A_771] : memref<10000x128xf32, #tpu.memory_space<hbm>> -> memref<10000x128xf32, #tpu.memory_space<hbm>>
        tpu.enqueue_indirect_dma source(%dma_start3A_772 : memref<10000x128xf32, #tpu.memory_space<hbm>>) target(%arg14 : memref<128x128xf32, #tpu.memory_space<vmem>>) offsets(%dma_start3A_769 : memref<128xi32, #tpu.memory_space<vmem>>) semaphore(%arg19 : memref<!tpu.dma_semaphore, #tpu.memory_space<semaphore_mem>>)
      } else {
      }
      %eq3A = arith.constant 4 : i32
      %eq3A_750 = arith.cmpi eq, %scan3A_58, %eq3A : i32
      %convert_element_type3A_751 = arith.extui %eq3A_750 : i1 to i32
      %cond3A_752 = arith.constant 0 : i32
      %cond3A_753 = arith.cmpi ne, %convert_element_type3A_751, %cond3A_752 : i32
      scf.if %cond3A_753 {
        %dma_wait3A_754 = arith.constant 0 : i32
        %dma_wait3A_755 = arith.constant 0 : i32
        %dma_wait3A_756 = tpu.memref_slice %arg12[%dma_wait3A_754, %dma_wait3A_755] : memref<8x128xi32, #tpu.memory_space<vmem>> -> memref<1x128xi32, #tpu.memory_space<vmem>>
        %dma_wait3A_757 = tpu.memref_squeeze %dma_wait3A_756 : memref<1x128xi32, #tpu.memory_space<vmem>> -> memref<128xi32, #tpu.memory_space<vmem>>
        %dma_wait3A_758 = arith.constant 0 : i32
        %dma_wait3A_759 = arith.constant 0 : i32
        %dma_wait3A_760 = tpu.memref_slice %arg16[%dma_wait3A_758, %dma_wait3A_759] : memref<10000x128xf32, #tpu.memory_space<vmem_shared>> -> memref<10000x128xf32, #tpu.memory_space<vmem_shared>>
        tpu.wait_indirect_dma semaphore(%arg22 : memref<!tpu.dma_semaphore, #tpu.memory_space<semaphore_mem>>) src(%arg15 : memref<128x128xf32, #tpu.memory_space<vmem>>) dst(%dma_wait3A_760 : memref<10000x128xf32, #tpu.memory_space<vmem_shared>>)
        %dma_wait3A_761 = arith.constant 0 : i32
        %dma_wait3A_762 = arith.constant 0 : i32
        %dma_wait3A_763 = tpu.memref_slice %arg12[%dma_wait3A_761, %dma_wait3A_762] : memref<8x128xi32, #tpu.memory_space<vmem>> -> memref<1x128xi32, #tpu.memory_space<vmem>>
        %dma_wait3A_764 = tpu.memref_squeeze %dma_wait3A_763 : memref<1x128xi32, #tpu.memory_space<vmem>> -> memref<128xi32, #tpu.memory_space<vmem>>
        %dma_wait3A_765 = arith.constant 0 : i32
        %dma_wait3A_766 = arith.constant 0 : i32
        %dma_wait3A_767 = tpu.memref_slice %arg24[%dma_wait3A_765, %dma_wait3A_766] : memref<10000x16xf32, #tpu.memory_space<vmem_shared>> -> memref<10000x16xf32, #tpu.memory_space<vmem_shared>>
        tpu.wait_indirect_dma semaphore(%arg26 : memref<!tpu.dma_semaphore, #tpu.memory_space<semaphore_mem>>) src(%arg23 : memref<128x16xf32, #tpu.memory_space<vmem>>) dst(%dma_wait3A_767 : memref<10000x16xf32, #tpu.memory_space<vmem_shared>>)
      } else {
      }
    }
    %scan3A_42 = arith.constant 5 : i32
    %barrier3A_43 = arith.constant 0 : index
    tpu.barrier barrier_id(%barrier3A_43)
    %mul3A_44 = arith.constant 625 : i32
    %mul3A_45 = arith.muli %arg1, %mul3A_44 : i32
    %mul3A_46 = arith.constant 10000 : i32
    %mul3A_47 = arith.muli %arg0, %mul3A_46 : i32
    %mul3A_48 = arith.constant 625 : i32
    %mul3A_49 = arith.muli %arg1, %mul3A_48 : i32
    %add3A_50 = arith.addi %mul3A_47, %mul3A_49 : i32
    "tpu.region"() ({
      %run_scoped3A = tpu.sem_alloc : memref<!tpu.dma_semaphore, #tpu.memory_space<semaphore_mem>>
      %dma_start3A_58 = arith.constant 0 : i32
      %dma_start3A_59 = tpu.memref_slice %arg8[%add3A_50, %dma_start3A_58] : memref<20000x128xf32, #tpu.memory_space<hbm>> -> memref<625x128xf32, #tpu.memory_space<hbm>>
      %dma_start3A_60 = arith.constant 0 : i32
      %dma_start3A_61 = tpu.memref_slice %arg16[%mul3A_45, %dma_start3A_60] : memref<10000x128xf32, #tpu.memory_space<vmem_shared>> -> memref<625x128xf32, #tpu.memory_space<vmem_shared>>
      tpu.enqueue_dma source(%dma_start3A_61 : memref<625x128xf32, #tpu.memory_space<vmem_shared>>) target(%dma_start3A_59 : memref<625x128xf32, #tpu.memory_space<hbm>>) target_semaphore(%run_scoped3A : memref<!tpu.dma_semaphore, #tpu.memory_space<semaphore_mem>>)
      %dma_wait3A_62 = arith.constant 0 : i32
      %dma_wait3A_63 = tpu.memref_slice %arg8[%add3A_50, %dma_wait3A_62] : memref<20000x128xf32, #tpu.memory_space<hbm>> -> memref<625x128xf32, #tpu.memory_space<hbm>>
      %dma_wait3A_64 = arith.constant 0 : i32
      %dma_wait3A_65 = tpu.memref_slice %arg16[%mul3A_45, %dma_wait3A_64] : memref<10000x128xf32, #tpu.memory_space<vmem_shared>> -> memref<625x128xf32, #tpu.memory_space<vmem_shared>>
      tpu.wait_dma2 semaphore(%run_scoped3A : memref<!tpu.dma_semaphore, #tpu.memory_space<semaphore_mem>>) src(%dma_wait3A_65 : memref<625x128xf32, #tpu.memory_space<vmem_shared>>) dst(%dma_wait3A_63 : memref<625x128xf32, #tpu.memory_space<hbm>>)
      tpu.yield
    }) : () -> ()
    %mul3A_51 = arith.constant 625 : i32
    %mul3A_52 = arith.muli %arg1, %mul3A_51 : i32
    %mul3A_53 = arith.constant 10000 : i32
    %mul3A_54 = arith.muli %arg0, %mul3A_53 : i32
    %mul3A_55 = arith.constant 625 : i32
    %mul3A_56 = arith.muli %arg1, %mul3A_55 : i32
    %add3A_57 = arith.addi %mul3A_54, %mul3A_56 : i32
    "tpu.region"() ({
      %run_scoped3A = tpu.sem_alloc : memref<!tpu.dma_semaphore, #tpu.memory_space<semaphore_mem>>
      %dma_start3A_58 = arith.constant 0 : i32
      %dma_start3A_59 = tpu.memref_slice %arg9[%add3A_57, %dma_start3A_58] : memref<20000x16xf32, #tpu.memory_space<hbm>> -> memref<625x16xf32, #tpu.memory_space<hbm>>
      %dma_start3A_60 = arith.constant 0 : i32
      %dma_start3A_61 = tpu.memref_slice %arg24[%mul3A_52, %dma_start3A_60] : memref<10000x16xf32, #tpu.memory_space<vmem_shared>> -> memref<625x16xf32, #tpu.memory_space<vmem_shared>>
      tpu.enqueue_dma source(%dma_start3A_61 : memref<625x16xf32, #tpu.memory_space<vmem_shared>>) target(%dma_start3A_59 : memref<625x16xf32, #tpu.memory_space<hbm>>) target_semaphore(%run_scoped3A : memref<!tpu.dma_semaphore, #tpu.memory_space<semaphore_mem>>)
      %dma_wait3A_62 = arith.constant 0 : i32
      %dma_wait3A_63 = tpu.memref_slice %arg9[%add3A_57, %dma_wait3A_62] : memref<20000x16xf32, #tpu.memory_space<hbm>> -> memref<625x16xf32, #tpu.memory_space<hbm>>
      %dma_wait3A_64 = arith.constant 0 : i32
      %dma_wait3A_65 = tpu.memref_slice %arg24[%mul3A_52, %dma_wait3A_64] : memref<10000x16xf32, #tpu.memory_space<vmem_shared>> -> memref<625x16xf32, #tpu.memory_space<vmem_shared>>
      tpu.wait_dma2 semaphore(%run_scoped3A : memref<!tpu.dma_semaphore, #tpu.memory_space<semaphore_mem>>) src(%dma_wait3A_65 : memref<625x16xf32, #tpu.memory_space<vmem_shared>>) dst(%dma_wait3A_63 : memref<625x16xf32, #tpu.memory_space<hbm>>)
      tpu.yield
    }) : () -> ()
    return
  }
}

#map = affine_map<(d0, d1) -> (0, 0)>
module attributes {stable_mosaic.version = 14 : i64} {
  func.func @body(%arg0: i32, %arg1: i32, %arg2: memref<10000x128xf32, #tpu.memory_space<hbm>>, %arg3: memref<2560x128xi32, #tpu.memory_space<hbm>>, %arg4: memref<2560x128xi32, #tpu.memory_space<hbm>>, %arg5: memref<10000x128xf32, #tpu.memory_space<hbm>>, %arg6: memref<20000x128xf32, #tpu.memory_space<hbm>>, %arg7: memref<8x128xi32, #tpu.memory_space<vmem>>, %arg8: memref<8x128xi32, #tpu.memory_space<vmem>>, %arg9: memref<8x128xi32, #tpu.memory_space<vmem>>, %arg10: memref<8x128xi32, #tpu.memory_space<vmem>>, %arg11: memref<128x128xf32, #tpu.memory_space<vmem>>, %arg12: memref<128x128xf32, #tpu.memory_space<vmem>>, %arg13: memref<10000x128xf32, #tpu.memory_space<vmem_shared>>, %arg14: memref<!tpu.dma_semaphore, #tpu.memory_space<semaphore_mem>>, %arg15: memref<!tpu.dma_semaphore, #tpu.memory_space<semaphore_mem>>, %arg16: memref<!tpu.dma_semaphore, #tpu.memory_space<semaphore_mem>>, %arg17: memref<!tpu.dma_semaphore, #tpu.memory_space<semaphore_mem>>, %arg18: memref<!tpu.dma_semaphore, #tpu.memory_space<semaphore_mem>>, %arg19: memref<!tpu.dma_semaphore, #tpu.memory_space<semaphore_mem>>) attributes {dimension_semantics = [#tpu.dimension_semantics<core_parallel>, #tpu.dimension_semantics<subcore_parallel>], iteration_bounds = array<i64: 2, 16>, scalar_prefetch = 0 : i64, scratch_operands = 13 : i64, tpu.core_type = #tpu.core_type<sc_vector_subcore>, window_params = [{transform_indices = #map}, {transform_indices = #map}, {transform_indices = #map}, {transform_indices = #map}, {transform_indices = #map}]} {
    %mul3A = arith.constant 2 : i32
    %mul3A_0 = arith.muli %arg1, %mul3A : i32
    %add3A = arith.addi %mul3A_0, %arg0 : i32
    %mul3A_1 = arith.constant 625 : i32
    %mul3A_2 = arith.muli %arg1, %mul3A_1 : i32
    %mul3A_3 = arith.constant 625 : i32
    %mul3A_4 = arith.muli %arg1, %mul3A_3 : i32
    "tpu.region"() ({
      %run_scoped3A = tpu.sem_alloc : memref<!tpu.dma_semaphore, #tpu.memory_space<semaphore_mem>>
      %dma_start3A_47 = arith.constant 0 : i32
      %dma_start3A_48 = tpu.memref_slice %arg13[%mul3A_4, %dma_start3A_47] : memref<10000x128xf32, #tpu.memory_space<vmem_shared>> -> memref<625x128xf32, #tpu.memory_space<vmem_shared>>
      %dma_start3A_49 = arith.constant 0 : i32
      %dma_start3A_50 = tpu.memref_slice %arg5[%mul3A_2, %dma_start3A_49] : memref<10000x128xf32, #tpu.memory_space<hbm>> -> memref<625x128xf32, #tpu.memory_space<hbm>>
      tpu.enqueue_dma source(%dma_start3A_50 : memref<625x128xf32, #tpu.memory_space<hbm>>) target(%dma_start3A_48 : memref<625x128xf32, #tpu.memory_space<vmem_shared>>) target_semaphore(%run_scoped3A : memref<!tpu.dma_semaphore, #tpu.memory_space<semaphore_mem>>)
      %dma_wait3A_51 = arith.constant 0 : i32
      %dma_wait3A_52 = tpu.memref_slice %arg13[%mul3A_4, %dma_wait3A_51] : memref<10000x128xf32, #tpu.memory_space<vmem_shared>> -> memref<625x128xf32, #tpu.memory_space<vmem_shared>>
      %dma_wait3A_53 = arith.constant 0 : i32
      %dma_wait3A_54 = tpu.memref_slice %arg5[%mul3A_2, %dma_wait3A_53] : memref<10000x128xf32, #tpu.memory_space<hbm>> -> memref<625x128xf32, #tpu.memory_space<hbm>>
      tpu.wait_dma2 semaphore(%run_scoped3A : memref<!tpu.dma_semaphore, #tpu.memory_space<semaphore_mem>>) src(%dma_wait3A_54 : memref<625x128xf32, #tpu.memory_space<hbm>>) dst(%dma_wait3A_52 : memref<625x128xf32, #tpu.memory_space<vmem_shared>>)
      tpu.yield
    }) : () -> ()
    %barrier3A = arith.constant 0 : index
    tpu.barrier barrier_id(%barrier3A)
    %add3A_5 = arith.constant 0 : i32
    %add3A_6 = arith.addi %add3A_5, %add3A : i32
    %mul3A_7 = arith.constant 8 : i32
    %mul3A_8 = arith.muli %add3A_6, %mul3A_7 : i32
    %dma_start3A = arith.constant 0 : i32
    %dma_start3A_9 = tpu.memref_slice %arg3[%mul3A_8, %dma_start3A] : memref<2560x128xi32, #tpu.memory_space<hbm>> -> memref<8x128xi32, #tpu.memory_space<hbm>>
    %dma_start3A_10 = arith.constant 0 : i32
    %dma_start3A_11 = tpu.memref_slice %arg3[%mul3A_8, %dma_start3A_10] : memref<2560x128xi32, #tpu.memory_space<hbm>> -> memref<8x128xi32, #tpu.memory_space<hbm>>
    tpu.enqueue_dma source(%dma_start3A_11 : memref<8x128xi32, #tpu.memory_space<hbm>>) target(%arg7 : memref<8x128xi32, #tpu.memory_space<vmem>>) target_semaphore(%arg14 : memref<!tpu.dma_semaphore, #tpu.memory_space<semaphore_mem>>)
    %dma_start3A_12 = arith.constant 0 : i32
    %dma_start3A_13 = tpu.memref_slice %arg4[%mul3A_8, %dma_start3A_12] : memref<2560x128xi32, #tpu.memory_space<hbm>> -> memref<8x128xi32, #tpu.memory_space<hbm>>
    %dma_start3A_14 = arith.constant 0 : i32
    %dma_start3A_15 = tpu.memref_slice %arg4[%mul3A_8, %dma_start3A_14] : memref<2560x128xi32, #tpu.memory_space<hbm>> -> memref<8x128xi32, #tpu.memory_space<hbm>>
    tpu.enqueue_dma source(%dma_start3A_15 : memref<8x128xi32, #tpu.memory_space<hbm>>) target(%arg9 : memref<8x128xi32, #tpu.memory_space<vmem>>) target_semaphore(%arg14 : memref<!tpu.dma_semaphore, #tpu.memory_space<semaphore_mem>>)
    %dma_wait3A = arith.constant 0 : i32
    %dma_wait3A_16 = arith.constant 0 : i32
    %dma_wait3A_17 = tpu.memref_slice %arg3[%dma_wait3A, %dma_wait3A_16] : memref<2560x128xi32, #tpu.memory_space<hbm>> -> memref<8x128xi32, #tpu.memory_space<hbm>>
    %dma_wait3A_18 = arith.constant 0 : i32
    %dma_wait3A_19 = arith.constant 0 : i32
    %dma_wait3A_20 = tpu.memref_slice %arg3[%dma_wait3A_18, %dma_wait3A_19] : memref<2560x128xi32, #tpu.memory_space<hbm>> -> memref<8x128xi32, #tpu.memory_space<hbm>>
    tpu.wait_dma2 semaphore(%arg14 : memref<!tpu.dma_semaphore, #tpu.memory_space<semaphore_mem>>) src(%dma_wait3A_20 : memref<8x128xi32, #tpu.memory_space<hbm>>) dst(%arg7 : memref<8x128xi32, #tpu.memory_space<vmem>>)
    %dma_wait3A_21 = arith.constant 0 : i32
    %dma_wait3A_22 = arith.constant 0 : i32
    %dma_wait3A_23 = tpu.memref_slice %arg4[%dma_wait3A_21, %dma_wait3A_22] : memref<2560x128xi32, #tpu.memory_space<hbm>> -> memref<8x128xi32, #tpu.memory_space<hbm>>
    %dma_wait3A_24 = arith.constant 0 : i32
    %dma_wait3A_25 = arith.constant 0 : i32
    %dma_wait3A_26 = tpu.memref_slice %arg4[%dma_wait3A_24, %dma_wait3A_25] : memref<2560x128xi32, #tpu.memory_space<hbm>> -> memref<8x128xi32, #tpu.memory_space<hbm>>
    tpu.wait_dma2 semaphore(%arg14 : memref<!tpu.dma_semaphore, #tpu.memory_space<semaphore_mem>>) src(%dma_wait3A_26 : memref<8x128xi32, #tpu.memory_space<hbm>>) dst(%arg9 : memref<8x128xi32, #tpu.memory_space<vmem>>)
    %dma_start3A_27 = arith.constant 0 : i32
    %dma_start3A_28 = arith.constant 0 : i32
    %dma_start3A_29 = tpu.memref_slice %arg7[%dma_start3A_27, %dma_start3A_28] : memref<8x128xi32, #tpu.memory_space<vmem>> -> memref<1x128xi32, #tpu.memory_space<vmem>>
    %dma_start3A_30 = tpu.memref_squeeze %dma_start3A_29 : memref<1x128xi32, #tpu.memory_space<vmem>> -> memref<128xi32, #tpu.memory_space<vmem>>
    %dma_start3A_31 = arith.constant 0 : i32
    %dma_start3A_32 = arith.constant 0 : i32
    %dma_start3A_33 = tpu.memref_slice %arg2[%dma_start3A_31, %dma_start3A_32] : memref<10000x128xf32, #tpu.memory_space<hbm>> -> memref<10000x128xf32, #tpu.memory_space<hbm>>
    tpu.enqueue_indirect_dma source(%dma_start3A_33 : memref<10000x128xf32, #tpu.memory_space<hbm>>) target(%arg11 : memref<128x128xf32, #tpu.memory_space<vmem>>) offsets(%dma_start3A_30 : memref<128xi32, #tpu.memory_space<vmem>>) semaphore(%arg16 : memref<!tpu.dma_semaphore, #tpu.memory_space<semaphore_mem>>)
    %scan3A = arith.constant 0 : i32
    %scan3A_34 = arith.constant 0 : i32
    %scan3A_35 = arith.constant 5 : i32
    %scan3A_36 = arith.addi %scan3A_34, %scan3A_35 : i32
    %scan3A_37 = arith.constant 1 : i32
    scf.for %scan3A_47 = %scan3A_34 to %scan3A_36 step %scan3A_37  : i32 {
      %mul3A_48 = arith.constant 2 : i32
      %mul3A_49 = arith.muli %mul3A_48, %scan3A_47 : i32
      %dma_wait3A_50 = arith.constant 0 : i32
      %dma_wait3A_51 = arith.constant 0 : i32
      %dma_wait3A_52 = tpu.memref_slice %arg7[%dma_wait3A_50, %dma_wait3A_51] : memref<8x128xi32, #tpu.memory_space<vmem>> -> memref<1x128xi32, #tpu.memory_space<vmem>>
      %dma_wait3A_53 = tpu.memref_squeeze %dma_wait3A_52 : memref<1x128xi32, #tpu.memory_space<vmem>> -> memref<128xi32, #tpu.memory_space<vmem>>
      %dma_wait3A_54 = arith.constant 0 : i32
      %dma_wait3A_55 = arith.constant 0 : i32
      %dma_wait3A_56 = tpu.memref_slice %arg2[%dma_wait3A_54, %dma_wait3A_55] : memref<10000x128xf32, #tpu.memory_space<hbm>> -> memref<10000x128xf32, #tpu.memory_space<hbm>>
      tpu.wait_indirect_dma semaphore(%arg16 : memref<!tpu.dma_semaphore, #tpu.memory_space<semaphore_mem>>) src(%dma_wait3A_56 : memref<10000x128xf32, #tpu.memory_space<hbm>>) dst(%arg11 : memref<128x128xf32, #tpu.memory_space<vmem>>)
      %dma_start3A_57 = arith.constant 0 : i32
      %dma_start3A_58 = arith.constant 0 : i32
      %dma_start3A_59 = tpu.memref_slice %arg9[%dma_start3A_57, %dma_start3A_58] : memref<8x128xi32, #tpu.memory_space<vmem>> -> memref<1x128xi32, #tpu.memory_space<vmem>>
      %dma_start3A_60 = tpu.memref_squeeze %dma_start3A_59 : memref<1x128xi32, #tpu.memory_space<vmem>> -> memref<128xi32, #tpu.memory_space<vmem>>
      %dma_start3A_61 = arith.constant 0 : i32
      %dma_start3A_62 = arith.constant 0 : i32
      %dma_start3A_63 = tpu.memref_slice %arg13[%dma_start3A_61, %dma_start3A_62] : memref<10000x128xf32, #tpu.memory_space<vmem_shared>> -> memref<10000x128xf32, #tpu.memory_space<vmem_shared>>
      tpu.enqueue_indirect_dma source(%arg11 : memref<128x128xf32, #tpu.memory_space<vmem>>) target(%dma_start3A_63 : memref<10000x128xf32, #tpu.memory_space<vmem_shared>>) offsets(%dma_start3A_60 : memref<128xi32, #tpu.memory_space<vmem>>) semaphore(%arg18 : memref<!tpu.dma_semaphore, #tpu.memory_space<semaphore_mem>>) {add = true}
      %gt3A = arith.constant 0 : i32
      %gt3A_64 = arith.cmpi sgt, %scan3A_47, %gt3A : i32
      %convert_element_type3A = arith.extui %gt3A_64 : i1 to i32
      %cond3A = arith.constant 0 : i32
      %cond3A_65 = arith.cmpi ne, %convert_element_type3A, %cond3A : i32
      scf.if %cond3A_65 {
        %dma_wait3A_526 = arith.constant 0 : i32
        %dma_wait3A_527 = arith.constant 0 : i32
        %dma_wait3A_528 = tpu.memref_slice %arg9[%dma_wait3A_526, %dma_wait3A_527] : memref<8x128xi32, #tpu.memory_space<vmem>> -> memref<1x128xi32, #tpu.memory_space<vmem>>
        %dma_wait3A_529 = tpu.memref_squeeze %dma_wait3A_528 : memref<1x128xi32, #tpu.memory_space<vmem>> -> memref<128xi32, #tpu.memory_space<vmem>>
        %dma_wait3A_530 = arith.constant 0 : i32
        %dma_wait3A_531 = arith.constant 0 : i32
        %dma_wait3A_532 = tpu.memref_slice %arg13[%dma_wait3A_530, %dma_wait3A_531] : memref<10000x128xf32, #tpu.memory_space<vmem_shared>> -> memref<10000x128xf32, #tpu.memory_space<vmem_shared>>
        tpu.wait_indirect_dma semaphore(%arg19 : memref<!tpu.dma_semaphore, #tpu.memory_space<semaphore_mem>>) src(%arg12 : memref<128x128xf32, #tpu.memory_space<vmem>>) dst(%dma_wait3A_532 : memref<10000x128xf32, #tpu.memory_space<vmem_shared>>)
      } else {
      }
      %dma_start3A_66 = arith.constant 1 : i32
      %dma_start3A_67 = arith.constant 0 : i32
      %dma_start3A_68 = tpu.memref_slice %arg7[%dma_start3A_66, %dma_start3A_67] : memref<8x128xi32, #tpu.memory_space<vmem>> -> memref<1x128xi32, #tpu.memory_space<vmem>>
      %dma_start3A_69 = tpu.memref_squeeze %dma_start3A_68 : memref<1x128xi32, #tpu.memory_space<vmem>> -> memref<128xi32, #tpu.memory_space<vmem>>
      %dma_start3A_70 = arith.constant 0 : i32
      %dma_start3A_71 = arith.constant 0 : i32
      %dma_start3A_72 = tpu.memref_slice %arg2[%dma_start3A_70, %dma_start3A_71] : memref<10000x128xf32, #tpu.memory_space<hbm>> -> memref<10000x128xf32, #tpu.memory_space<hbm>>
      tpu.enqueue_indirect_dma source(%dma_start3A_72 : memref<10000x128xf32, #tpu.memory_space<hbm>>) target(%arg12 : memref<128x128xf32, #tpu.memory_space<vmem>>) offsets(%dma_start3A_69 : memref<128xi32, #tpu.memory_space<vmem>>) semaphore(%arg17 : memref<!tpu.dma_semaphore, #tpu.memory_space<semaphore_mem>>)
      %dma_wait3A_73 = arith.constant 0 : i32
      %dma_wait3A_74 = arith.constant 0 : i32
      %dma_wait3A_75 = tpu.memref_slice %arg7[%dma_wait3A_73, %dma_wait3A_74] : memref<8x128xi32, #tpu.memory_space<vmem>> -> memref<1x128xi32, #tpu.memory_space<vmem>>
      %dma_wait3A_76 = tpu.memref_squeeze %dma_wait3A_75 : memref<1x128xi32, #tpu.memory_space<vmem>> -> memref<128xi32, #tpu.memory_space<vmem>>
      %dma_wait3A_77 = arith.constant 0 : i32
      %dma_wait3A_78 = arith.constant 0 : i32
      %dma_wait3A_79 = tpu.memref_slice %arg2[%dma_wait3A_77, %dma_wait3A_78] : memref<10000x128xf32, #tpu.memory_space<hbm>> -> memref<10000x128xf32, #tpu.memory_space<hbm>>
      tpu.wait_indirect_dma semaphore(%arg17 : memref<!tpu.dma_semaphore, #tpu.memory_space<semaphore_mem>>) src(%dma_wait3A_79 : memref<10000x128xf32, #tpu.memory_space<hbm>>) dst(%arg12 : memref<128x128xf32, #tpu.memory_space<vmem>>)
      %dma_start3A_80 = arith.constant 1 : i32
      %dma_start3A_81 = arith.constant 0 : i32
      %dma_start3A_82 = tpu.memref_slice %arg9[%dma_start3A_80, %dma_start3A_81] : memref<8x128xi32, #tpu.memory_space<vmem>> -> memref<1x128xi32, #tpu.memory_space<vmem>>
      %dma_start3A_83 = tpu.memref_squeeze %dma_start3A_82 : memref<1x128xi32, #tpu.memory_space<vmem>> -> memref<128xi32, #tpu.memory_space<vmem>>
      %dma_start3A_84 = arith.constant 0 : i32
      %dma_start3A_85 = arith.constant 0 : i32
      %dma_start3A_86 = tpu.memref_slice %arg13[%dma_start3A_84, %dma_start3A_85] : memref<10000x128xf32, #tpu.memory_space<vmem_shared>> -> memref<10000x128xf32, #tpu.memory_space<vmem_shared>>
      tpu.enqueue_indirect_dma source(%arg12 : memref<128x128xf32, #tpu.memory_space<vmem>>) target(%dma_start3A_86 : memref<10000x128xf32, #tpu.memory_space<vmem_shared>>) offsets(%dma_start3A_83 : memref<128xi32, #tpu.memory_space<vmem>>) semaphore(%arg19 : memref<!tpu.dma_semaphore, #tpu.memory_space<semaphore_mem>>) {add = true}
      %dma_wait3A_87 = arith.constant 0 : i32
      %dma_wait3A_88 = arith.constant 0 : i32
      %dma_wait3A_89 = tpu.memref_slice %arg9[%dma_wait3A_87, %dma_wait3A_88] : memref<8x128xi32, #tpu.memory_space<vmem>> -> memref<1x128xi32, #tpu.memory_space<vmem>>
      %dma_wait3A_90 = tpu.memref_squeeze %dma_wait3A_89 : memref<1x128xi32, #tpu.memory_space<vmem>> -> memref<128xi32, #tpu.memory_space<vmem>>
      %dma_wait3A_91 = arith.constant 0 : i32
      %dma_wait3A_92 = arith.constant 0 : i32
      %dma_wait3A_93 = tpu.memref_slice %arg13[%dma_wait3A_91, %dma_wait3A_92] : memref<10000x128xf32, #tpu.memory_space<vmem_shared>> -> memref<10000x128xf32, #tpu.memory_space<vmem_shared>>
      tpu.wait_indirect_dma semaphore(%arg18 : memref<!tpu.dma_semaphore, #tpu.memory_space<semaphore_mem>>) src(%arg11 : memref<128x128xf32, #tpu.memory_space<vmem>>) dst(%dma_wait3A_93 : memref<10000x128xf32, #tpu.memory_space<vmem_shared>>)
      %add3A_94 = arith.constant 1 : i32
      %add3A_95 = arith.addi %mul3A_49, %add3A_94 : i32
      %mul3A_96 = arith.constant 32 : i32
      %mul3A_97 = arith.muli %add3A_95, %mul3A_96 : i32
      %add3A_98 = arith.addi %mul3A_97, %add3A : i32
      %mul3A_99 = arith.constant 8 : i32
      %mul3A_100 = arith.muli %add3A_98, %mul3A_99 : i32
      %dma_start3A_101 = arith.constant 0 : i32
      %dma_start3A_102 = tpu.memref_slice %arg3[%mul3A_100, %dma_start3A_101] : memref<2560x128xi32, #tpu.memory_space<hbm>> -> memref<8x128xi32, #tpu.memory_space<hbm>>
      %dma_start3A_103 = arith.constant 0 : i32
      %dma_start3A_104 = tpu.memref_slice %arg3[%mul3A_100, %dma_start3A_103] : memref<2560x128xi32, #tpu.memory_space<hbm>> -> memref<8x128xi32, #tpu.memory_space<hbm>>
      tpu.enqueue_dma source(%dma_start3A_104 : memref<8x128xi32, #tpu.memory_space<hbm>>) target(%arg8 : memref<8x128xi32, #tpu.memory_space<vmem>>) target_semaphore(%arg15 : memref<!tpu.dma_semaphore, #tpu.memory_space<semaphore_mem>>)
      %dma_start3A_105 = arith.constant 0 : i32
      %dma_start3A_106 = tpu.memref_slice %arg4[%mul3A_100, %dma_start3A_105] : memref<2560x128xi32, #tpu.memory_space<hbm>> -> memref<8x128xi32, #tpu.memory_space<hbm>>
      %dma_start3A_107 = arith.constant 0 : i32
      %dma_start3A_108 = tpu.memref_slice %arg4[%mul3A_100, %dma_start3A_107] : memref<2560x128xi32, #tpu.memory_space<hbm>> -> memref<8x128xi32, #tpu.memory_space<hbm>>
      tpu.enqueue_dma source(%dma_start3A_108 : memref<8x128xi32, #tpu.memory_space<hbm>>) target(%arg10 : memref<8x128xi32, #tpu.memory_space<vmem>>) target_semaphore(%arg15 : memref<!tpu.dma_semaphore, #tpu.memory_space<semaphore_mem>>)
      %dma_start3A_109 = arith.constant 2 : i32
      %dma_start3A_110 = arith.constant 0 : i32
      %dma_start3A_111 = tpu.memref_slice %arg7[%dma_start3A_109, %dma_start3A_110] : memref<8x128xi32, #tpu.memory_space<vmem>> -> memref<1x128xi32, #tpu.memory_space<vmem>>
      %dma_start3A_112 = tpu.memref_squeeze %dma_start3A_111 : memref<1x128xi32, #tpu.memory_space<vmem>> -> memref<128xi32, #tpu.memory_space<vmem>>
      %dma_start3A_113 = arith.constant 0 : i32
      %dma_start3A_114 = arith.constant 0 : i32
      %dma_start3A_115 = tpu.memref_slice %arg2[%dma_start3A_113, %dma_start3A_114] : memref<10000x128xf32, #tpu.memory_space<hbm>> -> memref<10000x128xf32, #tpu.memory_space<hbm>>
      tpu.enqueue_indirect_dma source(%dma_start3A_115 : memref<10000x128xf32, #tpu.memory_space<hbm>>) target(%arg11 : memref<128x128xf32, #tpu.memory_space<vmem>>) offsets(%dma_start3A_112 : memref<128xi32, #tpu.memory_space<vmem>>) semaphore(%arg16 : memref<!tpu.dma_semaphore, #tpu.memory_space<semaphore_mem>>)
      %dma_wait3A_116 = arith.constant 0 : i32
      %dma_wait3A_117 = arith.constant 0 : i32
      %dma_wait3A_118 = tpu.memref_slice %arg7[%dma_wait3A_116, %dma_wait3A_117] : memref<8x128xi32, #tpu.memory_space<vmem>> -> memref<1x128xi32, #tpu.memory_space<vmem>>
      %dma_wait3A_119 = tpu.memref_squeeze %dma_wait3A_118 : memref<1x128xi32, #tpu.memory_space<vmem>> -> memref<128xi32, #tpu.memory_space<vmem>>
      %dma_wait3A_120 = arith.constant 0 : i32
      %dma_wait3A_121 = arith.constant 0 : i32
      %dma_wait3A_122 = tpu.memref_slice %arg2[%dma_wait3A_120, %dma_wait3A_121] : memref<10000x128xf32, #tpu.memory_space<hbm>> -> memref<10000x128xf32, #tpu.memory_space<hbm>>
      tpu.wait_indirect_dma semaphore(%arg16 : memref<!tpu.dma_semaphore, #tpu.memory_space<semaphore_mem>>) src(%dma_wait3A_122 : memref<10000x128xf32, #tpu.memory_space<hbm>>) dst(%arg11 : memref<128x128xf32, #tpu.memory_space<vmem>>)
      %dma_start3A_123 = arith.constant 2 : i32
      %dma_start3A_124 = arith.constant 0 : i32
      %dma_start3A_125 = tpu.memref_slice %arg9[%dma_start3A_123, %dma_start3A_124] : memref<8x128xi32, #tpu.memory_space<vmem>> -> memref<1x128xi32, #tpu.memory_space<vmem>>
      %dma_start3A_126 = tpu.memref_squeeze %dma_start3A_125 : memref<1x128xi32, #tpu.memory_space<vmem>> -> memref<128xi32, #tpu.memory_space<vmem>>
      %dma_start3A_127 = arith.constant 0 : i32
      %dma_start3A_128 = arith.constant 0 : i32
      %dma_start3A_129 = tpu.memref_slice %arg13[%dma_start3A_127, %dma_start3A_128] : memref<10000x128xf32, #tpu.memory_space<vmem_shared>> -> memref<10000x128xf32, #tpu.memory_space<vmem_shared>>
      tpu.enqueue_indirect_dma source(%arg11 : memref<128x128xf32, #tpu.memory_space<vmem>>) target(%dma_start3A_129 : memref<10000x128xf32, #tpu.memory_space<vmem_shared>>) offsets(%dma_start3A_126 : memref<128xi32, #tpu.memory_space<vmem>>) semaphore(%arg18 : memref<!tpu.dma_semaphore, #tpu.memory_space<semaphore_mem>>) {add = true}
      %dma_wait3A_130 = arith.constant 0 : i32
      %dma_wait3A_131 = arith.constant 0 : i32
      %dma_wait3A_132 = tpu.memref_slice %arg9[%dma_wait3A_130, %dma_wait3A_131] : memref<8x128xi32, #tpu.memory_space<vmem>> -> memref<1x128xi32, #tpu.memory_space<vmem>>
      %dma_wait3A_133 = tpu.memref_squeeze %dma_wait3A_132 : memref<1x128xi32, #tpu.memory_space<vmem>> -> memref<128xi32, #tpu.memory_space<vmem>>
      %dma_wait3A_134 = arith.constant 0 : i32
      %dma_wait3A_135 = arith.constant 0 : i32
      %dma_wait3A_136 = tpu.memref_slice %arg13[%dma_wait3A_134, %dma_wait3A_135] : memref<10000x128xf32, #tpu.memory_space<vmem_shared>> -> memref<10000x128xf32, #tpu.memory_space<vmem_shared>>
      tpu.wait_indirect_dma semaphore(%arg19 : memref<!tpu.dma_semaphore, #tpu.memory_space<semaphore_mem>>) src(%arg12 : memref<128x128xf32, #tpu.memory_space<vmem>>) dst(%dma_wait3A_136 : memref<10000x128xf32, #tpu.memory_space<vmem_shared>>)
      %dma_start3A_137 = arith.constant 3 : i32
      %dma_start3A_138 = arith.constant 0 : i32
      %dma_start3A_139 = tpu.memref_slice %arg7[%dma_start3A_137, %dma_start3A_138] : memref<8x128xi32, #tpu.memory_space<vmem>> -> memref<1x128xi32, #tpu.memory_space<vmem>>
      %dma_start3A_140 = tpu.memref_squeeze %dma_start3A_139 : memref<1x128xi32, #tpu.memory_space<vmem>> -> memref<128xi32, #tpu.memory_space<vmem>>
      %dma_start3A_141 = arith.constant 0 : i32
      %dma_start3A_142 = arith.constant 0 : i32
      %dma_start3A_143 = tpu.memref_slice %arg2[%dma_start3A_141, %dma_start3A_142] : memref<10000x128xf32, #tpu.memory_space<hbm>> -> memref<10000x128xf32, #tpu.memory_space<hbm>>
      tpu.enqueue_indirect_dma source(%dma_start3A_143 : memref<10000x128xf32, #tpu.memory_space<hbm>>) target(%arg12 : memref<128x128xf32, #tpu.memory_space<vmem>>) offsets(%dma_start3A_140 : memref<128xi32, #tpu.memory_space<vmem>>) semaphore(%arg17 : memref<!tpu.dma_semaphore, #tpu.memory_space<semaphore_mem>>)
      %dma_wait3A_144 = arith.constant 0 : i32
      %dma_wait3A_145 = arith.constant 0 : i32
      %dma_wait3A_146 = tpu.memref_slice %arg7[%dma_wait3A_144, %dma_wait3A_145] : memref<8x128xi32, #tpu.memory_space<vmem>> -> memref<1x128xi32, #tpu.memory_space<vmem>>
      %dma_wait3A_147 = tpu.memref_squeeze %dma_wait3A_146 : memref<1x128xi32, #tpu.memory_space<vmem>> -> memref<128xi32, #tpu.memory_space<vmem>>
      %dma_wait3A_148 = arith.constant 0 : i32
      %dma_wait3A_149 = arith.constant 0 : i32
      %dma_wait3A_150 = tpu.memref_slice %arg2[%dma_wait3A_148, %dma_wait3A_149] : memref<10000x128xf32, #tpu.memory_space<hbm>> -> memref<10000x128xf32, #tpu.memory_space<hbm>>
      tpu.wait_indirect_dma semaphore(%arg17 : memref<!tpu.dma_semaphore, #tpu.memory_space<semaphore_mem>>) src(%dma_wait3A_150 : memref<10000x128xf32, #tpu.memory_space<hbm>>) dst(%arg12 : memref<128x128xf32, #tpu.memory_space<vmem>>)
      %dma_start3A_151 = arith.constant 3 : i32
      %dma_start3A_152 = arith.constant 0 : i32
      %dma_start3A_153 = tpu.memref_slice %arg9[%dma_start3A_151, %dma_start3A_152] : memref<8x128xi32, #tpu.memory_space<vmem>> -> memref<1x128xi32, #tpu.memory_space<vmem>>
      %dma_start3A_154 = tpu.memref_squeeze %dma_start3A_153 : memref<1x128xi32, #tpu.memory_space<vmem>> -> memref<128xi32, #tpu.memory_space<vmem>>
      %dma_start3A_155 = arith.constant 0 : i32
      %dma_start3A_156 = arith.constant 0 : i32
      %dma_start3A_157 = tpu.memref_slice %arg13[%dma_start3A_155, %dma_start3A_156] : memref<10000x128xf32, #tpu.memory_space<vmem_shared>> -> memref<10000x128xf32, #tpu.memory_space<vmem_shared>>
      tpu.enqueue_indirect_dma source(%arg12 : memref<128x128xf32, #tpu.memory_space<vmem>>) target(%dma_start3A_157 : memref<10000x128xf32, #tpu.memory_space<vmem_shared>>) offsets(%dma_start3A_154 : memref<128xi32, #tpu.memory_space<vmem>>) semaphore(%arg19 : memref<!tpu.dma_semaphore, #tpu.memory_space<semaphore_mem>>) {add = true}
      %dma_wait3A_158 = arith.constant 0 : i32
      %dma_wait3A_159 = arith.constant 0 : i32
      %dma_wait3A_160 = tpu.memref_slice %arg9[%dma_wait3A_158, %dma_wait3A_159] : memref<8x128xi32, #tpu.memory_space<vmem>> -> memref<1x128xi32, #tpu.memory_space<vmem>>
      %dma_wait3A_161 = tpu.memref_squeeze %dma_wait3A_160 : memref<1x128xi32, #tpu.memory_space<vmem>> -> memref<128xi32, #tpu.memory_space<vmem>>
      %dma_wait3A_162 = arith.constant 0 : i32
      %dma_wait3A_163 = arith.constant 0 : i32
      %dma_wait3A_164 = tpu.memref_slice %arg13[%dma_wait3A_162, %dma_wait3A_163] : memref<10000x128xf32, #tpu.memory_space<vmem_shared>> -> memref<10000x128xf32, #tpu.memory_space<vmem_shared>>
      tpu.wait_indirect_dma semaphore(%arg18 : memref<!tpu.dma_semaphore, #tpu.memory_space<semaphore_mem>>) src(%arg11 : memref<128x128xf32, #tpu.memory_space<vmem>>) dst(%dma_wait3A_164 : memref<10000x128xf32, #tpu.memory_space<vmem_shared>>)
      %dma_start3A_165 = arith.constant 4 : i32
      %dma_start3A_166 = arith.constant 0 : i32
      %dma_start3A_167 = tpu.memref_slice %arg7[%dma_start3A_165, %dma_start3A_166] : memref<8x128xi32, #tpu.memory_space<vmem>> -> memref<1x128xi32, #tpu.memory_space<vmem>>
      %dma_start3A_168 = tpu.memref_squeeze %dma_start3A_167 : memref<1x128xi32, #tpu.memory_space<vmem>> -> memref<128xi32, #tpu.memory_space<vmem>>
      %dma_start3A_169 = arith.constant 0 : i32
      %dma_start3A_170 = arith.constant 0 : i32
      %dma_start3A_171 = tpu.memref_slice %arg2[%dma_start3A_169, %dma_start3A_170] : memref<10000x128xf32, #tpu.memory_space<hbm>> -> memref<10000x128xf32, #tpu.memory_space<hbm>>
      tpu.enqueue_indirect_dma source(%dma_start3A_171 : memref<10000x128xf32, #tpu.memory_space<hbm>>) target(%arg11 : memref<128x128xf32, #tpu.memory_space<vmem>>) offsets(%dma_start3A_168 : memref<128xi32, #tpu.memory_space<vmem>>) semaphore(%arg16 : memref<!tpu.dma_semaphore, #tpu.memory_space<semaphore_mem>>)
      %dma_wait3A_172 = arith.constant 0 : i32
      %dma_wait3A_173 = arith.constant 0 : i32
      %dma_wait3A_174 = tpu.memref_slice %arg7[%dma_wait3A_172, %dma_wait3A_173] : memref<8x128xi32, #tpu.memory_space<vmem>> -> memref<1x128xi32, #tpu.memory_space<vmem>>
      %dma_wait3A_175 = tpu.memref_squeeze %dma_wait3A_174 : memref<1x128xi32, #tpu.memory_space<vmem>> -> memref<128xi32, #tpu.memory_space<vmem>>
      %dma_wait3A_176 = arith.constant 0 : i32
      %dma_wait3A_177 = arith.constant 0 : i32
      %dma_wait3A_178 = tpu.memref_slice %arg2[%dma_wait3A_176, %dma_wait3A_177] : memref<10000x128xf32, #tpu.memory_space<hbm>> -> memref<10000x128xf32, #tpu.memory_space<hbm>>
      tpu.wait_indirect_dma semaphore(%arg16 : memref<!tpu.dma_semaphore, #tpu.memory_space<semaphore_mem>>) src(%dma_wait3A_178 : memref<10000x128xf32, #tpu.memory_space<hbm>>) dst(%arg11 : memref<128x128xf32, #tpu.memory_space<vmem>>)
      %dma_start3A_179 = arith.constant 4 : i32
      %dma_start3A_180 = arith.constant 0 : i32
      %dma_start3A_181 = tpu.memref_slice %arg9[%dma_start3A_179, %dma_start3A_180] : memref<8x128xi32, #tpu.memory_space<vmem>> -> memref<1x128xi32, #tpu.memory_space<vmem>>
      %dma_start3A_182 = tpu.memref_squeeze %dma_start3A_181 : memref<1x128xi32, #tpu.memory_space<vmem>> -> memref<128xi32, #tpu.memory_space<vmem>>
      %dma_start3A_183 = arith.constant 0 : i32
      %dma_start3A_184 = arith.constant 0 : i32
      %dma_start3A_185 = tpu.memref_slice %arg13[%dma_start3A_183, %dma_start3A_184] : memref<10000x128xf32, #tpu.memory_space<vmem_shared>> -> memref<10000x128xf32, #tpu.memory_space<vmem_shared>>
      tpu.enqueue_indirect_dma source(%arg11 : memref<128x128xf32, #tpu.memory_space<vmem>>) target(%dma_start3A_185 : memref<10000x128xf32, #tpu.memory_space<vmem_shared>>) offsets(%dma_start3A_182 : memref<128xi32, #tpu.memory_space<vmem>>) semaphore(%arg18 : memref<!tpu.dma_semaphore, #tpu.memory_space<semaphore_mem>>) {add = true}
      %dma_wait3A_186 = arith.constant 0 : i32
      %dma_wait3A_187 = arith.constant 0 : i32
      %dma_wait3A_188 = tpu.memref_slice %arg9[%dma_wait3A_186, %dma_wait3A_187] : memref<8x128xi32, #tpu.memory_space<vmem>> -> memref<1x128xi32, #tpu.memory_space<vmem>>
      %dma_wait3A_189 = tpu.memref_squeeze %dma_wait3A_188 : memref<1x128xi32, #tpu.memory_space<vmem>> -> memref<128xi32, #tpu.memory_space<vmem>>
      %dma_wait3A_190 = arith.constant 0 : i32
      %dma_wait3A_191 = arith.constant 0 : i32
      %dma_wait3A_192 = tpu.memref_slice %arg13[%dma_wait3A_190, %dma_wait3A_191] : memref<10000x128xf32, #tpu.memory_space<vmem_shared>> -> memref<10000x128xf32, #tpu.memory_space<vmem_shared>>
      tpu.wait_indirect_dma semaphore(%arg19 : memref<!tpu.dma_semaphore, #tpu.memory_space<semaphore_mem>>) src(%arg12 : memref<128x128xf32, #tpu.memory_space<vmem>>) dst(%dma_wait3A_192 : memref<10000x128xf32, #tpu.memory_space<vmem_shared>>)
      %dma_start3A_193 = arith.constant 5 : i32
      %dma_start3A_194 = arith.constant 0 : i32
      %dma_start3A_195 = tpu.memref_slice %arg7[%dma_start3A_193, %dma_start3A_194] : memref<8x128xi32, #tpu.memory_space<vmem>> -> memref<1x128xi32, #tpu.memory_space<vmem>>
      %dma_start3A_196 = tpu.memref_squeeze %dma_start3A_195 : memref<1x128xi32, #tpu.memory_space<vmem>> -> memref<128xi32, #tpu.memory_space<vmem>>
      %dma_start3A_197 = arith.constant 0 : i32
      %dma_start3A_198 = arith.constant 0 : i32
      %dma_start3A_199 = tpu.memref_slice %arg2[%dma_start3A_197, %dma_start3A_198] : memref<10000x128xf32, #tpu.memory_space<hbm>> -> memref<10000x128xf32, #tpu.memory_space<hbm>>
      tpu.enqueue_indirect_dma source(%dma_start3A_199 : memref<10000x128xf32, #tpu.memory_space<hbm>>) target(%arg12 : memref<128x128xf32, #tpu.memory_space<vmem>>) offsets(%dma_start3A_196 : memref<128xi32, #tpu.memory_space<vmem>>) semaphore(%arg17 : memref<!tpu.dma_semaphore, #tpu.memory_space<semaphore_mem>>)
      %dma_wait3A_200 = arith.constant 0 : i32
      %dma_wait3A_201 = arith.constant 0 : i32
      %dma_wait3A_202 = tpu.memref_slice %arg7[%dma_wait3A_200, %dma_wait3A_201] : memref<8x128xi32, #tpu.memory_space<vmem>> -> memref<1x128xi32, #tpu.memory_space<vmem>>
      %dma_wait3A_203 = tpu.memref_squeeze %dma_wait3A_202 : memref<1x128xi32, #tpu.memory_space<vmem>> -> memref<128xi32, #tpu.memory_space<vmem>>
      %dma_wait3A_204 = arith.constant 0 : i32
      %dma_wait3A_205 = arith.constant 0 : i32
      %dma_wait3A_206 = tpu.memref_slice %arg2[%dma_wait3A_204, %dma_wait3A_205] : memref<10000x128xf32, #tpu.memory_space<hbm>> -> memref<10000x128xf32, #tpu.memory_space<hbm>>
      tpu.wait_indirect_dma semaphore(%arg17 : memref<!tpu.dma_semaphore, #tpu.memory_space<semaphore_mem>>) src(%dma_wait3A_206 : memref<10000x128xf32, #tpu.memory_space<hbm>>) dst(%arg12 : memref<128x128xf32, #tpu.memory_space<vmem>>)
      %dma_start3A_207 = arith.constant 5 : i32
      %dma_start3A_208 = arith.constant 0 : i32
      %dma_start3A_209 = tpu.memref_slice %arg9[%dma_start3A_207, %dma_start3A_208] : memref<8x128xi32, #tpu.memory_space<vmem>> -> memref<1x128xi32, #tpu.memory_space<vmem>>
      %dma_start3A_210 = tpu.memref_squeeze %dma_start3A_209 : memref<1x128xi32, #tpu.memory_space<vmem>> -> memref<128xi32, #tpu.memory_space<vmem>>
      %dma_start3A_211 = arith.constant 0 : i32
      %dma_start3A_212 = arith.constant 0 : i32
      %dma_start3A_213 = tpu.memref_slice %arg13[%dma_start3A_211, %dma_start3A_212] : memref<10000x128xf32, #tpu.memory_space<vmem_shared>> -> memref<10000x128xf32, #tpu.memory_space<vmem_shared>>
      tpu.enqueue_indirect_dma source(%arg12 : memref<128x128xf32, #tpu.memory_space<vmem>>) target(%dma_start3A_213 : memref<10000x128xf32, #tpu.memory_space<vmem_shared>>) offsets(%dma_start3A_210 : memref<128xi32, #tpu.memory_space<vmem>>) semaphore(%arg19 : memref<!tpu.dma_semaphore, #tpu.memory_space<semaphore_mem>>) {add = true}
      %dma_wait3A_214 = arith.constant 0 : i32
      %dma_wait3A_215 = arith.constant 0 : i32
      %dma_wait3A_216 = tpu.memref_slice %arg9[%dma_wait3A_214, %dma_wait3A_215] : memref<8x128xi32, #tpu.memory_space<vmem>> -> memref<1x128xi32, #tpu.memory_space<vmem>>
      %dma_wait3A_217 = tpu.memref_squeeze %dma_wait3A_216 : memref<1x128xi32, #tpu.memory_space<vmem>> -> memref<128xi32, #tpu.memory_space<vmem>>
      %dma_wait3A_218 = arith.constant 0 : i32
      %dma_wait3A_219 = arith.constant 0 : i32
      %dma_wait3A_220 = tpu.memref_slice %arg13[%dma_wait3A_218, %dma_wait3A_219] : memref<10000x128xf32, #tpu.memory_space<vmem_shared>> -> memref<10000x128xf32, #tpu.memory_space<vmem_shared>>
      tpu.wait_indirect_dma semaphore(%arg18 : memref<!tpu.dma_semaphore, #tpu.memory_space<semaphore_mem>>) src(%arg11 : memref<128x128xf32, #tpu.memory_space<vmem>>) dst(%dma_wait3A_220 : memref<10000x128xf32, #tpu.memory_space<vmem_shared>>)
      %dma_start3A_221 = arith.constant 6 : i32
      %dma_start3A_222 = arith.constant 0 : i32
      %dma_start3A_223 = tpu.memref_slice %arg7[%dma_start3A_221, %dma_start3A_222] : memref<8x128xi32, #tpu.memory_space<vmem>> -> memref<1x128xi32, #tpu.memory_space<vmem>>
      %dma_start3A_224 = tpu.memref_squeeze %dma_start3A_223 : memref<1x128xi32, #tpu.memory_space<vmem>> -> memref<128xi32, #tpu.memory_space<vmem>>
      %dma_start3A_225 = arith.constant 0 : i32
      %dma_start3A_226 = arith.constant 0 : i32
      %dma_start3A_227 = tpu.memref_slice %arg2[%dma_start3A_225, %dma_start3A_226] : memref<10000x128xf32, #tpu.memory_space<hbm>> -> memref<10000x128xf32, #tpu.memory_space<hbm>>
      tpu.enqueue_indirect_dma source(%dma_start3A_227 : memref<10000x128xf32, #tpu.memory_space<hbm>>) target(%arg11 : memref<128x128xf32, #tpu.memory_space<vmem>>) offsets(%dma_start3A_224 : memref<128xi32, #tpu.memory_space<vmem>>) semaphore(%arg16 : memref<!tpu.dma_semaphore, #tpu.memory_space<semaphore_mem>>)
      %dma_wait3A_228 = arith.constant 0 : i32
      %dma_wait3A_229 = arith.constant 0 : i32
      %dma_wait3A_230 = tpu.memref_slice %arg7[%dma_wait3A_228, %dma_wait3A_229] : memref<8x128xi32, #tpu.memory_space<vmem>> -> memref<1x128xi32, #tpu.memory_space<vmem>>
      %dma_wait3A_231 = tpu.memref_squeeze %dma_wait3A_230 : memref<1x128xi32, #tpu.memory_space<vmem>> -> memref<128xi32, #tpu.memory_space<vmem>>
      %dma_wait3A_232 = arith.constant 0 : i32
      %dma_wait3A_233 = arith.constant 0 : i32
      %dma_wait3A_234 = tpu.memref_slice %arg2[%dma_wait3A_232, %dma_wait3A_233] : memref<10000x128xf32, #tpu.memory_space<hbm>> -> memref<10000x128xf32, #tpu.memory_space<hbm>>
      tpu.wait_indirect_dma semaphore(%arg16 : memref<!tpu.dma_semaphore, #tpu.memory_space<semaphore_mem>>) src(%dma_wait3A_234 : memref<10000x128xf32, #tpu.memory_space<hbm>>) dst(%arg11 : memref<128x128xf32, #tpu.memory_space<vmem>>)
      %dma_start3A_235 = arith.constant 6 : i32
      %dma_start3A_236 = arith.constant 0 : i32
      %dma_start3A_237 = tpu.memref_slice %arg9[%dma_start3A_235, %dma_start3A_236] : memref<8x128xi32, #tpu.memory_space<vmem>> -> memref<1x128xi32, #tpu.memory_space<vmem>>
      %dma_start3A_238 = tpu.memref_squeeze %dma_start3A_237 : memref<1x128xi32, #tpu.memory_space<vmem>> -> memref<128xi32, #tpu.memory_space<vmem>>
      %dma_start3A_239 = arith.constant 0 : i32
      %dma_start3A_240 = arith.constant 0 : i32
      %dma_start3A_241 = tpu.memref_slice %arg13[%dma_start3A_239, %dma_start3A_240] : memref<10000x128xf32, #tpu.memory_space<vmem_shared>> -> memref<10000x128xf32, #tpu.memory_space<vmem_shared>>
      tpu.enqueue_indirect_dma source(%arg11 : memref<128x128xf32, #tpu.memory_space<vmem>>) target(%dma_start3A_241 : memref<10000x128xf32, #tpu.memory_space<vmem_shared>>) offsets(%dma_start3A_238 : memref<128xi32, #tpu.memory_space<vmem>>) semaphore(%arg18 : memref<!tpu.dma_semaphore, #tpu.memory_space<semaphore_mem>>) {add = true}
      %dma_wait3A_242 = arith.constant 0 : i32
      %dma_wait3A_243 = arith.constant 0 : i32
      %dma_wait3A_244 = tpu.memref_slice %arg9[%dma_wait3A_242, %dma_wait3A_243] : memref<8x128xi32, #tpu.memory_space<vmem>> -> memref<1x128xi32, #tpu.memory_space<vmem>>
      %dma_wait3A_245 = tpu.memref_squeeze %dma_wait3A_244 : memref<1x128xi32, #tpu.memory_space<vmem>> -> memref<128xi32, #tpu.memory_space<vmem>>
      %dma_wait3A_246 = arith.constant 0 : i32
      %dma_wait3A_247 = arith.constant 0 : i32
      %dma_wait3A_248 = tpu.memref_slice %arg13[%dma_wait3A_246, %dma_wait3A_247] : memref<10000x128xf32, #tpu.memory_space<vmem_shared>> -> memref<10000x128xf32, #tpu.memory_space<vmem_shared>>
      tpu.wait_indirect_dma semaphore(%arg19 : memref<!tpu.dma_semaphore, #tpu.memory_space<semaphore_mem>>) src(%arg12 : memref<128x128xf32, #tpu.memory_space<vmem>>) dst(%dma_wait3A_248 : memref<10000x128xf32, #tpu.memory_space<vmem_shared>>)
      %dma_start3A_249 = arith.constant 7 : i32
      %dma_start3A_250 = arith.constant 0 : i32
      %dma_start3A_251 = tpu.memref_slice %arg7[%dma_start3A_249, %dma_start3A_250] : memref<8x128xi32, #tpu.memory_space<vmem>> -> memref<1x128xi32, #tpu.memory_space<vmem>>
      %dma_start3A_252 = tpu.memref_squeeze %dma_start3A_251 : memref<1x128xi32, #tpu.memory_space<vmem>> -> memref<128xi32, #tpu.memory_space<vmem>>
      %dma_start3A_253 = arith.constant 0 : i32
      %dma_start3A_254 = arith.constant 0 : i32
      %dma_start3A_255 = tpu.memref_slice %arg2[%dma_start3A_253, %dma_start3A_254] : memref<10000x128xf32, #tpu.memory_space<hbm>> -> memref<10000x128xf32, #tpu.memory_space<hbm>>
      tpu.enqueue_indirect_dma source(%dma_start3A_255 : memref<10000x128xf32, #tpu.memory_space<hbm>>) target(%arg12 : memref<128x128xf32, #tpu.memory_space<vmem>>) offsets(%dma_start3A_252 : memref<128xi32, #tpu.memory_space<vmem>>) semaphore(%arg17 : memref<!tpu.dma_semaphore, #tpu.memory_space<semaphore_mem>>)
      %dma_wait3A_256 = arith.constant 0 : i32
      %dma_wait3A_257 = arith.constant 0 : i32
      %dma_wait3A_258 = tpu.memref_slice %arg7[%dma_wait3A_256, %dma_wait3A_257] : memref<8x128xi32, #tpu.memory_space<vmem>> -> memref<1x128xi32, #tpu.memory_space<vmem>>
      %dma_wait3A_259 = tpu.memref_squeeze %dma_wait3A_258 : memref<1x128xi32, #tpu.memory_space<vmem>> -> memref<128xi32, #tpu.memory_space<vmem>>
      %dma_wait3A_260 = arith.constant 0 : i32
      %dma_wait3A_261 = arith.constant 0 : i32
      %dma_wait3A_262 = tpu.memref_slice %arg2[%dma_wait3A_260, %dma_wait3A_261] : memref<10000x128xf32, #tpu.memory_space<hbm>> -> memref<10000x128xf32, #tpu.memory_space<hbm>>
      tpu.wait_indirect_dma semaphore(%arg17 : memref<!tpu.dma_semaphore, #tpu.memory_space<semaphore_mem>>) src(%dma_wait3A_262 : memref<10000x128xf32, #tpu.memory_space<hbm>>) dst(%arg12 : memref<128x128xf32, #tpu.memory_space<vmem>>)
      %dma_start3A_263 = arith.constant 7 : i32
      %dma_start3A_264 = arith.constant 0 : i32
      %dma_start3A_265 = tpu.memref_slice %arg9[%dma_start3A_263, %dma_start3A_264] : memref<8x128xi32, #tpu.memory_space<vmem>> -> memref<1x128xi32, #tpu.memory_space<vmem>>
      %dma_start3A_266 = tpu.memref_squeeze %dma_start3A_265 : memref<1x128xi32, #tpu.memory_space<vmem>> -> memref<128xi32, #tpu.memory_space<vmem>>
      %dma_start3A_267 = arith.constant 0 : i32
      %dma_start3A_268 = arith.constant 0 : i32
      %dma_start3A_269 = tpu.memref_slice %arg13[%dma_start3A_267, %dma_start3A_268] : memref<10000x128xf32, #tpu.memory_space<vmem_shared>> -> memref<10000x128xf32, #tpu.memory_space<vmem_shared>>
      tpu.enqueue_indirect_dma source(%arg12 : memref<128x128xf32, #tpu.memory_space<vmem>>) target(%dma_start3A_269 : memref<10000x128xf32, #tpu.memory_space<vmem_shared>>) offsets(%dma_start3A_266 : memref<128xi32, #tpu.memory_space<vmem>>) semaphore(%arg19 : memref<!tpu.dma_semaphore, #tpu.memory_space<semaphore_mem>>) {add = true}
      %dma_wait3A_270 = arith.constant 0 : i32
      %dma_wait3A_271 = arith.constant 0 : i32
      %dma_wait3A_272 = tpu.memref_slice %arg3[%dma_wait3A_270, %dma_wait3A_271] : memref<2560x128xi32, #tpu.memory_space<hbm>> -> memref<8x128xi32, #tpu.memory_space<hbm>>
      %dma_wait3A_273 = arith.constant 0 : i32
      %dma_wait3A_274 = arith.constant 0 : i32
      %dma_wait3A_275 = tpu.memref_slice %arg3[%dma_wait3A_273, %dma_wait3A_274] : memref<2560x128xi32, #tpu.memory_space<hbm>> -> memref<8x128xi32, #tpu.memory_space<hbm>>
      tpu.wait_dma2 semaphore(%arg15 : memref<!tpu.dma_semaphore, #tpu.memory_space<semaphore_mem>>) src(%dma_wait3A_275 : memref<8x128xi32, #tpu.memory_space<hbm>>) dst(%arg8 : memref<8x128xi32, #tpu.memory_space<vmem>>)
      %dma_wait3A_276 = arith.constant 0 : i32
      %dma_wait3A_277 = arith.constant 0 : i32
      %dma_wait3A_278 = tpu.memref_slice %arg4[%dma_wait3A_276, %dma_wait3A_277] : memref<2560x128xi32, #tpu.memory_space<hbm>> -> memref<8x128xi32, #tpu.memory_space<hbm>>
      %dma_wait3A_279 = arith.constant 0 : i32
      %dma_wait3A_280 = arith.constant 0 : i32
      %dma_wait3A_281 = tpu.memref_slice %arg4[%dma_wait3A_279, %dma_wait3A_280] : memref<2560x128xi32, #tpu.memory_space<hbm>> -> memref<8x128xi32, #tpu.memory_space<hbm>>
      tpu.wait_dma2 semaphore(%arg15 : memref<!tpu.dma_semaphore, #tpu.memory_space<semaphore_mem>>) src(%dma_wait3A_281 : memref<8x128xi32, #tpu.memory_space<hbm>>) dst(%arg10 : memref<8x128xi32, #tpu.memory_space<vmem>>)
      %dma_wait3A_282 = arith.constant 0 : i32
      %dma_wait3A_283 = arith.constant 0 : i32
      %dma_wait3A_284 = tpu.memref_slice %arg9[%dma_wait3A_282, %dma_wait3A_283] : memref<8x128xi32, #tpu.memory_space<vmem>> -> memref<1x128xi32, #tpu.memory_space<vmem>>
      %dma_wait3A_285 = tpu.memref_squeeze %dma_wait3A_284 : memref<1x128xi32, #tpu.memory_space<vmem>> -> memref<128xi32, #tpu.memory_space<vmem>>
      %dma_wait3A_286 = arith.constant 0 : i32
      %dma_wait3A_287 = arith.constant 0 : i32
      %dma_wait3A_288 = tpu.memref_slice %arg13[%dma_wait3A_286, %dma_wait3A_287] : memref<10000x128xf32, #tpu.memory_space<vmem_shared>> -> memref<10000x128xf32, #tpu.memory_space<vmem_shared>>
      tpu.wait_indirect_dma semaphore(%arg18 : memref<!tpu.dma_semaphore, #tpu.memory_space<semaphore_mem>>) src(%arg11 : memref<128x128xf32, #tpu.memory_space<vmem>>) dst(%dma_wait3A_288 : memref<10000x128xf32, #tpu.memory_space<vmem_shared>>)
      %dma_start3A_289 = arith.constant 0 : i32
      %dma_start3A_290 = arith.constant 0 : i32
      %dma_start3A_291 = tpu.memref_slice %arg8[%dma_start3A_289, %dma_start3A_290] : memref<8x128xi32, #tpu.memory_space<vmem>> -> memref<1x128xi32, #tpu.memory_space<vmem>>
      %dma_start3A_292 = tpu.memref_squeeze %dma_start3A_291 : memref<1x128xi32, #tpu.memory_space<vmem>> -> memref<128xi32, #tpu.memory_space<vmem>>
      %dma_start3A_293 = arith.constant 0 : i32
      %dma_start3A_294 = arith.constant 0 : i32
      %dma_start3A_295 = tpu.memref_slice %arg2[%dma_start3A_293, %dma_start3A_294] : memref<10000x128xf32, #tpu.memory_space<hbm>> -> memref<10000x128xf32, #tpu.memory_space<hbm>>
      tpu.enqueue_indirect_dma source(%dma_start3A_295 : memref<10000x128xf32, #tpu.memory_space<hbm>>) target(%arg11 : memref<128x128xf32, #tpu.memory_space<vmem>>) offsets(%dma_start3A_292 : memref<128xi32, #tpu.memory_space<vmem>>) semaphore(%arg16 : memref<!tpu.dma_semaphore, #tpu.memory_space<semaphore_mem>>)
      %dma_wait3A_296 = arith.constant 0 : i32
      %dma_wait3A_297 = arith.constant 0 : i32
      %dma_wait3A_298 = tpu.memref_slice %arg7[%dma_wait3A_296, %dma_wait3A_297] : memref<8x128xi32, #tpu.memory_space<vmem>> -> memref<1x128xi32, #tpu.memory_space<vmem>>
      %dma_wait3A_299 = tpu.memref_squeeze %dma_wait3A_298 : memref<1x128xi32, #tpu.memory_space<vmem>> -> memref<128xi32, #tpu.memory_space<vmem>>
      %dma_wait3A_300 = arith.constant 0 : i32
      %dma_wait3A_301 = arith.constant 0 : i32
      %dma_wait3A_302 = tpu.memref_slice %arg2[%dma_wait3A_300, %dma_wait3A_301] : memref<10000x128xf32, #tpu.memory_space<hbm>> -> memref<10000x128xf32, #tpu.memory_space<hbm>>
      tpu.wait_indirect_dma semaphore(%arg16 : memref<!tpu.dma_semaphore, #tpu.memory_space<semaphore_mem>>) src(%dma_wait3A_302 : memref<10000x128xf32, #tpu.memory_space<hbm>>) dst(%arg11 : memref<128x128xf32, #tpu.memory_space<vmem>>)
      %dma_start3A_303 = arith.constant 0 : i32
      %dma_start3A_304 = arith.constant 0 : i32
      %dma_start3A_305 = tpu.memref_slice %arg10[%dma_start3A_303, %dma_start3A_304] : memref<8x128xi32, #tpu.memory_space<vmem>> -> memref<1x128xi32, #tpu.memory_space<vmem>>
      %dma_start3A_306 = tpu.memref_squeeze %dma_start3A_305 : memref<1x128xi32, #tpu.memory_space<vmem>> -> memref<128xi32, #tpu.memory_space<vmem>>
      %dma_start3A_307 = arith.constant 0 : i32
      %dma_start3A_308 = arith.constant 0 : i32
      %dma_start3A_309 = tpu.memref_slice %arg13[%dma_start3A_307, %dma_start3A_308] : memref<10000x128xf32, #tpu.memory_space<vmem_shared>> -> memref<10000x128xf32, #tpu.memory_space<vmem_shared>>
      tpu.enqueue_indirect_dma source(%arg11 : memref<128x128xf32, #tpu.memory_space<vmem>>) target(%dma_start3A_309 : memref<10000x128xf32, #tpu.memory_space<vmem_shared>>) offsets(%dma_start3A_306 : memref<128xi32, #tpu.memory_space<vmem>>) semaphore(%arg18 : memref<!tpu.dma_semaphore, #tpu.memory_space<semaphore_mem>>) {add = true}
      %dma_wait3A_310 = arith.constant 0 : i32
      %dma_wait3A_311 = arith.constant 0 : i32
      %dma_wait3A_312 = tpu.memref_slice %arg9[%dma_wait3A_310, %dma_wait3A_311] : memref<8x128xi32, #tpu.memory_space<vmem>> -> memref<1x128xi32, #tpu.memory_space<vmem>>
      %dma_wait3A_313 = tpu.memref_squeeze %dma_wait3A_312 : memref<1x128xi32, #tpu.memory_space<vmem>> -> memref<128xi32, #tpu.memory_space<vmem>>
      %dma_wait3A_314 = arith.constant 0 : i32
      %dma_wait3A_315 = arith.constant 0 : i32
      %dma_wait3A_316 = tpu.memref_slice %arg13[%dma_wait3A_314, %dma_wait3A_315] : memref<10000x128xf32, #tpu.memory_space<vmem_shared>> -> memref<10000x128xf32, #tpu.memory_space<vmem_shared>>
      tpu.wait_indirect_dma semaphore(%arg19 : memref<!tpu.dma_semaphore, #tpu.memory_space<semaphore_mem>>) src(%arg12 : memref<128x128xf32, #tpu.memory_space<vmem>>) dst(%dma_wait3A_316 : memref<10000x128xf32, #tpu.memory_space<vmem_shared>>)
      %dma_start3A_317 = arith.constant 1 : i32
      %dma_start3A_318 = arith.constant 0 : i32
      %dma_start3A_319 = tpu.memref_slice %arg8[%dma_start3A_317, %dma_start3A_318] : memref<8x128xi32, #tpu.memory_space<vmem>> -> memref<1x128xi32, #tpu.memory_space<vmem>>
      %dma_start3A_320 = tpu.memref_squeeze %dma_start3A_319 : memref<1x128xi32, #tpu.memory_space<vmem>> -> memref<128xi32, #tpu.memory_space<vmem>>
      %dma_start3A_321 = arith.constant 0 : i32
      %dma_start3A_322 = arith.constant 0 : i32
      %dma_start3A_323 = tpu.memref_slice %arg2[%dma_start3A_321, %dma_start3A_322] : memref<10000x128xf32, #tpu.memory_space<hbm>> -> memref<10000x128xf32, #tpu.memory_space<hbm>>
      tpu.enqueue_indirect_dma source(%dma_start3A_323 : memref<10000x128xf32, #tpu.memory_space<hbm>>) target(%arg12 : memref<128x128xf32, #tpu.memory_space<vmem>>) offsets(%dma_start3A_320 : memref<128xi32, #tpu.memory_space<vmem>>) semaphore(%arg17 : memref<!tpu.dma_semaphore, #tpu.memory_space<semaphore_mem>>)
      %dma_wait3A_324 = arith.constant 0 : i32
      %dma_wait3A_325 = arith.constant 0 : i32
      %dma_wait3A_326 = tpu.memref_slice %arg7[%dma_wait3A_324, %dma_wait3A_325] : memref<8x128xi32, #tpu.memory_space<vmem>> -> memref<1x128xi32, #tpu.memory_space<vmem>>
      %dma_wait3A_327 = tpu.memref_squeeze %dma_wait3A_326 : memref<1x128xi32, #tpu.memory_space<vmem>> -> memref<128xi32, #tpu.memory_space<vmem>>
      %dma_wait3A_328 = arith.constant 0 : i32
      %dma_wait3A_329 = arith.constant 0 : i32
      %dma_wait3A_330 = tpu.memref_slice %arg2[%dma_wait3A_328, %dma_wait3A_329] : memref<10000x128xf32, #tpu.memory_space<hbm>> -> memref<10000x128xf32, #tpu.memory_space<hbm>>
      tpu.wait_indirect_dma semaphore(%arg17 : memref<!tpu.dma_semaphore, #tpu.memory_space<semaphore_mem>>) src(%dma_wait3A_330 : memref<10000x128xf32, #tpu.memory_space<hbm>>) dst(%arg12 : memref<128x128xf32, #tpu.memory_space<vmem>>)
      %dma_start3A_331 = arith.constant 1 : i32
      %dma_start3A_332 = arith.constant 0 : i32
      %dma_start3A_333 = tpu.memref_slice %arg10[%dma_start3A_331, %dma_start3A_332] : memref<8x128xi32, #tpu.memory_space<vmem>> -> memref<1x128xi32, #tpu.memory_space<vmem>>
      %dma_start3A_334 = tpu.memref_squeeze %dma_start3A_333 : memref<1x128xi32, #tpu.memory_space<vmem>> -> memref<128xi32, #tpu.memory_space<vmem>>
      %dma_start3A_335 = arith.constant 0 : i32
      %dma_start3A_336 = arith.constant 0 : i32
      %dma_start3A_337 = tpu.memref_slice %arg13[%dma_start3A_335, %dma_start3A_336] : memref<10000x128xf32, #tpu.memory_space<vmem_shared>> -> memref<10000x128xf32, #tpu.memory_space<vmem_shared>>
      tpu.enqueue_indirect_dma source(%arg12 : memref<128x128xf32, #tpu.memory_space<vmem>>) target(%dma_start3A_337 : memref<10000x128xf32, #tpu.memory_space<vmem_shared>>) offsets(%dma_start3A_334 : memref<128xi32, #tpu.memory_space<vmem>>) semaphore(%arg19 : memref<!tpu.dma_semaphore, #tpu.memory_space<semaphore_mem>>) {add = true}
      %dma_wait3A_338 = arith.constant 0 : i32
      %dma_wait3A_339 = arith.constant 0 : i32
      %dma_wait3A_340 = tpu.memref_slice %arg9[%dma_wait3A_338, %dma_wait3A_339] : memref<8x128xi32, #tpu.memory_space<vmem>> -> memref<1x128xi32, #tpu.memory_space<vmem>>
      %dma_wait3A_341 = tpu.memref_squeeze %dma_wait3A_340 : memref<1x128xi32, #tpu.memory_space<vmem>> -> memref<128xi32, #tpu.memory_space<vmem>>
      %dma_wait3A_342 = arith.constant 0 : i32
      %dma_wait3A_343 = arith.constant 0 : i32
      %dma_wait3A_344 = tpu.memref_slice %arg13[%dma_wait3A_342, %dma_wait3A_343] : memref<10000x128xf32, #tpu.memory_space<vmem_shared>> -> memref<10000x128xf32, #tpu.memory_space<vmem_shared>>
      tpu.wait_indirect_dma semaphore(%arg18 : memref<!tpu.dma_semaphore, #tpu.memory_space<semaphore_mem>>) src(%arg11 : memref<128x128xf32, #tpu.memory_space<vmem>>) dst(%dma_wait3A_344 : memref<10000x128xf32, #tpu.memory_space<vmem_shared>>)
      %lt3A = arith.constant 4 : i32
      %lt3A_345 = arith.cmpi slt, %scan3A_47, %lt3A : i32
      %convert_element_type3A_346 = arith.extui %lt3A_345 : i1 to i32
      %cond3A_347 = arith.constant 0 : i32
      %cond3A_348 = arith.cmpi ne, %convert_element_type3A_346, %cond3A_347 : i32
      scf.if %cond3A_348 {
        %add3A_526 = arith.constant 2 : i32
        %add3A_527 = arith.addi %mul3A_49, %add3A_526 : i32
        %mul3A_528 = arith.constant 32 : i32
        %mul3A_529 = arith.muli %add3A_527, %mul3A_528 : i32
        %add3A_530 = arith.addi %mul3A_529, %add3A : i32
        %mul3A_531 = arith.constant 8 : i32
        %mul3A_532 = arith.muli %add3A_530, %mul3A_531 : i32
        %dma_start3A_533 = arith.constant 0 : i32
        %dma_start3A_534 = tpu.memref_slice %arg3[%mul3A_532, %dma_start3A_533] : memref<2560x128xi32, #tpu.memory_space<hbm>> -> memref<8x128xi32, #tpu.memory_space<hbm>>
        %dma_start3A_535 = arith.constant 0 : i32
        %dma_start3A_536 = tpu.memref_slice %arg3[%mul3A_532, %dma_start3A_535] : memref<2560x128xi32, #tpu.memory_space<hbm>> -> memref<8x128xi32, #tpu.memory_space<hbm>>
        tpu.enqueue_dma source(%dma_start3A_536 : memref<8x128xi32, #tpu.memory_space<hbm>>) target(%arg7 : memref<8x128xi32, #tpu.memory_space<vmem>>) target_semaphore(%arg14 : memref<!tpu.dma_semaphore, #tpu.memory_space<semaphore_mem>>)
        %dma_start3A_537 = arith.constant 0 : i32
        %dma_start3A_538 = tpu.memref_slice %arg4[%mul3A_532, %dma_start3A_537] : memref<2560x128xi32, #tpu.memory_space<hbm>> -> memref<8x128xi32, #tpu.memory_space<hbm>>
        %dma_start3A_539 = arith.constant 0 : i32
        %dma_start3A_540 = tpu.memref_slice %arg4[%mul3A_532, %dma_start3A_539] : memref<2560x128xi32, #tpu.memory_space<hbm>> -> memref<8x128xi32, #tpu.memory_space<hbm>>
        tpu.enqueue_dma source(%dma_start3A_540 : memref<8x128xi32, #tpu.memory_space<hbm>>) target(%arg9 : memref<8x128xi32, #tpu.memory_space<vmem>>) target_semaphore(%arg14 : memref<!tpu.dma_semaphore, #tpu.memory_space<semaphore_mem>>)
      } else {
      }
      %dma_start3A_349 = arith.constant 2 : i32
      %dma_start3A_350 = arith.constant 0 : i32
      %dma_start3A_351 = tpu.memref_slice %arg8[%dma_start3A_349, %dma_start3A_350] : memref<8x128xi32, #tpu.memory_space<vmem>> -> memref<1x128xi32, #tpu.memory_space<vmem>>
      %dma_start3A_352 = tpu.memref_squeeze %dma_start3A_351 : memref<1x128xi32, #tpu.memory_space<vmem>> -> memref<128xi32, #tpu.memory_space<vmem>>
      %dma_start3A_353 = arith.constant 0 : i32
      %dma_start3A_354 = arith.constant 0 : i32
      %dma_start3A_355 = tpu.memref_slice %arg2[%dma_start3A_353, %dma_start3A_354] : memref<10000x128xf32, #tpu.memory_space<hbm>> -> memref<10000x128xf32, #tpu.memory_space<hbm>>
      tpu.enqueue_indirect_dma source(%dma_start3A_355 : memref<10000x128xf32, #tpu.memory_space<hbm>>) target(%arg11 : memref<128x128xf32, #tpu.memory_space<vmem>>) offsets(%dma_start3A_352 : memref<128xi32, #tpu.memory_space<vmem>>) semaphore(%arg16 : memref<!tpu.dma_semaphore, #tpu.memory_space<semaphore_mem>>)
      %dma_wait3A_356 = arith.constant 0 : i32
      %dma_wait3A_357 = arith.constant 0 : i32
      %dma_wait3A_358 = tpu.memref_slice %arg7[%dma_wait3A_356, %dma_wait3A_357] : memref<8x128xi32, #tpu.memory_space<vmem>> -> memref<1x128xi32, #tpu.memory_space<vmem>>
      %dma_wait3A_359 = tpu.memref_squeeze %dma_wait3A_358 : memref<1x128xi32, #tpu.memory_space<vmem>> -> memref<128xi32, #tpu.memory_space<vmem>>
      %dma_wait3A_360 = arith.constant 0 : i32
      %dma_wait3A_361 = arith.constant 0 : i32
      %dma_wait3A_362 = tpu.memref_slice %arg2[%dma_wait3A_360, %dma_wait3A_361] : memref<10000x128xf32, #tpu.memory_space<hbm>> -> memref<10000x128xf32, #tpu.memory_space<hbm>>
      tpu.wait_indirect_dma semaphore(%arg16 : memref<!tpu.dma_semaphore, #tpu.memory_space<semaphore_mem>>) src(%dma_wait3A_362 : memref<10000x128xf32, #tpu.memory_space<hbm>>) dst(%arg11 : memref<128x128xf32, #tpu.memory_space<vmem>>)
      %dma_start3A_363 = arith.constant 2 : i32
      %dma_start3A_364 = arith.constant 0 : i32
      %dma_start3A_365 = tpu.memref_slice %arg10[%dma_start3A_363, %dma_start3A_364] : memref<8x128xi32, #tpu.memory_space<vmem>> -> memref<1x128xi32, #tpu.memory_space<vmem>>
      %dma_start3A_366 = tpu.memref_squeeze %dma_start3A_365 : memref<1x128xi32, #tpu.memory_space<vmem>> -> memref<128xi32, #tpu.memory_space<vmem>>
      %dma_start3A_367 = arith.constant 0 : i32
      %dma_start3A_368 = arith.constant 0 : i32
      %dma_start3A_369 = tpu.memref_slice %arg13[%dma_start3A_367, %dma_start3A_368] : memref<10000x128xf32, #tpu.memory_space<vmem_shared>> -> memref<10000x128xf32, #tpu.memory_space<vmem_shared>>
      tpu.enqueue_indirect_dma source(%arg11 : memref<128x128xf32, #tpu.memory_space<vmem>>) target(%dma_start3A_369 : memref<10000x128xf32, #tpu.memory_space<vmem_shared>>) offsets(%dma_start3A_366 : memref<128xi32, #tpu.memory_space<vmem>>) semaphore(%arg18 : memref<!tpu.dma_semaphore, #tpu.memory_space<semaphore_mem>>) {add = true}
      %dma_wait3A_370 = arith.constant 0 : i32
      %dma_wait3A_371 = arith.constant 0 : i32
      %dma_wait3A_372 = tpu.memref_slice %arg9[%dma_wait3A_370, %dma_wait3A_371] : memref<8x128xi32, #tpu.memory_space<vmem>> -> memref<1x128xi32, #tpu.memory_space<vmem>>
      %dma_wait3A_373 = tpu.memref_squeeze %dma_wait3A_372 : memref<1x128xi32, #tpu.memory_space<vmem>> -> memref<128xi32, #tpu.memory_space<vmem>>
      %dma_wait3A_374 = arith.constant 0 : i32
      %dma_wait3A_375 = arith.constant 0 : i32
      %dma_wait3A_376 = tpu.memref_slice %arg13[%dma_wait3A_374, %dma_wait3A_375] : memref<10000x128xf32, #tpu.memory_space<vmem_shared>> -> memref<10000x128xf32, #tpu.memory_space<vmem_shared>>
      tpu.wait_indirect_dma semaphore(%arg19 : memref<!tpu.dma_semaphore, #tpu.memory_space<semaphore_mem>>) src(%arg12 : memref<128x128xf32, #tpu.memory_space<vmem>>) dst(%dma_wait3A_376 : memref<10000x128xf32, #tpu.memory_space<vmem_shared>>)
      %dma_start3A_377 = arith.constant 3 : i32
      %dma_start3A_378 = arith.constant 0 : i32
      %dma_start3A_379 = tpu.memref_slice %arg8[%dma_start3A_377, %dma_start3A_378] : memref<8x128xi32, #tpu.memory_space<vmem>> -> memref<1x128xi32, #tpu.memory_space<vmem>>
      %dma_start3A_380 = tpu.memref_squeeze %dma_start3A_379 : memref<1x128xi32, #tpu.memory_space<vmem>> -> memref<128xi32, #tpu.memory_space<vmem>>
      %dma_start3A_381 = arith.constant 0 : i32
      %dma_start3A_382 = arith.constant 0 : i32
      %dma_start3A_383 = tpu.memref_slice %arg2[%dma_start3A_381, %dma_start3A_382] : memref<10000x128xf32, #tpu.memory_space<hbm>> -> memref<10000x128xf32, #tpu.memory_space<hbm>>
      tpu.enqueue_indirect_dma source(%dma_start3A_383 : memref<10000x128xf32, #tpu.memory_space<hbm>>) target(%arg12 : memref<128x128xf32, #tpu.memory_space<vmem>>) offsets(%dma_start3A_380 : memref<128xi32, #tpu.memory_space<vmem>>) semaphore(%arg17 : memref<!tpu.dma_semaphore, #tpu.memory_space<semaphore_mem>>)
      %dma_wait3A_384 = arith.constant 0 : i32
      %dma_wait3A_385 = arith.constant 0 : i32
      %dma_wait3A_386 = tpu.memref_slice %arg7[%dma_wait3A_384, %dma_wait3A_385] : memref<8x128xi32, #tpu.memory_space<vmem>> -> memref<1x128xi32, #tpu.memory_space<vmem>>
      %dma_wait3A_387 = tpu.memref_squeeze %dma_wait3A_386 : memref<1x128xi32, #tpu.memory_space<vmem>> -> memref<128xi32, #tpu.memory_space<vmem>>
      %dma_wait3A_388 = arith.constant 0 : i32
      %dma_wait3A_389 = arith.constant 0 : i32
      %dma_wait3A_390 = tpu.memref_slice %arg2[%dma_wait3A_388, %dma_wait3A_389] : memref<10000x128xf32, #tpu.memory_space<hbm>> -> memref<10000x128xf32, #tpu.memory_space<hbm>>
      tpu.wait_indirect_dma semaphore(%arg17 : memref<!tpu.dma_semaphore, #tpu.memory_space<semaphore_mem>>) src(%dma_wait3A_390 : memref<10000x128xf32, #tpu.memory_space<hbm>>) dst(%arg12 : memref<128x128xf32, #tpu.memory_space<vmem>>)
      %dma_start3A_391 = arith.constant 3 : i32
      %dma_start3A_392 = arith.constant 0 : i32
      %dma_start3A_393 = tpu.memref_slice %arg10[%dma_start3A_391, %dma_start3A_392] : memref<8x128xi32, #tpu.memory_space<vmem>> -> memref<1x128xi32, #tpu.memory_space<vmem>>
      %dma_start3A_394 = tpu.memref_squeeze %dma_start3A_393 : memref<1x128xi32, #tpu.memory_space<vmem>> -> memref<128xi32, #tpu.memory_space<vmem>>
      %dma_start3A_395 = arith.constant 0 : i32
      %dma_start3A_396 = arith.constant 0 : i32
      %dma_start3A_397 = tpu.memref_slice %arg13[%dma_start3A_395, %dma_start3A_396] : memref<10000x128xf32, #tpu.memory_space<vmem_shared>> -> memref<10000x128xf32, #tpu.memory_space<vmem_shared>>
      tpu.enqueue_indirect_dma source(%arg12 : memref<128x128xf32, #tpu.memory_space<vmem>>) target(%dma_start3A_397 : memref<10000x128xf32, #tpu.memory_space<vmem_shared>>) offsets(%dma_start3A_394 : memref<128xi32, #tpu.memory_space<vmem>>) semaphore(%arg19 : memref<!tpu.dma_semaphore, #tpu.memory_space<semaphore_mem>>) {add = true}
      %dma_wait3A_398 = arith.constant 0 : i32
      %dma_wait3A_399 = arith.constant 0 : i32
      %dma_wait3A_400 = tpu.memref_slice %arg9[%dma_wait3A_398, %dma_wait3A_399] : memref<8x128xi32, #tpu.memory_space<vmem>> -> memref<1x128xi32, #tpu.memory_space<vmem>>
      %dma_wait3A_401 = tpu.memref_squeeze %dma_wait3A_400 : memref<1x128xi32, #tpu.memory_space<vmem>> -> memref<128xi32, #tpu.memory_space<vmem>>
      %dma_wait3A_402 = arith.constant 0 : i32
      %dma_wait3A_403 = arith.constant 0 : i32
      %dma_wait3A_404 = tpu.memref_slice %arg13[%dma_wait3A_402, %dma_wait3A_403] : memref<10000x128xf32, #tpu.memory_space<vmem_shared>> -> memref<10000x128xf32, #tpu.memory_space<vmem_shared>>
      tpu.wait_indirect_dma semaphore(%arg18 : memref<!tpu.dma_semaphore, #tpu.memory_space<semaphore_mem>>) src(%arg11 : memref<128x128xf32, #tpu.memory_space<vmem>>) dst(%dma_wait3A_404 : memref<10000x128xf32, #tpu.memory_space<vmem_shared>>)
      %dma_start3A_405 = arith.constant 4 : i32
      %dma_start3A_406 = arith.constant 0 : i32
      %dma_start3A_407 = tpu.memref_slice %arg8[%dma_start3A_405, %dma_start3A_406] : memref<8x128xi32, #tpu.memory_space<vmem>> -> memref<1x128xi32, #tpu.memory_space<vmem>>
      %dma_start3A_408 = tpu.memref_squeeze %dma_start3A_407 : memref<1x128xi32, #tpu.memory_space<vmem>> -> memref<128xi32, #tpu.memory_space<vmem>>
      %dma_start3A_409 = arith.constant 0 : i32
      %dma_start3A_410 = arith.constant 0 : i32
      %dma_start3A_411 = tpu.memref_slice %arg2[%dma_start3A_409, %dma_start3A_410] : memref<10000x128xf32, #tpu.memory_space<hbm>> -> memref<10000x128xf32, #tpu.memory_space<hbm>>
      tpu.enqueue_indirect_dma source(%dma_start3A_411 : memref<10000x128xf32, #tpu.memory_space<hbm>>) target(%arg11 : memref<128x128xf32, #tpu.memory_space<vmem>>) offsets(%dma_start3A_408 : memref<128xi32, #tpu.memory_space<vmem>>) semaphore(%arg16 : memref<!tpu.dma_semaphore, #tpu.memory_space<semaphore_mem>>)
      %dma_wait3A_412 = arith.constant 0 : i32
      %dma_wait3A_413 = arith.constant 0 : i32
      %dma_wait3A_414 = tpu.memref_slice %arg7[%dma_wait3A_412, %dma_wait3A_413] : memref<8x128xi32, #tpu.memory_space<vmem>> -> memref<1x128xi32, #tpu.memory_space<vmem>>
      %dma_wait3A_415 = tpu.memref_squeeze %dma_wait3A_414 : memref<1x128xi32, #tpu.memory_space<vmem>> -> memref<128xi32, #tpu.memory_space<vmem>>
      %dma_wait3A_416 = arith.constant 0 : i32
      %dma_wait3A_417 = arith.constant 0 : i32
      %dma_wait3A_418 = tpu.memref_slice %arg2[%dma_wait3A_416, %dma_wait3A_417] : memref<10000x128xf32, #tpu.memory_space<hbm>> -> memref<10000x128xf32, #tpu.memory_space<hbm>>
      tpu.wait_indirect_dma semaphore(%arg16 : memref<!tpu.dma_semaphore, #tpu.memory_space<semaphore_mem>>) src(%dma_wait3A_418 : memref<10000x128xf32, #tpu.memory_space<hbm>>) dst(%arg11 : memref<128x128xf32, #tpu.memory_space<vmem>>)
      %dma_start3A_419 = arith.constant 4 : i32
      %dma_start3A_420 = arith.constant 0 : i32
      %dma_start3A_421 = tpu.memref_slice %arg10[%dma_start3A_419, %dma_start3A_420] : memref<8x128xi32, #tpu.memory_space<vmem>> -> memref<1x128xi32, #tpu.memory_space<vmem>>
      %dma_start3A_422 = tpu.memref_squeeze %dma_start3A_421 : memref<1x128xi32, #tpu.memory_space<vmem>> -> memref<128xi32, #tpu.memory_space<vmem>>
      %dma_start3A_423 = arith.constant 0 : i32
      %dma_start3A_424 = arith.constant 0 : i32
      %dma_start3A_425 = tpu.memref_slice %arg13[%dma_start3A_423, %dma_start3A_424] : memref<10000x128xf32, #tpu.memory_space<vmem_shared>> -> memref<10000x128xf32, #tpu.memory_space<vmem_shared>>
      tpu.enqueue_indirect_dma source(%arg11 : memref<128x128xf32, #tpu.memory_space<vmem>>) target(%dma_start3A_425 : memref<10000x128xf32, #tpu.memory_space<vmem_shared>>) offsets(%dma_start3A_422 : memref<128xi32, #tpu.memory_space<vmem>>) semaphore(%arg18 : memref<!tpu.dma_semaphore, #tpu.memory_space<semaphore_mem>>) {add = true}
      %dma_wait3A_426 = arith.constant 0 : i32
      %dma_wait3A_427 = arith.constant 0 : i32
      %dma_wait3A_428 = tpu.memref_slice %arg9[%dma_wait3A_426, %dma_wait3A_427] : memref<8x128xi32, #tpu.memory_space<vmem>> -> memref<1x128xi32, #tpu.memory_space<vmem>>
      %dma_wait3A_429 = tpu.memref_squeeze %dma_wait3A_428 : memref<1x128xi32, #tpu.memory_space<vmem>> -> memref<128xi32, #tpu.memory_space<vmem>>
      %dma_wait3A_430 = arith.constant 0 : i32
      %dma_wait3A_431 = arith.constant 0 : i32
      %dma_wait3A_432 = tpu.memref_slice %arg13[%dma_wait3A_430, %dma_wait3A_431] : memref<10000x128xf32, #tpu.memory_space<vmem_shared>> -> memref<10000x128xf32, #tpu.memory_space<vmem_shared>>
      tpu.wait_indirect_dma semaphore(%arg19 : memref<!tpu.dma_semaphore, #tpu.memory_space<semaphore_mem>>) src(%arg12 : memref<128x128xf32, #tpu.memory_space<vmem>>) dst(%dma_wait3A_432 : memref<10000x128xf32, #tpu.memory_space<vmem_shared>>)
      %dma_start3A_433 = arith.constant 5 : i32
      %dma_start3A_434 = arith.constant 0 : i32
      %dma_start3A_435 = tpu.memref_slice %arg8[%dma_start3A_433, %dma_start3A_434] : memref<8x128xi32, #tpu.memory_space<vmem>> -> memref<1x128xi32, #tpu.memory_space<vmem>>
      %dma_start3A_436 = tpu.memref_squeeze %dma_start3A_435 : memref<1x128xi32, #tpu.memory_space<vmem>> -> memref<128xi32, #tpu.memory_space<vmem>>
      %dma_start3A_437 = arith.constant 0 : i32
      %dma_start3A_438 = arith.constant 0 : i32
      %dma_start3A_439 = tpu.memref_slice %arg2[%dma_start3A_437, %dma_start3A_438] : memref<10000x128xf32, #tpu.memory_space<hbm>> -> memref<10000x128xf32, #tpu.memory_space<hbm>>
      tpu.enqueue_indirect_dma source(%dma_start3A_439 : memref<10000x128xf32, #tpu.memory_space<hbm>>) target(%arg12 : memref<128x128xf32, #tpu.memory_space<vmem>>) offsets(%dma_start3A_436 : memref<128xi32, #tpu.memory_space<vmem>>) semaphore(%arg17 : memref<!tpu.dma_semaphore, #tpu.memory_space<semaphore_mem>>)
      %dma_wait3A_440 = arith.constant 0 : i32
      %dma_wait3A_441 = arith.constant 0 : i32
      %dma_wait3A_442 = tpu.memref_slice %arg7[%dma_wait3A_440, %dma_wait3A_441] : memref<8x128xi32, #tpu.memory_space<vmem>> -> memref<1x128xi32, #tpu.memory_space<vmem>>
      %dma_wait3A_443 = tpu.memref_squeeze %dma_wait3A_442 : memref<1x128xi32, #tpu.memory_space<vmem>> -> memref<128xi32, #tpu.memory_space<vmem>>
      %dma_wait3A_444 = arith.constant 0 : i32
      %dma_wait3A_445 = arith.constant 0 : i32
      %dma_wait3A_446 = tpu.memref_slice %arg2[%dma_wait3A_444, %dma_wait3A_445] : memref<10000x128xf32, #tpu.memory_space<hbm>> -> memref<10000x128xf32, #tpu.memory_space<hbm>>
      tpu.wait_indirect_dma semaphore(%arg17 : memref<!tpu.dma_semaphore, #tpu.memory_space<semaphore_mem>>) src(%dma_wait3A_446 : memref<10000x128xf32, #tpu.memory_space<hbm>>) dst(%arg12 : memref<128x128xf32, #tpu.memory_space<vmem>>)
      %dma_start3A_447 = arith.constant 5 : i32
      %dma_start3A_448 = arith.constant 0 : i32
      %dma_start3A_449 = tpu.memref_slice %arg10[%dma_start3A_447, %dma_start3A_448] : memref<8x128xi32, #tpu.memory_space<vmem>> -> memref<1x128xi32, #tpu.memory_space<vmem>>
      %dma_start3A_450 = tpu.memref_squeeze %dma_start3A_449 : memref<1x128xi32, #tpu.memory_space<vmem>> -> memref<128xi32, #tpu.memory_space<vmem>>
      %dma_start3A_451 = arith.constant 0 : i32
      %dma_start3A_452 = arith.constant 0 : i32
      %dma_start3A_453 = tpu.memref_slice %arg13[%dma_start3A_451, %dma_start3A_452] : memref<10000x128xf32, #tpu.memory_space<vmem_shared>> -> memref<10000x128xf32, #tpu.memory_space<vmem_shared>>
      tpu.enqueue_indirect_dma source(%arg12 : memref<128x128xf32, #tpu.memory_space<vmem>>) target(%dma_start3A_453 : memref<10000x128xf32, #tpu.memory_space<vmem_shared>>) offsets(%dma_start3A_450 : memref<128xi32, #tpu.memory_space<vmem>>) semaphore(%arg19 : memref<!tpu.dma_semaphore, #tpu.memory_space<semaphore_mem>>) {add = true}
      %dma_wait3A_454 = arith.constant 0 : i32
      %dma_wait3A_455 = arith.constant 0 : i32
      %dma_wait3A_456 = tpu.memref_slice %arg9[%dma_wait3A_454, %dma_wait3A_455] : memref<8x128xi32, #tpu.memory_space<vmem>> -> memref<1x128xi32, #tpu.memory_space<vmem>>
      %dma_wait3A_457 = tpu.memref_squeeze %dma_wait3A_456 : memref<1x128xi32, #tpu.memory_space<vmem>> -> memref<128xi32, #tpu.memory_space<vmem>>
      %dma_wait3A_458 = arith.constant 0 : i32
      %dma_wait3A_459 = arith.constant 0 : i32
      %dma_wait3A_460 = tpu.memref_slice %arg13[%dma_wait3A_458, %dma_wait3A_459] : memref<10000x128xf32, #tpu.memory_space<vmem_shared>> -> memref<10000x128xf32, #tpu.memory_space<vmem_shared>>
      tpu.wait_indirect_dma semaphore(%arg18 : memref<!tpu.dma_semaphore, #tpu.memory_space<semaphore_mem>>) src(%arg11 : memref<128x128xf32, #tpu.memory_space<vmem>>) dst(%dma_wait3A_460 : memref<10000x128xf32, #tpu.memory_space<vmem_shared>>)
      %dma_start3A_461 = arith.constant 6 : i32
      %dma_start3A_462 = arith.constant 0 : i32
      %dma_start3A_463 = tpu.memref_slice %arg8[%dma_start3A_461, %dma_start3A_462] : memref<8x128xi32, #tpu.memory_space<vmem>> -> memref<1x128xi32, #tpu.memory_space<vmem>>
      %dma_start3A_464 = tpu.memref_squeeze %dma_start3A_463 : memref<1x128xi32, #tpu.memory_space<vmem>> -> memref<128xi32, #tpu.memory_space<vmem>>
      %dma_start3A_465 = arith.constant 0 : i32
      %dma_start3A_466 = arith.constant 0 : i32
      %dma_start3A_467 = tpu.memref_slice %arg2[%dma_start3A_465, %dma_start3A_466] : memref<10000x128xf32, #tpu.memory_space<hbm>> -> memref<10000x128xf32, #tpu.memory_space<hbm>>
      tpu.enqueue_indirect_dma source(%dma_start3A_467 : memref<10000x128xf32, #tpu.memory_space<hbm>>) target(%arg11 : memref<128x128xf32, #tpu.memory_space<vmem>>) offsets(%dma_start3A_464 : memref<128xi32, #tpu.memory_space<vmem>>) semaphore(%arg16 : memref<!tpu.dma_semaphore, #tpu.memory_space<semaphore_mem>>)
      %dma_wait3A_468 = arith.constant 0 : i32
      %dma_wait3A_469 = arith.constant 0 : i32
      %dma_wait3A_470 = tpu.memref_slice %arg7[%dma_wait3A_468, %dma_wait3A_469] : memref<8x128xi32, #tpu.memory_space<vmem>> -> memref<1x128xi32, #tpu.memory_space<vmem>>
      %dma_wait3A_471 = tpu.memref_squeeze %dma_wait3A_470 : memref<1x128xi32, #tpu.memory_space<vmem>> -> memref<128xi32, #tpu.memory_space<vmem>>
      %dma_wait3A_472 = arith.constant 0 : i32
      %dma_wait3A_473 = arith.constant 0 : i32
      %dma_wait3A_474 = tpu.memref_slice %arg2[%dma_wait3A_472, %dma_wait3A_473] : memref<10000x128xf32, #tpu.memory_space<hbm>> -> memref<10000x128xf32, #tpu.memory_space<hbm>>
      tpu.wait_indirect_dma semaphore(%arg16 : memref<!tpu.dma_semaphore, #tpu.memory_space<semaphore_mem>>) src(%dma_wait3A_474 : memref<10000x128xf32, #tpu.memory_space<hbm>>) dst(%arg11 : memref<128x128xf32, #tpu.memory_space<vmem>>)
      %dma_start3A_475 = arith.constant 6 : i32
      %dma_start3A_476 = arith.constant 0 : i32
      %dma_start3A_477 = tpu.memref_slice %arg10[%dma_start3A_475, %dma_start3A_476] : memref<8x128xi32, #tpu.memory_space<vmem>> -> memref<1x128xi32, #tpu.memory_space<vmem>>
      %dma_start3A_478 = tpu.memref_squeeze %dma_start3A_477 : memref<1x128xi32, #tpu.memory_space<vmem>> -> memref<128xi32, #tpu.memory_space<vmem>>
      %dma_start3A_479 = arith.constant 0 : i32
      %dma_start3A_480 = arith.constant 0 : i32
      %dma_start3A_481 = tpu.memref_slice %arg13[%dma_start3A_479, %dma_start3A_480] : memref<10000x128xf32, #tpu.memory_space<vmem_shared>> -> memref<10000x128xf32, #tpu.memory_space<vmem_shared>>
      tpu.enqueue_indirect_dma source(%arg11 : memref<128x128xf32, #tpu.memory_space<vmem>>) target(%dma_start3A_481 : memref<10000x128xf32, #tpu.memory_space<vmem_shared>>) offsets(%dma_start3A_478 : memref<128xi32, #tpu.memory_space<vmem>>) semaphore(%arg18 : memref<!tpu.dma_semaphore, #tpu.memory_space<semaphore_mem>>) {add = true}
      %dma_wait3A_482 = arith.constant 0 : i32
      %dma_wait3A_483 = arith.constant 0 : i32
      %dma_wait3A_484 = tpu.memref_slice %arg9[%dma_wait3A_482, %dma_wait3A_483] : memref<8x128xi32, #tpu.memory_space<vmem>> -> memref<1x128xi32, #tpu.memory_space<vmem>>
      %dma_wait3A_485 = tpu.memref_squeeze %dma_wait3A_484 : memref<1x128xi32, #tpu.memory_space<vmem>> -> memref<128xi32, #tpu.memory_space<vmem>>
      %dma_wait3A_486 = arith.constant 0 : i32
      %dma_wait3A_487 = arith.constant 0 : i32
      %dma_wait3A_488 = tpu.memref_slice %arg13[%dma_wait3A_486, %dma_wait3A_487] : memref<10000x128xf32, #tpu.memory_space<vmem_shared>> -> memref<10000x128xf32, #tpu.memory_space<vmem_shared>>
      tpu.wait_indirect_dma semaphore(%arg19 : memref<!tpu.dma_semaphore, #tpu.memory_space<semaphore_mem>>) src(%arg12 : memref<128x128xf32, #tpu.memory_space<vmem>>) dst(%dma_wait3A_488 : memref<10000x128xf32, #tpu.memory_space<vmem_shared>>)
      %dma_start3A_489 = arith.constant 7 : i32
      %dma_start3A_490 = arith.constant 0 : i32
      %dma_start3A_491 = tpu.memref_slice %arg8[%dma_start3A_489, %dma_start3A_490] : memref<8x128xi32, #tpu.memory_space<vmem>> -> memref<1x128xi32, #tpu.memory_space<vmem>>
      %dma_start3A_492 = tpu.memref_squeeze %dma_start3A_491 : memref<1x128xi32, #tpu.memory_space<vmem>> -> memref<128xi32, #tpu.memory_space<vmem>>
      %dma_start3A_493 = arith.constant 0 : i32
      %dma_start3A_494 = arith.constant 0 : i32
      %dma_start3A_495 = tpu.memref_slice %arg2[%dma_start3A_493, %dma_start3A_494] : memref<10000x128xf32, #tpu.memory_space<hbm>> -> memref<10000x128xf32, #tpu.memory_space<hbm>>
      tpu.enqueue_indirect_dma source(%dma_start3A_495 : memref<10000x128xf32, #tpu.memory_space<hbm>>) target(%arg12 : memref<128x128xf32, #tpu.memory_space<vmem>>) offsets(%dma_start3A_492 : memref<128xi32, #tpu.memory_space<vmem>>) semaphore(%arg17 : memref<!tpu.dma_semaphore, #tpu.memory_space<semaphore_mem>>)
      %dma_wait3A_496 = arith.constant 0 : i32
      %dma_wait3A_497 = arith.constant 0 : i32
      %dma_wait3A_498 = tpu.memref_slice %arg7[%dma_wait3A_496, %dma_wait3A_497] : memref<8x128xi32, #tpu.memory_space<vmem>> -> memref<1x128xi32, #tpu.memory_space<vmem>>
      %dma_wait3A_499 = tpu.memref_squeeze %dma_wait3A_498 : memref<1x128xi32, #tpu.memory_space<vmem>> -> memref<128xi32, #tpu.memory_space<vmem>>
      %dma_wait3A_500 = arith.constant 0 : i32
      %dma_wait3A_501 = arith.constant 0 : i32
      %dma_wait3A_502 = tpu.memref_slice %arg2[%dma_wait3A_500, %dma_wait3A_501] : memref<10000x128xf32, #tpu.memory_space<hbm>> -> memref<10000x128xf32, #tpu.memory_space<hbm>>
      tpu.wait_indirect_dma semaphore(%arg17 : memref<!tpu.dma_semaphore, #tpu.memory_space<semaphore_mem>>) src(%dma_wait3A_502 : memref<10000x128xf32, #tpu.memory_space<hbm>>) dst(%arg12 : memref<128x128xf32, #tpu.memory_space<vmem>>)
      %dma_start3A_503 = arith.constant 7 : i32
      %dma_start3A_504 = arith.constant 0 : i32
      %dma_start3A_505 = tpu.memref_slice %arg10[%dma_start3A_503, %dma_start3A_504] : memref<8x128xi32, #tpu.memory_space<vmem>> -> memref<1x128xi32, #tpu.memory_space<vmem>>
      %dma_start3A_506 = tpu.memref_squeeze %dma_start3A_505 : memref<1x128xi32, #tpu.memory_space<vmem>> -> memref<128xi32, #tpu.memory_space<vmem>>
      %dma_start3A_507 = arith.constant 0 : i32
      %dma_start3A_508 = arith.constant 0 : i32
      %dma_start3A_509 = tpu.memref_slice %arg13[%dma_start3A_507, %dma_start3A_508] : memref<10000x128xf32, #tpu.memory_space<vmem_shared>> -> memref<10000x128xf32, #tpu.memory_space<vmem_shared>>
      tpu.enqueue_indirect_dma source(%arg12 : memref<128x128xf32, #tpu.memory_space<vmem>>) target(%dma_start3A_509 : memref<10000x128xf32, #tpu.memory_space<vmem_shared>>) offsets(%dma_start3A_506 : memref<128xi32, #tpu.memory_space<vmem>>) semaphore(%arg19 : memref<!tpu.dma_semaphore, #tpu.memory_space<semaphore_mem>>) {add = true}
      %dma_wait3A_510 = arith.constant 0 : i32
      %dma_wait3A_511 = arith.constant 0 : i32
      %dma_wait3A_512 = tpu.memref_slice %arg9[%dma_wait3A_510, %dma_wait3A_511] : memref<8x128xi32, #tpu.memory_space<vmem>> -> memref<1x128xi32, #tpu.memory_space<vmem>>
      %dma_wait3A_513 = tpu.memref_squeeze %dma_wait3A_512 : memref<1x128xi32, #tpu.memory_space<vmem>> -> memref<128xi32, #tpu.memory_space<vmem>>
      %dma_wait3A_514 = arith.constant 0 : i32
      %dma_wait3A_515 = arith.constant 0 : i32
      %dma_wait3A_516 = tpu.memref_slice %arg13[%dma_wait3A_514, %dma_wait3A_515] : memref<10000x128xf32, #tpu.memory_space<vmem_shared>> -> memref<10000x128xf32, #tpu.memory_space<vmem_shared>>
      tpu.wait_indirect_dma semaphore(%arg18 : memref<!tpu.dma_semaphore, #tpu.memory_space<semaphore_mem>>) src(%arg11 : memref<128x128xf32, #tpu.memory_space<vmem>>) dst(%dma_wait3A_516 : memref<10000x128xf32, #tpu.memory_space<vmem_shared>>)
      %lt3A_517 = arith.constant 4 : i32
      %lt3A_518 = arith.cmpi slt, %scan3A_47, %lt3A_517 : i32
      %convert_element_type3A_519 = arith.extui %lt3A_518 : i1 to i32
      %cond3A_520 = arith.constant 0 : i32
      %cond3A_521 = arith.cmpi ne, %convert_element_type3A_519, %cond3A_520 : i32
      scf.if %cond3A_521 {
        %dma_wait3A_526 = arith.constant 0 : i32
        %dma_wait3A_527 = arith.constant 0 : i32
        %dma_wait3A_528 = tpu.memref_slice %arg3[%dma_wait3A_526, %dma_wait3A_527] : memref<2560x128xi32, #tpu.memory_space<hbm>> -> memref<8x128xi32, #tpu.memory_space<hbm>>
        %dma_wait3A_529 = arith.constant 0 : i32
        %dma_wait3A_530 = arith.constant 0 : i32
        %dma_wait3A_531 = tpu.memref_slice %arg3[%dma_wait3A_529, %dma_wait3A_530] : memref<2560x128xi32, #tpu.memory_space<hbm>> -> memref<8x128xi32, #tpu.memory_space<hbm>>
        tpu.wait_dma2 semaphore(%arg14 : memref<!tpu.dma_semaphore, #tpu.memory_space<semaphore_mem>>) src(%dma_wait3A_531 : memref<8x128xi32, #tpu.memory_space<hbm>>) dst(%arg7 : memref<8x128xi32, #tpu.memory_space<vmem>>)
        %dma_wait3A_532 = arith.constant 0 : i32
        %dma_wait3A_533 = arith.constant 0 : i32
        %dma_wait3A_534 = tpu.memref_slice %arg4[%dma_wait3A_532, %dma_wait3A_533] : memref<2560x128xi32, #tpu.memory_space<hbm>> -> memref<8x128xi32, #tpu.memory_space<hbm>>
        %dma_wait3A_535 = arith.constant 0 : i32
        %dma_wait3A_536 = arith.constant 0 : i32
        %dma_wait3A_537 = tpu.memref_slice %arg4[%dma_wait3A_535, %dma_wait3A_536] : memref<2560x128xi32, #tpu.memory_space<hbm>> -> memref<8x128xi32, #tpu.memory_space<hbm>>
        tpu.wait_dma2 semaphore(%arg14 : memref<!tpu.dma_semaphore, #tpu.memory_space<semaphore_mem>>) src(%dma_wait3A_537 : memref<8x128xi32, #tpu.memory_space<hbm>>) dst(%arg9 : memref<8x128xi32, #tpu.memory_space<vmem>>)
        %dma_start3A_538 = arith.constant 0 : i32
        %dma_start3A_539 = arith.constant 0 : i32
        %dma_start3A_540 = tpu.memref_slice %arg7[%dma_start3A_538, %dma_start3A_539] : memref<8x128xi32, #tpu.memory_space<vmem>> -> memref<1x128xi32, #tpu.memory_space<vmem>>
        %dma_start3A_541 = tpu.memref_squeeze %dma_start3A_540 : memref<1x128xi32, #tpu.memory_space<vmem>> -> memref<128xi32, #tpu.memory_space<vmem>>
        %dma_start3A_542 = arith.constant 0 : i32
        %dma_start3A_543 = arith.constant 0 : i32
        %dma_start3A_544 = tpu.memref_slice %arg2[%dma_start3A_542, %dma_start3A_543] : memref<10000x128xf32, #tpu.memory_space<hbm>> -> memref<10000x128xf32, #tpu.memory_space<hbm>>
        tpu.enqueue_indirect_dma source(%dma_start3A_544 : memref<10000x128xf32, #tpu.memory_space<hbm>>) target(%arg11 : memref<128x128xf32, #tpu.memory_space<vmem>>) offsets(%dma_start3A_541 : memref<128xi32, #tpu.memory_space<vmem>>) semaphore(%arg16 : memref<!tpu.dma_semaphore, #tpu.memory_space<semaphore_mem>>)
      } else {
      }
      %eq3A = arith.constant 4 : i32
      %eq3A_522 = arith.cmpi eq, %scan3A_47, %eq3A : i32
      %convert_element_type3A_523 = arith.extui %eq3A_522 : i1 to i32
      %cond3A_524 = arith.constant 0 : i32
      %cond3A_525 = arith.cmpi ne, %convert_element_type3A_523, %cond3A_524 : i32
      scf.if %cond3A_525 {
        %dma_wait3A_526 = arith.constant 0 : i32
        %dma_wait3A_527 = arith.constant 0 : i32
        %dma_wait3A_528 = tpu.memref_slice %arg9[%dma_wait3A_526, %dma_wait3A_527] : memref<8x128xi32, #tpu.memory_space<vmem>> -> memref<1x128xi32, #tpu.memory_space<vmem>>
        %dma_wait3A_529 = tpu.memref_squeeze %dma_wait3A_528 : memref<1x128xi32, #tpu.memory_space<vmem>> -> memref<128xi32, #tpu.memory_space<vmem>>
        %dma_wait3A_530 = arith.constant 0 : i32
        %dma_wait3A_531 = arith.constant 0 : i32
        %dma_wait3A_532 = tpu.memref_slice %arg13[%dma_wait3A_530, %dma_wait3A_531] : memref<10000x128xf32, #tpu.memory_space<vmem_shared>> -> memref<10000x128xf32, #tpu.memory_space<vmem_shared>>
        tpu.wait_indirect_dma semaphore(%arg19 : memref<!tpu.dma_semaphore, #tpu.memory_space<semaphore_mem>>) src(%arg12 : memref<128x128xf32, #tpu.memory_space<vmem>>) dst(%dma_wait3A_532 : memref<10000x128xf32, #tpu.memory_space<vmem_shared>>)
      } else {
      }
    }
    %scan3A_38 = arith.constant 5 : i32
    %barrier3A_39 = arith.constant 0 : index
    tpu.barrier barrier_id(%barrier3A_39)
    %mul3A_40 = arith.constant 625 : i32
    %mul3A_41 = arith.muli %arg1, %mul3A_40 : i32
    %mul3A_42 = arith.constant 10000 : i32
    %mul3A_43 = arith.muli %arg0, %mul3A_42 : i32
    %mul3A_44 = arith.constant 625 : i32
    %mul3A_45 = arith.muli %arg1, %mul3A_44 : i32
    %add3A_46 = arith.addi %mul3A_43, %mul3A_45 : i32
    "tpu.region"() ({
      %run_scoped3A = tpu.sem_alloc : memref<!tpu.dma_semaphore, #tpu.memory_space<semaphore_mem>>
      %dma_start3A_47 = arith.constant 0 : i32
      %dma_start3A_48 = tpu.memref_slice %arg6[%add3A_46, %dma_start3A_47] : memref<20000x128xf32, #tpu.memory_space<hbm>> -> memref<625x128xf32, #tpu.memory_space<hbm>>
      %dma_start3A_49 = arith.constant 0 : i32
      %dma_start3A_50 = tpu.memref_slice %arg13[%mul3A_41, %dma_start3A_49] : memref<10000x128xf32, #tpu.memory_space<vmem_shared>> -> memref<625x128xf32, #tpu.memory_space<vmem_shared>>
      tpu.enqueue_dma source(%dma_start3A_50 : memref<625x128xf32, #tpu.memory_space<vmem_shared>>) target(%dma_start3A_48 : memref<625x128xf32, #tpu.memory_space<hbm>>) target_semaphore(%run_scoped3A : memref<!tpu.dma_semaphore, #tpu.memory_space<semaphore_mem>>)
      %dma_wait3A_51 = arith.constant 0 : i32
      %dma_wait3A_52 = tpu.memref_slice %arg6[%add3A_46, %dma_wait3A_51] : memref<20000x128xf32, #tpu.memory_space<hbm>> -> memref<625x128xf32, #tpu.memory_space<hbm>>
      %dma_wait3A_53 = arith.constant 0 : i32
      %dma_wait3A_54 = tpu.memref_slice %arg13[%mul3A_41, %dma_wait3A_53] : memref<10000x128xf32, #tpu.memory_space<vmem_shared>> -> memref<625x128xf32, #tpu.memory_space<vmem_shared>>
      tpu.wait_dma2 semaphore(%run_scoped3A : memref<!tpu.dma_semaphore, #tpu.memory_space<semaphore_mem>>) src(%dma_wait3A_54 : memref<625x128xf32, #tpu.memory_space<vmem_shared>>) dst(%dma_wait3A_52 : memref<625x128xf32, #tpu.memory_space<hbm>>)
      tpu.yield
    }) : () -> ()
    return
  }
}

module attributes {stable_mosaic.version = 14 : i64} {
  func.func @body(%arg0: i32, %arg1: memref<1000x128xf32, #tpu.memory_space<vmem>>, %arg2: memref<128x128xf32, #tpu.memory_space<vmem>>, %arg3: memref<1x128xf32, #tpu.memory_space<vmem>>, %arg4: memref<1000x128xf32, #tpu.memory_space<vmem>>) attributes {dimension_semantics = [#tpu.dimension_semantics<arbitrary>], iteration_bounds = array<i64: 10>, scalar_prefetch = 0 : i64, scratch_operands = 0 : i64, tpu.core_type = #tpu.core_type<tc>, window_params = [{transform_indices = @transform_0, window_bounds = array<i64: 1000, 128>}, {pipeline_mode = #tpu.pipeline_mode<synchronous>, transform_indices = @transform_1, window_bounds = array<i64: 128, 128>}, {pipeline_mode = #tpu.pipeline_mode<synchronous>, transform_indices = @transform_2, window_bounds = array<i64: 1, 128>}, {transform_indices = @transform_3, window_bounds = array<i64: 1000, 128>}]} {
    %get3A = arith.constant 0 : index
    %get3A_0 = arith.constant 0 : index
    %get3A_1 = vector.load %arg1[%get3A, %get3A_0] : memref<1000x128xf32, #tpu.memory_space<vmem>>, vector<1000x128xf32>
    %get3A_2 = arith.constant 0 : index
    %get3A_3 = arith.constant 0 : index
    %get3A_4 = vector.load %arg2[%get3A_2, %get3A_3] : memref<128x128xf32, #tpu.memory_space<vmem>>, vector<128x128xf32>
    %dot_general3A = arith.constant dense<0.000000e+00> : vector<1000x128xf32>
    %dot_general3A_5 = tpu.matmul %get3A_1, %get3A_4, %dot_general3A {dimension_numbers = #tpu.dot_dimension_numbers<[1], [0], [0], [1], [0, 0, 1, 1], [], []>, precision = #tpu.contract_precision<fp32>, transpose_lhs_hint = false} : vector<1000x128xf32>, vector<128x128xf32>, vector<1000x128xf32> -> vector<1000x128xf32>
    %get3A_6 = arith.constant 0 : index
    %get3A_7 = arith.constant 0 : index
    %get3A_8 = vector.load %arg3[%get3A_6, %get3A_7] : memref<1x128xf32, #tpu.memory_space<vmem>>, vector<1x128xf32>
    %add3A = vector.broadcast %get3A_8 : vector<1x128xf32> to vector<1000x128xf32>
    %add3A_9 = arith.addf %dot_general3A_5, %add3A : vector<1000x128xf32>
    %swap3A = arith.constant 0 : index
    %swap3A_10 = arith.constant 0 : index
    %swap3A_11 = vector.load %arg4[%swap3A, %swap3A_10] : memref<1000x128xf32, #tpu.memory_space<vmem>>, vector<1000x128xf32>
    tpu.vector_store %arg4[%swap3A, %swap3A_10], %add3A_9 {strides = array<i32>} : memref<1000x128xf32, #tpu.memory_space<vmem>>, vector<1000x128xf32>,
    return
  }
  func.func @transform_0(%arg0: i32) -> (i32, i32) {
    %c0_i32 = arith.constant 0 : i32
    %c0_i32_0 = arith.constant 0 : i32
    return %arg0, %c0_i32 : i32, i32
  }
  func.func @transform_1(%arg0: i32) -> (i32, i32) {
    %c0_i32 = arith.constant 0 : i32
    %c0_i32_0 = arith.constant 0 : i32
    %c0_i32_1 = arith.constant 0 : i32
    return %c0_i32, %c0_i32_0 : i32, i32
  }
  func.func @transform_2(%arg0: i32) -> (i32, i32) {
    %c0_i32 = arith.constant 0 : i32
    %c0_i32_0 = arith.constant 0 : i32
    %c0_i32_1 = arith.constant 0 : i32
    return %c0_i32, %c0_i32_0 : i32, i32
  }
  func.func @transform_3(%arg0: i32) -> (i32, i32) {
    %c0_i32 = arith.constant 0 : i32
    %c0_i32_0 = arith.constant 0 : i32
    return %arg0, %c0_i32 : i32, i32
  }
}

module attributes {stable_mosaic.version = 14 : i64} {
  func.func @body(%arg0: i32, %arg1: memref<2000x128xf32, #tpu.memory_space<vmem>>, %arg2: memref<2000x128xf32, #tpu.memory_space<vmem>>, %arg3: memref<2000x16xf32, #tpu.memory_space<vmem>>, %arg4: memref<2000x16xf32, #tpu.memory_space<vmem>>, %arg5: memref<2000x128xf32, #tpu.memory_space<vmem>>, %arg6: memref<128x128xf32, #tpu.memory_space<vmem>>, %arg7: memref<2000x128xf32, #tpu.memory_space<vmem>>, %arg8: memref<128x128xf32, #tpu.memory_space<vmem>>, %arg9: memref<1x128xf32, #tpu.memory_space<vmem>>, %arg10: memref<2000x128xf32, #tpu.memory_space<vmem>>, %arg11: memref<2000x128xf32, #tpu.memory_space<vmem>>) attributes {dimension_semantics = [#tpu.dimension_semantics<arbitrary>], iteration_bounds = array<i64: 5>, scalar_prefetch = 0 : i64, scratch_operands = 0 : i64, tpu.core_type = #tpu.core_type<tc>, window_params = [{transform_indices = @transform_0, window_bounds = array<i64: 2000, 128>}, {transform_indices = @transform_1, window_bounds = array<i64: 2000, 128>}, {transform_indices = @transform_2, window_bounds = array<i64: 2000, 16>}, {transform_indices = @transform_3, window_bounds = array<i64: 2000, 16>}, {transform_indices = @transform_4, window_bounds = array<i64: 2000, 128>}, {pipeline_mode = #tpu.pipeline_mode<synchronous>, transform_indices = @transform_5, window_bounds = array<i64: 128, 128>}, {transform_indices = @transform_6, window_bounds = array<i64: 2000, 128>}, {pipeline_mode = #tpu.pipeline_mode<synchronous>, transform_indices = @transform_7, window_bounds = array<i64: 128, 128>}, {pipeline_mode = #tpu.pipeline_mode<synchronous>, transform_indices = @transform_8, window_bounds = array<i64: 1, 128>}, {transform_indices = @transform_9, window_bounds = array<i64: 2000, 128>}, {transform_indices = @transform_10, window_bounds = array<i64: 2000, 128>}]} {
    %mul3A = arith.constant 2000 : i32
    %mul3A_0 = arith.muli %arg0, %mul3A : i32
    %iota3A = tpu.iota {dimensions = array<i32: 0>} : vector<2000x1xi32>
    %add3A = vector.broadcast %mul3A_0 : i32 to vector<2000x1xi32>
    %add3A_1 = arith.addi %add3A, %iota3A : vector<2000x1xi32>
    %lt3A = arith.constant 7680 : i32
    %lt3A_2 = vector.broadcast %lt3A : i32 to vector<2000x1xi32>
    %lt3A_3 = arith.cmpi slt, %add3A_1, %lt3A_2 : vector<2000x1xi32>
    %convert_element_type3A = arith.extui %lt3A_3 : vector<2000x1xi1> to vector<2000x1xi32>
    %convert_element_type3A_4 = arith.sitofp %convert_element_type3A : vector<2000x1xi32> to vector<2000x1xf32>
    %get3A = arith.constant 0 : index
    %get3A_5 = arith.constant 0 : index
    %get3A_6 = vector.load %arg3[%get3A, %get3A_5] : memref<2000x16xf32, #tpu.memory_space<vmem>>, vector<2000x1xf32>
    %get3A_7 = arith.constant 0 : index
    %get3A_8 = arith.constant 0 : index
    %get3A_9 = vector.load %arg4[%get3A_7, %get3A_8] : memref<2000x16xf32, #tpu.memory_space<vmem>>, vector<2000x1xf32>
    %add3A_10 = arith.addf %get3A_6, %get3A_9 : vector<2000x1xf32>
    %sub3A = arith.subf %add3A_10, %convert_element_type3A_4 : vector<2000x1xf32>
    %get3A_11 = arith.constant 0 : index
    %get3A_12 = arith.constant 0 : index
    %get3A_13 = vector.load %arg1[%get3A_11, %get3A_12] : memref<2000x128xf32, #tpu.memory_space<vmem>>, vector<2000x128xf32>
    %get3A_14 = arith.constant 0 : index
    %get3A_15 = arith.constant 0 : index
    %get3A_16 = vector.load %arg2[%get3A_14, %get3A_15] : memref<2000x128xf32, #tpu.memory_space<vmem>>, vector<2000x128xf32>
    %add3A_17 = arith.addf %get3A_13, %get3A_16 : vector<2000x128xf32>
    %get3A_18 = arith.constant 0 : index
    %get3A_19 = arith.constant 0 : index
    %get3A_20 = vector.load %arg5[%get3A_18, %get3A_19] : memref<2000x128xf32, #tpu.memory_space<vmem>>, vector<2000x128xf32>
    %mul3A_21 = vector.broadcast %convert_element_type3A_4 : vector<2000x1xf32> to vector<2000x128xf32>
    %mul3A_22 = arith.mulf %mul3A_21, %get3A_20 : vector<2000x128xf32>
    %sub3A_23 = arith.subf %add3A_17, %mul3A_22 : vector<2000x128xf32>
    %max3A = arith.constant 1.000000e+00 : f32
    %max3A_24 = vector.broadcast %max3A : f32 to vector<2000x1xf32>
    %max3A_25 = arith.maximumf %sub3A, %max3A_24 : vector<2000x1xf32>
    %div3A = vector.broadcast %max3A_25 : vector<2000x1xf32> to vector<2000x128xf32>
    %div3A_26 = arith.divf %sub3A_23, %div3A : vector<2000x128xf32>
    %get3A_27 = arith.constant 0 : index
    %get3A_28 = arith.constant 0 : index
    %get3A_29 = vector.load %arg6[%get3A_27, %get3A_28] : memref<128x128xf32, #tpu.memory_space<vmem>>, vector<128x128xf32>
    %dot_general3A = arith.constant dense<0.000000e+00> : vector<2000x128xf32>
    %dot_general3A_30 = tpu.matmul %div3A_26, %get3A_29, %dot_general3A {dimension_numbers = #tpu.dot_dimension_numbers<[1], [0], [0], [1], [0, 0, 1, 1], [], []>, precision = #tpu.contract_precision<fp32>, transpose_lhs_hint = false} : vector<2000x128xf32>, vector<128x128xf32>, vector<2000x128xf32> -> vector<2000x128xf32>
    %get3A_31 = arith.constant 0 : index
    %get3A_32 = arith.constant 0 : index
    %get3A_33 = vector.load %arg7[%get3A_31, %get3A_32] : memref<2000x128xf32, #tpu.memory_space<vmem>>, vector<2000x128xf32>
    %add3A_34 = arith.addf %dot_general3A_30, %get3A_33 : vector<2000x128xf32>
    %max3A_35 = arith.constant 0.000000e+00 : f32
    %max3A_36 = vector.broadcast %max3A_35 : f32 to vector<2000x128xf32>
    %max3A_37 = arith.maximumf %add3A_34, %max3A_36 : vector<2000x128xf32>
    %swap3A = arith.constant 0 : index
    %swap3A_38 = arith.constant 0 : index
    %swap3A_39 = vector.load %arg10[%swap3A, %swap3A_38] : memref<2000x128xf32, #tpu.memory_space<vmem>>, vector<2000x128xf32>
    tpu.vector_store %arg10[%swap3A, %swap3A_38], %max3A_37 {strides = array<i32>} : memref<2000x128xf32, #tpu.memory_space<vmem>>, vector<2000x128xf32>,
    %get3A_40 = arith.constant 0 : index
    %get3A_41 = arith.constant 0 : index
    %get3A_42 = vector.load %arg8[%get3A_40, %get3A_41] : memref<128x128xf32, #tpu.memory_space<vmem>>, vector<128x128xf32>
    %dot_general3A_43 = arith.constant dense<0.000000e+00> : vector<2000x128xf32>
    %dot_general3A_44 = tpu.matmul %max3A_37, %get3A_42, %dot_general3A_43 {dimension_numbers = #tpu.dot_dimension_numbers<[1], [0], [0], [1], [0, 0, 1, 1], [], []>, precision = #tpu.contract_precision<fp32>, transpose_lhs_hint = false} : vector<2000x128xf32>, vector<128x128xf32>, vector<2000x128xf32> -> vector<2000x128xf32>
    %get3A_45 = arith.constant 0 : index
    %get3A_46 = arith.constant 0 : index
    %get3A_47 = vector.load %arg9[%get3A_45, %get3A_46] : memref<1x128xf32, #tpu.memory_space<vmem>>, vector<1x128xf32>
    %add3A_48 = vector.broadcast %get3A_47 : vector<1x128xf32> to vector<2000x128xf32>
    %add3A_49 = arith.addf %dot_general3A_44, %add3A_48 : vector<2000x128xf32>
    %swap3A_50 = arith.constant 0 : index
    %swap3A_51 = arith.constant 0 : index
    %swap3A_52 = vector.load %arg11[%swap3A_50, %swap3A_51] : memref<2000x128xf32, #tpu.memory_space<vmem>>, vector<2000x128xf32>
    tpu.vector_store %arg11[%swap3A_50, %swap3A_51], %add3A_49 {strides = array<i32>} : memref<2000x128xf32, #tpu.memory_space<vmem>>, vector<2000x128xf32>,
    return
  }
  func.func @transform_0(%arg0: i32) -> (i32, i32) {
    %c0_i32 = arith.constant 0 : i32
    %c0_i32_0 = arith.constant 0 : i32
    return %arg0, %c0_i32 : i32, i32
  }
  func.func @transform_1(%arg0: i32) -> (i32, i32) {
    %c0_i32 = arith.constant 0 : i32
    %c0_i32_0 = arith.constant 0 : i32
    return %arg0, %c0_i32 : i32, i32
  }
  func.func @transform_2(%arg0: i32) -> (i32, i32) {
    %c0_i32 = arith.constant 0 : i32
    %c0_i32_0 = arith.constant 0 : i32
    return %arg0, %c0_i32 : i32, i32
  }
  func.func @transform_3(%arg0: i32) -> (i32, i32) {
    %c0_i32 = arith.constant 0 : i32
    %c0_i32_0 = arith.constant 0 : i32
    return %arg0, %c0_i32 : i32, i32
  }
  func.func @transform_4(%arg0: i32) -> (i32, i32) {
    %c0_i32 = arith.constant 0 : i32
    %c0_i32_0 = arith.constant 0 : i32
    return %arg0, %c0_i32 : i32, i32
  }
  func.func @transform_5(%arg0: i32) -> (i32, i32) {
    %c0_i32 = arith.constant 0 : i32
    %c0_i32_0 = arith.constant 0 : i32
    %c0_i32_1 = arith.constant 0 : i32
    return %c0_i32, %c0_i32_0 : i32, i32
  }
  func.func @transform_6(%arg0: i32) -> (i32, i32) {
    %c0_i32 = arith.constant 0 : i32
    %c0_i32_0 = arith.constant 0 : i32
    return %arg0, %c0_i32 : i32, i32
  }
  func.func @transform_7(%arg0: i32) -> (i32, i32) {
    %c0_i32 = arith.constant 0 : i32
    %c0_i32_0 = arith.constant 0 : i32
    %c0_i32_1 = arith.constant 0 : i32
    return %c0_i32, %c0_i32_0 : i32, i32
  }
  func.func @transform_8(%arg0: i32) -> (i32, i32) {
    %c0_i32 = arith.constant 0 : i32
    %c0_i32_0 = arith.constant 0 : i32
    %c0_i32_1 = arith.constant 0 : i32
    return %c0_i32, %c0_i32_0 : i32, i32
  }
  func.func @transform_9(%arg0: i32) -> (i32, i32) {
    %c0_i32 = arith.constant 0 : i32
    %c0_i32_0 = arith.constant 0 : i32
    return %arg0, %c0_i32 : i32, i32
  }
  func.func @transform_10(%arg0: i32) -> (i32, i32) {
    %c0_i32 = arith.constant 0 : i32
    %c0_i32_0 = arith.constant 0 : i32
    return %arg0, %c0_i32 : i32, i32
  }
}

module attributes {stable_mosaic.version = 14 : i64} {
  func.func @body(%arg0: i32, %arg1: memref<2000x128xf32, #tpu.memory_space<vmem>>, %arg2: memref<2000x128xf32, #tpu.memory_space<vmem>>, %arg3: memref<2000x16xf32, #tpu.memory_space<vmem>>, %arg4: memref<2000x16xf32, #tpu.memory_space<vmem>>, %arg5: memref<2000x128xf32, #tpu.memory_space<vmem>>, %arg6: memref<128x128xf32, #tpu.memory_space<vmem>>, %arg7: memref<2000x128xf32, #tpu.memory_space<vmem>>, %arg8: memref<128x128xf32, #tpu.memory_space<vmem>>, %arg9: memref<1x128xf32, #tpu.memory_space<vmem>>, %arg10: memref<2000x128xf32, #tpu.memory_space<vmem>>) attributes {dimension_semantics = [#tpu.dimension_semantics<arbitrary>], iteration_bounds = array<i64: 5>, scalar_prefetch = 0 : i64, scratch_operands = 0 : i64, tpu.core_type = #tpu.core_type<tc>, window_params = [{transform_indices = @transform_0, window_bounds = array<i64: 2000, 128>}, {transform_indices = @transform_1, window_bounds = array<i64: 2000, 128>}, {transform_indices = @transform_2, window_bounds = array<i64: 2000, 16>}, {transform_indices = @transform_3, window_bounds = array<i64: 2000, 16>}, {transform_indices = @transform_4, window_bounds = array<i64: 2000, 128>}, {pipeline_mode = #tpu.pipeline_mode<synchronous>, transform_indices = @transform_5, window_bounds = array<i64: 128, 128>}, {transform_indices = @transform_6, window_bounds = array<i64: 2000, 128>}, {pipeline_mode = #tpu.pipeline_mode<synchronous>, transform_indices = @transform_7, window_bounds = array<i64: 128, 128>}, {pipeline_mode = #tpu.pipeline_mode<synchronous>, transform_indices = @transform_8, window_bounds = array<i64: 1, 128>}, {transform_indices = @transform_9, window_bounds = array<i64: 2000, 128>}]} {
    %mul3A = arith.constant 2000 : i32
    %mul3A_0 = arith.muli %arg0, %mul3A : i32
    %iota3A = tpu.iota {dimensions = array<i32: 0>} : vector<2000x1xi32>
    %add3A = vector.broadcast %mul3A_0 : i32 to vector<2000x1xi32>
    %add3A_1 = arith.addi %add3A, %iota3A : vector<2000x1xi32>
    %lt3A = arith.constant 7680 : i32
    %lt3A_2 = vector.broadcast %lt3A : i32 to vector<2000x1xi32>
    %lt3A_3 = arith.cmpi slt, %add3A_1, %lt3A_2 : vector<2000x1xi32>
    %convert_element_type3A = arith.extui %lt3A_3 : vector<2000x1xi1> to vector<2000x1xi32>
    %convert_element_type3A_4 = arith.sitofp %convert_element_type3A : vector<2000x1xi32> to vector<2000x1xf32>
    %get3A = arith.constant 0 : index
    %get3A_5 = arith.constant 0 : index
    %get3A_6 = vector.load %arg3[%get3A, %get3A_5] : memref<2000x16xf32, #tpu.memory_space<vmem>>, vector<2000x1xf32>
    %get3A_7 = arith.constant 0 : index
    %get3A_8 = arith.constant 0 : index
    %get3A_9 = vector.load %arg4[%get3A_7, %get3A_8] : memref<2000x16xf32, #tpu.memory_space<vmem>>, vector<2000x1xf32>
    %add3A_10 = arith.addf %get3A_6, %get3A_9 : vector<2000x1xf32>
    %sub3A = arith.subf %add3A_10, %convert_element_type3A_4 : vector<2000x1xf32>
    %get3A_11 = arith.constant 0 : index
    %get3A_12 = arith.constant 0 : index
    %get3A_13 = vector.load %arg1[%get3A_11, %get3A_12] : memref<2000x128xf32, #tpu.memory_space<vmem>>, vector<2000x128xf32>
    %get3A_14 = arith.constant 0 : index
    %get3A_15 = arith.constant 0 : index
    %get3A_16 = vector.load %arg2[%get3A_14, %get3A_15] : memref<2000x128xf32, #tpu.memory_space<vmem>>, vector<2000x128xf32>
    %add3A_17 = arith.addf %get3A_13, %get3A_16 : vector<2000x128xf32>
    %get3A_18 = arith.constant 0 : index
    %get3A_19 = arith.constant 0 : index
    %get3A_20 = vector.load %arg5[%get3A_18, %get3A_19] : memref<2000x128xf32, #tpu.memory_space<vmem>>, vector<2000x128xf32>
    %mul3A_21 = vector.broadcast %convert_element_type3A_4 : vector<2000x1xf32> to vector<2000x128xf32>
    %mul3A_22 = arith.mulf %mul3A_21, %get3A_20 : vector<2000x128xf32>
    %sub3A_23 = arith.subf %add3A_17, %mul3A_22 : vector<2000x128xf32>
    %max3A = arith.constant 1.000000e+00 : f32
    %max3A_24 = vector.broadcast %max3A : f32 to vector<2000x1xf32>
    %max3A_25 = arith.maximumf %sub3A, %max3A_24 : vector<2000x1xf32>
    %div3A = vector.broadcast %max3A_25 : vector<2000x1xf32> to vector<2000x128xf32>
    %div3A_26 = arith.divf %sub3A_23, %div3A : vector<2000x128xf32>
    %get3A_27 = arith.constant 0 : index
    %get3A_28 = arith.constant 0 : index
    %get3A_29 = vector.load %arg6[%get3A_27, %get3A_28] : memref<128x128xf32, #tpu.memory_space<vmem>>, vector<128x128xf32>
    %dot_general3A = arith.constant dense<0.000000e+00> : vector<2000x128xf32>
    %dot_general3A_30 = tpu.matmul %div3A_26, %get3A_29, %dot_general3A {dimension_numbers = #tpu.dot_dimension_numbers<[1], [0], [0], [1], [0, 0, 1, 1], [], []>, precision = #tpu.contract_precision<fp32>, transpose_lhs_hint = false} : vector<2000x128xf32>, vector<128x128xf32>, vector<2000x128xf32> -> vector<2000x128xf32>
    %get3A_31 = arith.constant 0 : index
    %get3A_32 = arith.constant 0 : index
    %get3A_33 = vector.load %arg7[%get3A_31, %get3A_32] : memref<2000x128xf32, #tpu.memory_space<vmem>>, vector<2000x128xf32>
    %add3A_34 = arith.addf %dot_general3A_30, %get3A_33 : vector<2000x128xf32>
    %reduce_max3A = arith.constant dense<0xFF800000> : vector<2000xf32>
    %reduce_max3A_35 = vector.multi_reduction <maximumf>, %add3A_34, %reduce_max3A [1] : vector<2000x128xf32> to vector<2000xf32>
    %broadcast_in_dim3A = vector.shape_cast %reduce_max3A_35 : vector<2000xf32> to vector<2000x1xf32>
    %sub3A_36 = vector.broadcast %broadcast_in_dim3A : vector<2000x1xf32> to vector<2000x128xf32>
    %sub3A_37 = arith.subf %add3A_34, %sub3A_36 : vector<2000x128xf32>
    %exp3A = math.exp %sub3A_37 : vector<2000x128xf32>
    %reduce_sum3A = arith.constant dense<0.000000e+00> : vector<2000xf32>
    %reduce_sum3A_38 = vector.multi_reduction <add>, %exp3A, %reduce_sum3A [1] : vector<2000x128xf32> to vector<2000xf32>
    %broadcast_in_dim3A_39 = vector.shape_cast %reduce_sum3A_38 : vector<2000xf32> to vector<2000x1xf32>
    %div3A_40 = vector.broadcast %broadcast_in_dim3A_39 : vector<2000x1xf32> to vector<2000x128xf32>
    %div3A_41 = arith.divf %exp3A, %div3A_40 : vector<2000x128xf32>
    %swap3A = arith.constant 0 : index
    %swap3A_42 = arith.constant 0 : index
    %swap3A_43 = vector.load %arg10[%swap3A, %swap3A_42] : memref<2000x128xf32, #tpu.memory_space<vmem>>, vector<2000x128xf32>
    tpu.vector_store %arg10[%swap3A, %swap3A_42], %div3A_41 {strides = array<i32>} : memref<2000x128xf32, #tpu.memory_space<vmem>>, vector<2000x128xf32>,
    return
  }
  func.func @transform_0(%arg0: i32) -> (i32, i32) {
    %c0_i32 = arith.constant 0 : i32
    %c0_i32_0 = arith.constant 0 : i32
    return %arg0, %c0_i32 : i32, i32
  }
  func.func @transform_1(%arg0: i32) -> (i32, i32) {
    %c0_i32 = arith.constant 0 : i32
    %c0_i32_0 = arith.constant 0 : i32
    return %arg0, %c0_i32 : i32, i32
  }
  func.func @transform_2(%arg0: i32) -> (i32, i32) {
    %c0_i32 = arith.constant 0 : i32
    %c0_i32_0 = arith.constant 0 : i32
    return %arg0, %c0_i32 : i32, i32
  }
  func.func @transform_3(%arg0: i32) -> (i32, i32) {
    %c0_i32 = arith.constant 0 : i32
    %c0_i32_0 = arith.constant 0 : i32
    return %arg0, %c0_i32 : i32, i32
  }
  func.func @transform_4(%arg0: i32) -> (i32, i32) {
    %c0_i32 = arith.constant 0 : i32
    %c0_i32_0 = arith.constant 0 : i32
    return %arg0, %c0_i32 : i32, i32
  }
  func.func @transform_5(%arg0: i32) -> (i32, i32) {
    %c0_i32 = arith.constant 0 : i32
    %c0_i32_0 = arith.constant 0 : i32
    %c0_i32_1 = arith.constant 0 : i32
    return %c0_i32, %c0_i32_0 : i32, i32
  }
  func.func @transform_6(%arg0: i32) -> (i32, i32) {
    %c0_i32 = arith.constant 0 : i32
    %c0_i32_0 = arith.constant 0 : i32
    return %arg0, %c0_i32 : i32, i32
  }
  func.func @transform_7(%arg0: i32) -> (i32, i32) {
    %c0_i32 = arith.constant 0 : i32
    %c0_i32_0 = arith.constant 0 : i32
    %c0_i32_1 = arith.constant 0 : i32
    return %c0_i32, %c0_i32_0 : i32, i32
  }
  func.func @transform_8(%arg0: i32) -> (i32, i32) {
    %c0_i32 = arith.constant 0 : i32
    %c0_i32_0 = arith.constant 0 : i32
    %c0_i32_1 = arith.constant 0 : i32
    return %c0_i32, %c0_i32_0 : i32, i32
  }
  func.func @transform_9(%arg0: i32) -> (i32, i32) {
    %c0_i32 = arith.constant 0 : i32
    %c0_i32_0 = arith.constant 0 : i32
    return %arg0, %c0_i32 : i32, i32
  }
}

</mosaic_0001>

<sc_bundles>
// kernel: kernel.10.cloned.1.call-start
scs
__scs_entry_jumppad:
0x0: {  	(pc) =	sbr.rel $0x88, $3  }
0x1: {  	(tag) =	ssettag $0x0;
	lr =	simm.s32 $0x1  }
0x2: {  	[smem:$0x3F99] =	sst lr;
	_ =	strace $0xD0000000  }
0x3: {  	_ = 	snop  }
0x4: {  	_ = 	snop  }
0x5: {  	_ = 	snop  }
0x6: {  	_ = 	snop  }
0x7: {  	_ = 	snop  }
__scs_overlays_trampoline_lowered:
0x8: {  	[smem:$0x3FA8] =	sst s0  }
0x9: {  	[smem:$0x3FA9] =	sst s1  }
0xa: {  	[smem:$0x3FAA] =	sst s2  }
0xb: {  	[smem:$0x3FAB] =	sst s3  }
0xc: {  	[smem:$0x3FAC] =	sst s4  }
0xd: {  	[smem:$0x3FAD] =	sst s5  }
0xe: {  	[smem:$0x3FAE] =	sst s6  }
0xf: {  	[smem:$0x3FAF] =	sst s7  }
0x10: {  	[smem:$0x3FB0] =	sst s8  }
0x11: {  	[smem:$0x3FB1] =	sst s9;
	s0 =	simm.s32 @!p0 $0x0  }
0x12: {  	s1 =	sld [smem:$0x3F97];
	s0 =	simm.s32 @p0 $0x1  }
0x13: {  	[smem:$0x3FB2] =	sst s0;
	s0 =	simm.s32 @!p1 $0x0  }
0x14: {  	s2 =	sld [smem:$0x3F96];
	s0 =	simm.s32 @p1 $0x1  }
0x15: {  	[smem:$0x3FB3] =	sst s0;
	s0 =	simm.s32 @!p2 $0x0  }
0x16: {  	s3 =	sld [smem:$0x3FDB];
	s0 =	simm.s32 @p2 $0x1  }
0x17: {  	s4 =	simm.s32 $0x1BF5;
	[smem:$0x3FB5] =	sst s0  }
0x18: {  	s0 =	sld [smem:$0x3F98];
	_ =	swait.ge [sflag:s4], $0x0  }
0x19: {  	s7 =	sld [smem:$0x3F99]  }
0x1a: {  	s8 =	sadd.s32 $0xFFFFE003, lr  }
0x1b: {  	s9 =	sadd.s32 $0xFFFFFEF7, lr;
	s5 =	simm.s32 $0xFFFFFFFF;
	p2 =	slt.u32 s8, $0xFFFFF086  }
0x1c: {  	p1 =	slt.u32 s9, $0xF7A;
	s5 =	simm.s32 @!p2 $0x0  }
0x1d: {  	s5 =	simm.s32 @p1 $0x1;
	p0 =	seq.s32 s7, s2  }
0x1e: {  	s7 =	smul.u32 @!p0 $0xF7A, s2;
	p2 =	seq.s32 @!p0 s5, $0x0  }
0x1f: {  	s9 =	smul.u32 $0xF7A, s1;
	s8 =	simm.s32 @!p0 $0x1BF5;
	p2 =	por !p2, p0  }
0x20: {  	[sflag:s8] =	ssyncset.s32 @!p0 $0xFFFFF086;
	s6 =	sadd.s32 @!p0 s3, s7;
	s7 =	simm.s32 @!p0 $0x108  }
0x21: {  	s3 =	sadd.s32 s3, s9;
	s6 =	sadd.s32 @!p0 $0x88, s6;
	s7 =	simm.s32 @p2 $0x1082  }
0x22: {  	[simem:s7], [sflag:s8] =	dma.local @!p0 [hbm:s6], $0xF7A  }
0x23: {  	s9 =	sor.u32 $0xD0000000, s2;
	s6 =	simm.s32 $0x108;
	_ =	swait.ge @!p0 [sflag:s8], $0x0  }
0x24: {  	s3 =	sadd.s32 $0x88, s3;
	s6 =	simm.s32 @!p1 $0x1082;
	[sflag:s4] =	ssyncset.s32 $0xFFFFF086  }
0x25: {  	[simem:s6], [sflag:s4] =	dma.local [hbm:s3], $0xF7A  }
0x26: {  	[smem:$0x3F99] =	sst s1;
	(tag) =	ssettag s2;
	_ =	strace s9  }
0x27: {  	s1 =	sld [smem:$0x3FA9]  }
0x28: {  	s2 =	sld [smem:$0x3FAA]  }
0x29: {  	s4 =	sld [smem:$0x3FAC]  }
0x2a: {  	p0 =	seq.s32 s5, $0x0;
	s5 =	sld [smem:$0x3FAD]  }
0x2b: {  	s6 =	sld [smem:$0x3FAE]  }
0x2c: {  	s7 =	sld [smem:$0x3FAF]  }
0x2d: {  	s3 =	simm.s32 $0x108;
	s8 =	sld [smem:$0x3FB0]  }
0x2e: {  	s3 =	simm.s32 @!p0 $0x1082;
	s9 =	sld [smem:$0x3FB1]  }
0x2f: {  	lr =	sadd.s32 s0, s3;
	s0 =	sld [smem:$0x3FA8]  }
0x30: {  	s3 =	sld [smem:$0x3FAB]  }
0x31: {  	[smem:$0x3FB4] =	sst s10  }
0x32: {  	s10 =	sld [smem:$0x3FB2];
	_ =	sdelay $0x3  }
0x33: {  	p0 =	seq.s32 s10, $0x1;
	s10 =	sld [smem:$0x3FB4];
	_ =	sdelay $0x3  }
0x34: {  	[smem:$0x3FB4] =	sst s10  }
0x35: {  	s10 =	sld [smem:$0x3FB3];
	_ =	sdelay $0x3  }
0x36: {  	p1 =	seq.s32 s10, $0x1;
	s10 =	sld [smem:$0x3FB4];
	_ =	sdelay $0x3  }
0x37: {  	[smem:$0x3FB4] =	sst s10  }
0x38: {  	s10 =	sld [smem:$0x3FB5]  }
0x39: {  	_ = 	snop;
	(pc) =	sbr.ind lr, $3  }
0x3a: {  	_ = 	snop  }
0x3b: {  	_ = 	snop  }
0x3c: {  	p2 =	seq.s32 s10, $0x1;
	s10 =	sld [smem:$0x3FB4]  }
0x3d: {  	_ =	shalt  }
0x3e: {  	_ =	shalt  }
0x3f: {  	_ =	shalt  }
0x40: {  	_ =	shalt  }
0x41: {  	_ =	shalt  }
0x42: {  	_ =	shalt  }
0x43: {  	_ =	shalt  }
0x44: {  	_ =	shalt  }
0x45: {  	_ =	shalt  }
0x46: {  	_ =	shalt  }
0x47: {  	_ =	shalt  }
0x48: {  	_ =	shalt  }
0x49: {  	_ =	shalt  }
0x4a: {  	_ =	shalt  }
0x4b: {  	_ =	shalt  }
0x4c: {  	_ =	shalt  }
0x4d: {  	_ =	shalt  }
0x4e: {  	_ =	shalt  }
0x4f: {  	_ =	shalt  }
0x50: {  	_ =	shalt  }
0x51: {  	_ =	shalt  }
0x52: {  	_ =	shalt  }
0x53: {  	_ =	shalt  }
0x54: {  	_ =	shalt  }
0x55: {  	_ =	shalt  }
0x56: {  	_ =	shalt  }
0x57: {  	_ =	shalt  }
0x58: {  	_ =	shalt  }
0x59: {  	_ =	shalt  }
0x5a: {  	_ =	shalt  }
0x5b: {  	_ =	shalt  }
0x5c: {  	_ =	shalt  }
0x5d: {  	_ =	shalt  }
0x5e: {  	_ =	shalt  }
0x5f: {  	_ =	shalt  }
0x60: {  	_ =	shalt  }
0x61: {  	_ =	shalt  }
0x62: {  	_ =	shalt  }
0x63: {  	_ =	shalt  }
0x64: {  	_ =	shalt  }
0x65: {  	_ =	shalt  }
0x66: {  	_ =	shalt  }
0x67: {  	_ =	shalt  }
0x68: {  	_ =	shalt  }
0x69: {  	_ =	shalt  }
0x6a: {  	_ =	shalt  }
0x6b: {  	_ =	shalt  }
0x6c: {  	_ =	shalt  }
0x6d: {  	_ =	shalt  }
0x6e: {  	_ =	shalt  }
0x6f: {  	_ =	shalt  }
0x70: {  	_ =	shalt  }
0x71: {  	_ =	shalt  }
0x72: {  	_ =	shalt  }
0x73: {  	_ =	shalt  }
0x74: {  	_ =	shalt  }
0x75: {  	_ =	shalt  }
0x76: {  	_ =	shalt  }
0x77: {  	_ =	shalt  }
0x78: {  	_ =	shalt  }
0x79: {  	_ =	shalt  }
0x7a: {  	_ =	shalt  }
0x7b: {  	_ =	shalt  }
0x7c: {  	_ =	shalt  }
0x7d: {  	_ =	shalt  }
0x7e: {  	_ =	shalt  }
0x7f: {  	_ =	shalt  }
0x80: {  	_ =	shalt  }
0x81: {  	_ =	shalt  }
0x82: {  	_ =	shalt  }
0x83: {  	_ =	shalt  }
0x84: {  	_ =	shalt  }
0x85: {  	_ =	shalt  }
0x86: {  	_ =	shalt  }
0x87: {  	_ =	shalt  }
.Lfunc_end0:
.L_simem_size_0:
called_computation.1_lowered:
.L_overlay_start_0:
0x88: {  	s2 =	sld [smem:$0x3FD9]  }
0x89: {  	s3 =	sld [smem:$0x3FFE];
	_ =	sdelay $0x1  }
0x8a: {  	s1 =	srdreg.scid  }
0x8b: {  	s0 =	sand.u32 $0x1, s1  }
0x8c: {  	s17 =	sshll.u32 s0, $0xA;
	s2 =	sadd.s32 s3, s2  }
0x8d: {  	s2 =	sadd.s32 s2, s17  }
0x8e: {  	[smem:$0x3FC0] =	sst s2  }
0x8f: {  	_ = 	snop  }
0x90: {  	s2 =	sld [smem:$0x3FD0];
	(tm) =	ssettm $0x1  }
0x91: {  	s18 =	sld [smem:$0x3FFB];
	_ =	sdelay $0x3  }
0x92: {  	_ =	strace s18  }
0x93: {  	s3 =	sld [smem:$0x3FFC];
	_ =	sdelay $0x3  }
0x94: {  	_ =	strace s3  }
0x95: {  	s3 =	sld [smem:$0x3FFD];
	_ =	sdelay $0x3  }
0x96: {  	_ =	strace s3  }
0x97: {  	_ =	strace $0x8FFFFFFF  }
0x98: {  	s19 =	sld [smem:$0x3FDB];
	_ =	sdelay $0x1  }
0x99: {  	s4 =	simm.s32 $_scs_section_size  }
0x9a: {  	s5 =	simm.s32 $_size__tile_overlayer_lowered;
	s6 =	simm.s32 $_tile_overlayer_lowered  }
0x9b: {  	s22 =	simm.s32 $0x1BFF;
	s21 =	sshll.u32 s6, $0x1;
	s3 =	sadd.s32 s4, s19  }
0x9c: {  	s7 =	simm.s32 $0x0;
	s20 =	sshll.u32 s5, $0x1;
	s5 =	sadd.s32 s21, s3  }
0x9d: {  	[timem:s7], [sflag:s22] =	dma.local [hbm:s5], s20  }
0x9e: {  	_ =	swait.ge [sflag:s22], s20  }
0x9f: {  	s4 =	ssub.s32 $0x0, s20;
	[sflag:s22] =	ssyncset.done $0x0  }
0xa0: {  	[sflag:s22] =	ssyncadd.s32 s4;
	_ =	sdelay $0x1  }
0xa1: {  	s23 =	simm.s32 $0x1B8B  }
0xa2: {  	_ =	swait.ge [sflag:s23], $0x1  }
0xa3: {  	[sflag:s23] =	ssyncset.done $0x0  }
0xa4: {  	s25 =	simm.s32 $0x1B8E;
	s24 =	sld [smem:$0x3FFE];
	[sflag:s23] =	ssyncadd.s32 $0xFFFFFFFF  }
0xa5: {  	s26 =	simm.s32 $execute0_lowered;
	[smem:$0x3FD2] =	sst s25  }
0xa6: {  	s5 =	sshll.u32 s26, $0x1;
	_ =	strace $0x80000049;
	[dreg:$0x1] =	wrdreg $0xFFFFFFFF  }
0xa7: {  	s28 =	simm.s32 $_size_execute0_lowered;
	s3 =	sadd.s32 s3, s5;
	[dreg:$0x0] =	wrdreg $0x0  }
0xa8: {  	s5 =	sshll.u32 s28, $0x1;
	[dreg:$0x2] =	wrdreg s3  }
0xa9: {  	[dreg:$0x3] =	wrdreg s5  }
0xaa: {  	[dreg:$0x4] =	wrdreg $0xC0  }
0xab: {  	_ =	task [dreg:s7], $0x5FFFF  }
0xac: {  	[dreg:$0x1] =	wrdreg $0xFFFFFFFF  }
0xad: {  	[dreg:$0x0] =	wrdreg $0x60  }
0xae: {  	[dreg:$0x2] =	wrdreg s24  }
0xaf: {  	[dreg:$0x3] =	wrdreg s2  }
0xb0: {  	[dreg:$0x4] =	wrdreg $0x90000  }
0xb1: {  	[dreg:$0x5] =	wrdreg $0x9  }
0xb2: {  	_ =	task.clear_ibuf [dreg:s7], $0x6FFFF;
	_ =	strace $0x90000049  }
0xb3: {  	s29 =	simm.s32 $0x9;
	_ =	strace $0x8000004B  }
0xb4: {  	_ =	swait.ge [sflag:s29], $0x1  }
0xb5: {  	[sflag:s29] =	ssyncadd.s32 $0xFFFFFFFF  }
0xb6: {  	_ =	strace $0x9000004B  }
0xb7: {  	_ =	sfence  }
0xb8: {  	s30 =	sld [smem:$0x0];
	_ =	sdelay $0x2  }
0xb9: {  	s31 =	sshll.u32 s1, $0xD;
	s1 =	sshrl.u32 s1, $0x2  }
0xba: {  	s3 =	sand.u32 $0x4000, s31;
	s1 =	sadd.s32 s1, s30  }
0xbb: {  	s0 =	sor.u32 s3, s0;
	s1 =	sshll.u32 s1, $0x11  }
0xbc: {  	s0 =	sor.u32 s1, s0  }
0xbd: {  	s0 =	sadd.s32 $0x8F2B, s0  }
0xbe: {  	[sflag:s0] =	ssyncadd.remote.s32 $0x1  }
0xbf: {  	_ =	sfence.sel $0xFFFF  }
0xc0: {  	[dreg:$0x0] =	wrdreg $0xFFFFFFFF;
	(pc) =	sbr.abs _section_cstart, $3  }
0xc1: {  	[dreg:$0x1] =	wrdreg $0xFFFFFFFF  }
0xc2: {  	_ =	task.clear_ibuf [dreg:s7], $0x2FFFF;
	_ =	strace $0x9FFFFFFF  }
0xc3: {  	(tm) =	ssettm $0x7FFFFFFF  }
tec
execute0_lowered:
.L_overlay_start_1:
0x0: {  	(tag) =	ssettag $0x1  }
0x1: {  	s0 =	rddreg [dreg:$0x0]  }
0x2: {  	s1 =	rddreg [dreg:$0x1]  }
0x3: {  	s2 =	rddreg [dreg:$0x2];
	s3 =	simm.s32 $0x0  }
0x4: {  	s4 =	srdreg.scid;
	s12 =	stileid.u32;
	s29 =	simm.s32 $0x6  }
0x5: {  	s13 =	simm.s32 $0x2;
	s28 =	simm.s32 $0x580;
	s30 =	simm.s32 $0xD80  }
0x6: {  	s31 =	simm.s32 $0x600;
	[smem:$0x7FF] =	sst s3;
	s5 =	sand.u32 $0x1, s4  }
0x7: {  	s6 =	smul.u32 $0x2710, s12;
	s4 =	sadd.s32 $0x17A00, s0;
	s8 =	sadd.s32 $0xDA00, s0  }
0x8: {  	s10 =	smul.u32 $0x13880, s12;
	s11 =	sadd.s32 $0x3A00, s0;
	s20 =	sshll.u32 s12, $0x8  }
0x9: {  	s21 =	sshll.u32 s12, $0x6;
	_ =	strace $0x8000004A;
	s7 =	smul.u32 $0x27100, s5  }
0xa: {  	s9 =	ssub.s32 $0x2, s5;
	s5 =	sshll.u32 s5, $0x7;
	s14 =	sor.u32 $0x1C07, s21  }
0xb: {  	s25 =	sadd.s32 s20, s8;
	s26 =	sadd.s32 s20, s11;
	s21 =	simm.s32 $0x4  }
0xc: {  	s16 =	sshrl.u32 s9, $0x1;
	s18 =	sadd.s32 s10, s2;
	s19 =	sshrl.u32 s10, $0x3  }
0xd: {  	s22 =	sor.u32 s5, s20;
	s12 =	sadd.s32 s5, s26;
	s20 =	simm.s32 $0x5000  }
0xe: {  	s26 =	simm.s32 $0xD00;
	s10 =	simm.s32 $0xF80;
	[dreg:$0x5] =	wrdreg s14  }
0xf: {  	s6 =	sadd.s32 s6, s7;
	s17 =	ssub.s32 s9, s16;
	s1 =	sadd.s32 s1, s19  }
0x10: {  	s23 =	sadd.s32 s8, s22;
	s24 =	sadd.s32 s11, s22;
	s11 =	sadd.s32 s5, s25  }
0x11: {  	s15 =	sshrl.u32 s18, $0x3;
	s22 =	simm.s32 $0x7;
	s16 =	simm.s32 $0x1  }
0x12: {  	s18 =	simm.s32 $0x1000;
	s19 =	simm.s32 $0x3;
	s25 =	simm.s32 $0xC00  }
0x13: {  	s5 =	simm.s32 $0xE80;
	s7 =	simm.s32 $0x700;
	[dreg:$0x4] =	wrdreg s1  }
0x14: {  	s8 =	simm.s32 $0xF00;
	s9 =	simm.s32 $0x780;
	[dreg:$0x6] =	wrdreg s23  }
.Ltmp0:
0x15: {  	s0 =	sadd.s32 s6, s0;
	[dreg:$0x7] =	wrdreg s24;
	(pc) =	sbr.rel .LBB2_1-.Ltmp0, $4  }
0x16: {  	s6 =	smax.u32 s17, $0x1;
	s17 =	simm.s32 $0x80;
	[dreg:$0xa] =	wrdreg s15  }
0x17: {  	s23 =	simm.s32 $0x5;
	s0 =	sadd.s32 $0xEA200, s0;
	[dreg:$0x9] =	wrdreg s6  }
0x18: {  	s24 =	simm.s32 $0x400;
	s6 =	simm.s32 $0x0;
	[dreg:$0x8] =	wrdreg s0  }
0x19: {  	s1 =	simm.s32 $0x680;
	s0 =	simm.s32 $0xE00;
	[dreg:$0xb] =	wrdreg s6  }
.LBB2_4:
0x1a: {  	_ =	swait.ge [sflag:s29], $0x4000  }
0x1b: {  	[sflag:s29] =	ssyncset.done $0x0  }
0x1c: {  	[sflag:s29] =	ssyncadd.s32 $0xFFFFC000  }
0x1d: {  	[bflag:$0x0] =	sbarrier.arrive $0xFFFF  }
0x1e: {  	s14 =	rddreg [dreg:$0x5]  }
0x1f: {  	s6 =	rddreg [dreg:$0x8]  }
0x20: {  	s22 =	simm.s32 $0x7;
	s15 =	rddreg [dreg:$0xa]  }
0x21: {  	[hbm:s6], [sflag:s14] =	dma.local [spmem:s15], $0x2710  }
0x22: {  	_ =	swait.ge [sflag:s22], $0x2710  }
0x23: {  	s26 =	rddreg [dreg:$0xb]  }
0x24: {  	s6 =	rddreg [dreg:$0x9];
	s26 =	sadd.s32 $0x1, s26  }
0x25: {  	p0 =	sne.s32 s26, s6  }
.Ltmp1:
0x26: {  	_ = 	snop;
	(pc) =	sbr.rel @!p0 .LBB2_5-.Ltmp1, $3  }
0x27: {  	_ =	sdelay $0x1  }
0x28: {  	[sflag:s22] =	ssyncset.done $0x0  }
0x29: {  	[sflag:s22] =	ssyncadd.s32 $0xFFFFD8F0;
	[dreg:$0xb] =	wrdreg s26;
	s26 =	simm.s32 $0xD00  }
.LBB2_1:
0x2a: {  	s6 =	rddreg [dreg:$0x4]  }
0x2b: {  	[spmem:s15], [sflag:s14] =	dma.local [hbm:s6], $0x2710  }
0x2c: {  	_ =	swait.ge [sflag:s22], $0x2710  }
0x2d: {  	[sflag:s22] =	ssyncset.done $0x0  }
0x2e: {  	[sflag:s22] =	ssyncadd.s32 $0xFFFFD8F0  }
0x2f: {  	[bflag:$0x0] =	sbarrier.arrive $0xFFFF  }
0x30: {  	s14 =	rddreg [dreg:$0x6]  }
0x31: {  	[tilespmem:s3], [sflag:$0x1] =	stream.linear.gather [hbm4b:s14+s3], $0x400, $0x38;
	[tilespmem:$0x1C880] =	vst v63  }
0x32: {  	s22 =	simm.s32 $0x800;
	s15 =	rddreg [dreg:$0x7]  }
0x33: {  	[tilespmem:s22], [sflag:$0x1] =	stream.linear.gather [hbm4b:s15+s3], $0x400, $0x38;
	[tilespmem:$0x1C880] =	vst v63  }
0x34: {  	_ =	swait.ge [sflag:s16], $0x400  }
0x35: {  	[sflag:s16] =	ssyncset.done $0x0  }
0x36: {  	[sflag:s16] =	ssyncadd.s32 $0xFFFFFC00  }
0x37: {  	_ =	swait.ge [sflag:s16], $0x400  }
0x38: {  	[sflag:s16] =	ssyncset.done $0x0  }
0x39: {  	s6 =	simm.s32 $0x0;
	[sflag:s16] =	ssyncadd.s32 $0xFFFFFC00  }
0x3a: {  	[tilespmem:s18], [sflag:$0x3] =	stream.indirect.gather [hbm4b:s4+s17], $0x80, s3, s17, $0xb8;
	[tilespmem:$0x1C880] =	vst v63  }
.LBB2_2:
0x3b: {  	_ =	swait.ge [sflag:s19], $0x4000  }
0x3c: {  	[sflag:s19] =	ssyncset.done $0x0  }
0x3d: {  	s14 =	simm.s32 $0x800;
	p0 =	seq.s32 s6, $0x0;
	[sflag:s19] =	ssyncadd.s32 $0xFFFFC000  }
0x3e: {  	[spmem:s2] =	stream.indirect.scatter.add.f32 [tilespmem:s18], [sflag:$0x5], $0x80, s14, s17, $0xb8;
	[tilespmem:$0x1C880] =	vst v63  }
0x3f: {  	s14 =	simm.s32 @!p0 $0x6  }
0x40: {  	_ =	swait.ge @!p0 [sflag:s14], $0x4000  }
0x41: {  	[sflag:s14] =	ssyncset.done @!p0 $0x0  }
0x42: {  	[sflag:s14] =	ssyncadd.s32 @!p0 $0xFFFFC000  }
0x43: {  	[tilespmem:s20], [sflag:$0x4] =	stream.indirect.gather [hbm4b:s4+s17], $0x80, s17, s17, $0xb8;
	[tilespmem:$0x1C880] =	vst v63  }
0x44: {  	_ =	swait.ge [sflag:s21], $0x4000  }
0x45: {  	[sflag:s21] =	ssyncset.done $0x0  }
0x46: {  	s15 =	simm.s32 $0x880;
	[sflag:s21] =	ssyncadd.s32 $0xFFFFC000  }
0x47: {  	[spmem:s2] =	stream.indirect.scatter.add.f32 [tilespmem:s20], [sflag:$0x6], $0x80, s15, s17, $0xb8;
	[tilespmem:$0x1C880] =	vst v63  }
0x48: {  	_ =	swait.ge [sflag:s23], $0x4000  }
0x49: {  	s22 =	sadd.s32 s6, s11;
	[sflag:s23] =	ssyncset.done $0x0  }
0x4a: {  	s14 =	sadd.s32 $0x1000, s22;
	s15 =	sadd.s32 s6, s12;
	[sflag:s23] =	ssyncadd.s32 $0xFFFFC000  }
0x4b: {  	[tilespmem:s24], [sflag:$0x2] =	stream.linear.gather [hbm4b:s14+s3], $0x400, $0x38;
	[tilespmem:$0x1C880] =	vst v63  }
0x4c: {  	s14 =	sadd.s32 $0x1000, s15  }
0x4d: {  	[tilespmem:s25], [sflag:$0x2] =	stream.linear.gather [hbm4b:s14+s3], $0x400, $0x38;
	[tilespmem:$0x1C880] =	vst v63  }
0x4e: {  	s22 =	simm.s32 $0x100  }
0x4f: {  	[tilespmem:s18], [sflag:$0x3] =	stream.indirect.gather [hbm4b:s4+s17], $0x80, s22, s17, $0xb8;
	[tilespmem:$0x1C880] =	vst v63  }
0x50: {  	_ =	swait.ge [sflag:s19], $0x4000  }
0x51: {  	[sflag:s19] =	ssyncset.done $0x0  }
0x52: {  	s15 =	simm.s32 $0x900;
	[sflag:s19] =	ssyncadd.s32 $0xFFFFC000  }
0x53: {  	[spmem:s2] =	stream.indirect.scatter.add.f32 [tilespmem:s18], [sflag:$0x5], $0x80, s15, s17, $0xb8;
	[tilespmem:$0x1C880] =	vst v63  }
0x54: {  	_ =	swait.ge [sflag:s29], $0x4000  }
0x55: {  	[sflag:s29] =	ssyncset.done $0x0  }
0x56: {  	s22 =	simm.s32 $0x180;
	[sflag:s29] =	ssyncadd.s32 $0xFFFFC000  }
0x57: {  	[tilespmem:s20], [sflag:$0x4] =	stream.indirect.gather [hbm4b:s4+s17], $0x80, s22, s17, $0xb8;
	[tilespmem:$0x1C880] =	vst v63  }
0x58: {  	_ =	swait.ge [sflag:s21], $0x4000  }
0x59: {  	[sflag:s21] =	ssyncset.done $0x0  }
0x5a: {  	s15 =	simm.s32 $0x980;
	[sflag:s21] =	ssyncadd.s32 $0xFFFFC000  }
0x5b: {  	[spmem:s2] =	stream.indirect.scatter.add.f32 [tilespmem:s20], [sflag:$0x6], $0x80, s15, s17, $0xb8;
	[tilespmem:$0x1C880] =	vst v63  }
0x5c: {  	_ =	swait.ge [sflag:s23], $0x4000  }
0x5d: {  	[sflag:s23] =	ssyncset.done $0x0  }
0x5e: {  	s22 =	simm.s32 $0x200;
	[sflag:s23] =	ssyncadd.s32 $0xFFFFC000  }
0x5f: {  	[tilespmem:s18], [sflag:$0x3] =	stream.indirect.gather [hbm4b:s4+s17], $0x80, s22, s17, $0xb8;
	[tilespmem:$0x1C880] =	vst v63  }
0x60: {  	_ =	swait.ge [sflag:s19], $0x4000  }
0x61: {  	[sflag:s19] =	ssyncset.done $0x0  }
0x62: {  	s15 =	simm.s32 $0xA00;
	[sflag:s19] =	ssyncadd.s32 $0xFFFFC000  }
0x63: {  	[spmem:s2] =	stream.indirect.scatter.add.f32 [tilespmem:s18], [sflag:$0x5], $0x80, s15, s17, $0xb8;
	[tilespmem:$0x1C880] =	vst v63  }
0x64: {  	_ =	swait.ge [sflag:s29], $0x4000  }
0x65: {  	[sflag:s29] =	ssyncset.done $0x0  }
0x66: {  	s22 =	simm.s32 $0x280;
	[sflag:s29] =	ssyncadd.s32 $0xFFFFC000  }
0x67: {  	[tilespmem:s20], [sflag:$0x4] =	stream.indirect.gather [hbm4b:s4+s17], $0x80, s22, s17, $0xb8;
	[tilespmem:$0x1C880] =	vst v63  }
0x68: {  	_ =	swait.ge [sflag:s21], $0x4000  }
0x69: {  	[sflag:s21] =	ssyncset.done $0x0  }
0x6a: {  	s15 =	simm.s32 $0xA80;
	[sflag:s21] =	ssyncadd.s32 $0xFFFFC000  }
0x6b: {  	[spmem:s2] =	stream.indirect.scatter.add.f32 [tilespmem:s20], [sflag:$0x6], $0x80, s15, s17, $0xb8;
	[tilespmem:$0x1C880] =	vst v63  }
0x6c: {  	_ =	swait.ge [sflag:s23], $0x4000  }
0x6d: {  	[sflag:s23] =	ssyncset.done $0x0  }
0x6e: {  	s22 =	simm.s32 $0x300;
	[sflag:s23] =	ssyncadd.s32 $0xFFFFC000  }
0x6f: {  	[tilespmem:s18], [sflag:$0x3] =	stream.indirect.gather [hbm4b:s4+s17], $0x80, s22, s17, $0xb8;
	[tilespmem:$0x1C880] =	vst v63  }
0x70: {  	_ =	swait.ge [sflag:s19], $0x4000  }
0x71: {  	[sflag:s19] =	ssyncset.done $0x0  }
0x72: {  	s15 =	simm.s32 $0xB00;
	[sflag:s19] =	ssyncadd.s32 $0xFFFFC000  }
0x73: {  	[spmem:s2] =	stream.indirect.scatter.add.f32 [tilespmem:s18], [sflag:$0x5], $0x80, s15, s17, $0xb8;
	[tilespmem:$0x1C880] =	vst v63  }
0x74: {  	_ =	swait.ge [sflag:s29], $0x4000  }
0x75: {  	[sflag:s29] =	ssyncset.done $0x0  }
0x76: {  	s22 =	simm.s32 $0x380;
	[sflag:s29] =	ssyncadd.s32 $0xFFFFC000  }
0x77: {  	[tilespmem:s20], [sflag:$0x4] =	stream.indirect.gather [hbm4b:s4+s17], $0x80, s22, s17, $0xb8;
	[tilespmem:$0x1C880] =	vst v63  }
0x78: {  	_ =	swait.ge [sflag:s21], $0x4000  }
0x79: {  	[sflag:s21] =	ssyncset.done $0x0  }
0x7a: {  	s15 =	simm.s32 $0xB80;
	[sflag:s21] =	ssyncadd.s32 $0xFFFFC000  }
0x7b: {  	[spmem:s2] =	stream.indirect.scatter.add.f32 [tilespmem:s20], [sflag:$0x6], $0x80, s15, s17, $0xb8;
	[tilespmem:$0x1C880] =	vst v63  }
0x7c: {  	_ =	swait.ge [sflag:s13], $0x400  }
0x7d: {  	[sflag:s13] =	ssyncset.done $0x0  }
0x7e: {  	[sflag:s13] =	ssyncadd.s32 $0xFFFFFC00  }
0x7f: {  	_ =	swait.ge [sflag:s13], $0x400  }
0x80: {  	[sflag:s13] =	ssyncset.done $0x0  }
0x81: {  	[sflag:s13] =	ssyncadd.s32 $0xFFFFFC00  }
0x82: {  	_ =	swait.ge [sflag:s23], $0x4000  }
0x83: {  	[sflag:s23] =	ssyncset.done $0x0  }
0x84: {  	[sflag:s23] =	ssyncadd.s32 $0xFFFFC000  }
0x85: {  	[tilespmem:s18], [sflag:$0x3] =	stream.indirect.gather [hbm4b:s4+s17], $0x80, s24, s17, $0xb8;
	[tilespmem:$0x1C880] =	vst v63  }
0x86: {  	_ =	swait.ge [sflag:s19], $0x4000  }
0x87: {  	[sflag:s19] =	ssyncset.done $0x0  }
0x88: {  	[sflag:s19] =	ssyncadd.s32 $0xFFFFC000  }
0x89: {  	[spmem:s2] =	stream.indirect.scatter.add.f32 [tilespmem:s18], [sflag:$0x5], $0x80, s25, s17, $0xb8;
	[tilespmem:$0x1C880] =	vst v63  }
0x8a: {  	_ =	swait.ge [sflag:s29], $0x4000  }
0x8b: {  	[sflag:s29] =	ssyncset.done $0x0  }
0x8c: {  	s22 =	simm.s32 $0x480;
	[sflag:s29] =	ssyncadd.s32 $0xFFFFC000  }
0x8d: {  	[tilespmem:s20], [sflag:$0x4] =	stream.indirect.gather [hbm4b:s4+s17], $0x80, s22, s17, $0xb8;
	[tilespmem:$0x1C880] =	vst v63  }
0x8e: {  	_ =	swait.ge [sflag:s21], $0x4000  }
0x8f: {  	[sflag:s21] =	ssyncset.done $0x0  }
0x90: {  	s15 =	simm.s32 $0xC80;
	[sflag:s21] =	ssyncadd.s32 $0xFFFFC000  }
0x91: {  	[spmem:s2] =	stream.indirect.scatter.add.f32 [tilespmem:s20], [sflag:$0x6], $0x80, s15, s17, $0xb8;
	[tilespmem:$0x1C880] =	vst v63  }
0x92: {  	p0 =	seq.s32 s6, $0x8000;
	_ =	swait.ge [sflag:s23], $0x4000  }
0x93: {  	s14 =	sadd.s32 @!p0 s6, s11;
	[sflag:s23] =	ssyncset.done $0x0  }
0x94: {  	s14 =	sadd.s32 @!p0 $0x2000, s14;
	s22 =	simm.s32 @!p0 $0x0;
	[sflag:s23] =	ssyncadd.s32 $0xFFFFC000  }
0x95: {  	[tilespmem:s22], [sflag:$0x1] =	stream.linear.gather @!p0 [hbm4b:s14+s22], $0x400, $0x38;
	[tilespmem:$0x1C880] =	vst v63  }
0x96: {  	s14 =	sadd.s32 @!p0 s6, s12  }
0x97: {  	s15 =	simm.s32 @!p0 $0x800;
	s14 =	sadd.s32 @!p0 $0x2000, s14  }
0x98: {  	[tilespmem:s15], [sflag:$0x1] =	stream.linear.gather @!p0 [hbm4b:s14+s22], $0x400, $0x38;
	[tilespmem:$0x1C880] =	vst v63  }
0x99: {  	s22 =	simm.s32 $0x500  }
0x9a: {  	[tilespmem:s18], [sflag:$0x3] =	stream.indirect.gather [hbm4b:s4+s17], $0x80, s22, s17, $0xb8;
	[tilespmem:$0x1C880] =	vst v63  }
0x9b: {  	_ =	swait.ge [sflag:s19], $0x4000  }
0x9c: {  	[sflag:s19] =	ssyncset.done $0x0  }
0x9d: {  	[sflag:s19] =	ssyncadd.s32 $0xFFFFC000  }
0x9e: {  	[spmem:s2] =	stream.indirect.scatter.add.f32 [tilespmem:s18], [sflag:$0x5], $0x80, s26, s17, $0xb8;
	[tilespmem:$0x1C880] =	vst v63  }
0x9f: {  	_ =	swait.ge [sflag:s29], $0x4000  }
0xa0: {  	[sflag:s29] =	ssyncset.done $0x0  }
0xa1: {  	[sflag:s29] =	ssyncadd.s32 $0xFFFFC000  }
0xa2: {  	[tilespmem:s20], [sflag:$0x4] =	stream.indirect.gather [hbm4b:s4+s17], $0x80, s28, s17, $0xb8;
	[tilespmem:$0x1C880] =	vst v63  }
0xa3: {  	_ =	swait.ge [sflag:s21], $0x4000  }
0xa4: {  	[sflag:s21] =	ssyncset.done $0x0  }
0xa5: {  	[sflag:s21] =	ssyncadd.s32 $0xFFFFC000  }
0xa6: {  	[spmem:s2] =	stream.indirect.scatter.add.f32 [tilespmem:s20], [sflag:$0x6], $0x80, s30, s17, $0xb8;
	[tilespmem:$0x1C880] =	vst v63  }
0xa7: {  	_ =	swait.ge [sflag:s23], $0x4000  }
0xa8: {  	[sflag:s23] =	ssyncset.done $0x0  }
0xa9: {  	[sflag:s23] =	ssyncadd.s32 $0xFFFFC000  }
0xaa: {  	[tilespmem:s18], [sflag:$0x3] =	stream.indirect.gather [hbm4b:s4+s17], $0x80, s31, s17, $0xb8;
	[tilespmem:$0x1C880] =	vst v63  }
0xab: {  	_ =	swait.ge [sflag:s19], $0x4000  }
0xac: {  	[sflag:s19] =	ssyncset.done $0x0  }
0xad: {  	[sflag:s19] =	ssyncadd.s32 $0xFFFFC000  }
0xae: {  	[spmem:s2] =	stream.indirect.scatter.add.f32 [tilespmem:s18], [sflag:$0x5], $0x80, s0, s17, $0xb8;
	[tilespmem:$0x1C880] =	vst v63  }
0xaf: {  	_ =	swait.ge [sflag:s29], $0x4000  }
0xb0: {  	[sflag:s29] =	ssyncset.done $0x0  }
0xb1: {  	[sflag:s29] =	ssyncadd.s32 $0xFFFFC000  }
0xb2: {  	[tilespmem:s20], [sflag:$0x4] =	stream.indirect.gather [hbm4b:s4+s17], $0x80, s1, s17, $0xb8;
	[tilespmem:$0x1C880] =	vst v63  }
0xb3: {  	_ =	swait.ge [sflag:s21], $0x4000  }
0xb4: {  	[sflag:s21] =	ssyncset.done $0x0  }
0xb5: {  	[sflag:s21] =	ssyncadd.s32 $0xFFFFC000  }
0xb6: {  	[spmem:s2] =	stream.indirect.scatter.add.f32 [tilespmem:s20], [sflag:$0x6], $0x80, s5, s17, $0xb8;
	[tilespmem:$0x1C880] =	vst v63  }
0xb7: {  	_ =	swait.ge [sflag:s23], $0x4000  }
0xb8: {  	[sflag:s23] =	ssyncset.done $0x0  }
0xb9: {  	[sflag:s23] =	ssyncadd.s32 $0xFFFFC000  }
0xba: {  	[tilespmem:s18], [sflag:$0x3] =	stream.indirect.gather [hbm4b:s4+s17], $0x80, s7, s17, $0xb8;
	[tilespmem:$0x1C880] =	vst v63  }
0xbb: {  	_ =	swait.ge [sflag:s19], $0x4000  }
0xbc: {  	[sflag:s19] =	ssyncset.done $0x0  }
0xbd: {  	[sflag:s19] =	ssyncadd.s32 $0xFFFFC000  }
0xbe: {  	[spmem:s2] =	stream.indirect.scatter.add.f32 [tilespmem:s18], [sflag:$0x5], $0x80, s8, s17, $0xb8;
	[tilespmem:$0x1C880] =	vst v63  }
0xbf: {  	_ =	swait.ge [sflag:s29], $0x4000  }
0xc0: {  	[sflag:s29] =	ssyncset.done $0x0  }
0xc1: {  	[sflag:s29] =	ssyncadd.s32 $0xFFFFC000  }
0xc2: {  	[tilespmem:s20], [sflag:$0x4] =	stream.indirect.gather [hbm4b:s4+s17], $0x80, s9, s17, $0xb8;
	[tilespmem:$0x1C880] =	vst v63  }
0xc3: {  	_ =	swait.ge [sflag:s21], $0x4000  }
0xc4: {  	[sflag:s21] =	ssyncset.done $0x0  }
.Ltmp2:
0xc5: {  	[sflag:s21] =	ssyncadd.s32 $0xFFFFC000;
	(pc) =	sbr.rel @p0 .LBB2_4-.Ltmp2, $4  }
0xc6: {  	[spmem:s2] =	stream.indirect.scatter.add.f32 [tilespmem:s20], [sflag:$0x6], $0x80, s10, s17, $0xb8;
	[tilespmem:$0x1C880] =	vst v63  }
0xc7: {  	_ =	swait.ge [sflag:s23], $0x4000  }
0xc8: {  	[sflag:s23] =	ssyncset.done $0x0  }
0xc9: {  	[sflag:s23] =	ssyncadd.s32 $0xFFFFC000  }
0xca: {  	_ =	swait.ge [sflag:s16], $0x400  }
0xcb: {  	[sflag:s16] =	ssyncset.done $0x0  }
.Ltmp3:
0xcc: {  	[sflag:s16] =	ssyncadd.s32 $0xFFFFFC00;
	(pc) =	sbr.rel .LBB2_2-.Ltmp3, $4  }
0xcd: {  	_ =	swait.ge [sflag:s16], $0x400  }
0xce: {  	[sflag:s16] =	ssyncset.done $0x0  }
0xcf: {  	s6 =	sadd.s32 $0x2000, s6;
	[sflag:s16] =	ssyncadd.s32 $0xFFFFFC00  }
0xd0: {  	[tilespmem:s18], [sflag:$0x3] =	stream.indirect.gather [hbm4b:s4+s17], $0x80, s3, s17, $0xb8;
	[tilespmem:$0x1C880] =	vst v63  }
.LBB2_5:
0xd1: {  	_ =	sfence.sel $0x180000  }
0xd2: {  	[bflag:$0x0] =	sbarrier.arrive $0xFFFF  }
0xd3: {  	_ =	strace $0x9000004A  }
0xd4: {  	s0 =	stileid.u32;
	[bflag:$0x2] =	sbarrier.arrive $0xFFFF  }
0xd5: {  	p0 =	sne.s32 s0, $0x0;
	s0 =	rddreg [dreg:$0x3]  }
0xd6: {  	s0 =	sadd.s32 @!p0 $0x100000, s0  }
0xd7: {  	[sflag:s0] =	ssyncadd.tile.s32 @!p0 $0x1;
	_ =	shalt  }
.Lfunc_end2:
_tile_overlayer_lowered:
.L_overlay_start_2:
0xd8: {  	(tag) =	ssettag $0x2  }
0xd9: {  	s0 =	rddreg [dreg:$0x0];
	s2 =	stileid.u32  }
0xda: {  	s1 =	rddreg [dreg:$0x1];
	p0 =	sne.s32 s2, $0x0  }
0xdb: {  	s3 =	rddreg [dreg:$0x2];
	[bflag:$0x3] =	sbarrier.arrive $0xFFFF;
	s2 =	simm.s32 @!p0 $0x1C07  }
0xdc: {  	[timem:s3], [sflag:s2] =	dma.local @!p0 [hbm:s0], s1  }
0xdd: {  	s0 =	simm.s32 @!p0 $0x7  }
0xde: {  	_ =	swait.ge @!p0 [sflag:s0], s1  }
0xdf: {  	s1 =	ssub.s32 @!p0 $0x0, s1;
	[sflag:s0] =	ssyncset.done @!p0 $0x0  }
0xe0: {  	[sflag:s0] =	ssyncadd.s32 @!p0 s1  }
0xe1: {  	[bflag:$0x3] =	sbarrier.arrive $0xFFFF  }
0xe2: {  	_ =	shalt  }

// kernel: kernel.7.cloned.1.call-start
scs
__scs_entry_jumppad:
0x0: {  	(pc) =	sbr.rel $0x88, $3  }
0x1: {  	(tag) =	ssettag $0x0;
	lr =	simm.s32 $0x1  }
0x2: {  	[smem:$0x3F99] =	sst lr;
	_ =	strace $0xD0000000  }
0x3: {  	_ = 	snop  }
0x4: {  	_ = 	snop  }
0x5: {  	_ = 	snop  }
0x6: {  	_ = 	snop  }
0x7: {  	_ = 	snop  }
__scs_overlays_trampoline_lowered:
0x8: {  	[smem:$0x3FA8] =	sst s0  }
0x9: {  	[smem:$0x3FA9] =	sst s1  }
0xa: {  	[smem:$0x3FAA] =	sst s2  }
0xb: {  	[smem:$0x3FAB] =	sst s3  }
0xc: {  	[smem:$0x3FAC] =	sst s4  }
0xd: {  	[smem:$0x3FAD] =	sst s5  }
0xe: {  	[smem:$0x3FAE] =	sst s6  }
0xf: {  	[smem:$0x3FAF] =	sst s7  }
0x10: {  	[smem:$0x3FB0] =	sst s8  }
0x11: {  	[smem:$0x3FB1] =	sst s9;
	s0 =	simm.s32 @!p0 $0x0  }
0x12: {  	s1 =	sld [smem:$0x3F97];
	s0 =	simm.s32 @p0 $0x1  }
0x13: {  	[smem:$0x3FB2] =	sst s0;
	s0 =	simm.s32 @!p1 $0x0  }
0x14: {  	s2 =	sld [smem:$0x3F96];
	s0 =	simm.s32 @p1 $0x1  }
0x15: {  	[smem:$0x3FB3] =	sst s0;
	s0 =	simm.s32 @!p2 $0x0  }
0x16: {  	s3 =	sld [smem:$0x3FDB];
	s0 =	simm.s32 @p2 $0x1  }
0x17: {  	s4 =	simm.s32 $0x1BF5;
	[smem:$0x3FB5] =	sst s0  }
0x18: {  	s0 =	sld [smem:$0x3F98];
	_ =	swait.ge [sflag:s4], $0x0  }
0x19: {  	s7 =	sld [smem:$0x3F99]  }
0x1a: {  	s8 =	sadd.s32 $0xFFFFE003, lr  }
0x1b: {  	s9 =	sadd.s32 $0xFFFFFEF7, lr;
	s5 =	simm.s32 $0xFFFFFFFF;
	p2 =	slt.u32 s8, $0xFFFFF086  }
0x1c: {  	p1 =	slt.u32 s9, $0xF7A;
	s5 =	simm.s32 @!p2 $0x0  }
0x1d: {  	s5 =	simm.s32 @p1 $0x1;
	p0 =	seq.s32 s7, s2  }
0x1e: {  	s7 =	smul.u32 @!p0 $0xF7A, s2;
	p2 =	seq.s32 @!p0 s5, $0x0  }
0x1f: {  	s9 =	smul.u32 $0xF7A, s1;
	s8 =	simm.s32 @!p0 $0x1BF5;
	p2 =	por !p2, p0  }
0x20: {  	[sflag:s8] =	ssyncset.s32 @!p0 $0xFFFFF086;
	s6 =	sadd.s32 @!p0 s3, s7;
	s7 =	simm.s32 @!p0 $0x108  }
0x21: {  	s3 =	sadd.s32 s3, s9;
	s6 =	sadd.s32 @!p0 $0x88, s6;
	s7 =	simm.s32 @p2 $0x1082  }
0x22: {  	[simem:s7], [sflag:s8] =	dma.local @!p0 [hbm:s6], $0xF7A  }
0x23: {  	s9 =	sor.u32 $0xD0000000, s2;
	s6 =	simm.s32 $0x108;
	_ =	swait.ge @!p0 [sflag:s8], $0x0  }
0x24: {  	s3 =	sadd.s32 $0x88, s3;
	s6 =	simm.s32 @!p1 $0x1082;
	[sflag:s4] =	ssyncset.s32 $0xFFFFF086  }
0x25: {  	[simem:s6], [sflag:s4] =	dma.local [hbm:s3], $0xF7A  }
0x26: {  	[smem:$0x3F99] =	sst s1;
	(tag) =	ssettag s2;
	_ =	strace s9  }
0x27: {  	s1 =	sld [smem:$0x3FA9]  }
0x28: {  	s2 =	sld [smem:$0x3FAA]  }
0x29: {  	s4 =	sld [smem:$0x3FAC]  }
0x2a: {  	p0 =	seq.s32 s5, $0x0;
	s5 =	sld [smem:$0x3FAD]  }
0x2b: {  	s6 =	sld [smem:$0x3FAE]  }
0x2c: {  	s7 =	sld [smem:$0x3FAF]  }
0x2d: {  	s3 =	simm.s32 $0x108;
	s8 =	sld [smem:$0x3FB0]  }
0x2e: {  	s3 =	simm.s32 @!p0 $0x1082;
	s9 =	sld [smem:$0x3FB1]  }
0x2f: {  	lr =	sadd.s32 s0, s3;
	s0 =	sld [smem:$0x3FA8]  }
0x30: {  	s3 =	sld [smem:$0x3FAB]  }
0x31: {  	[smem:$0x3FB4] =	sst s10  }
0x32: {  	s10 =	sld [smem:$0x3FB2];
	_ =	sdelay $0x3  }
0x33: {  	p0 =	seq.s32 s10, $0x1;
	s10 =	sld [smem:$0x3FB4];
	_ =	sdelay $0x3  }
0x34: {  	[smem:$0x3FB4] =	sst s10  }
0x35: {  	s10 =	sld [smem:$0x3FB3];
	_ =	sdelay $0x3  }
0x36: {  	p1 =	seq.s32 s10, $0x1;
	s10 =	sld [smem:$0x3FB4];
	_ =	sdelay $0x3  }
0x37: {  	[smem:$0x3FB4] =	sst s10  }
0x38: {  	s10 =	sld [smem:$0x3FB5]  }
0x39: {  	_ = 	snop;
	(pc) =	sbr.ind lr, $3  }
0x3a: {  	_ = 	snop  }
0x3b: {  	_ = 	snop  }
0x3c: {  	p2 =	seq.s32 s10, $0x1;
	s10 =	sld [smem:$0x3FB4]  }
0x3d: {  	_ =	shalt  }
0x3e: {  	_ =	shalt  }
0x3f: {  	_ =	shalt  }
0x40: {  	_ =	shalt  }
0x41: {  	_ =	shalt  }
0x42: {  	_ =	shalt  }
0x43: {  	_ =	shalt  }
0x44: {  	_ =	shalt  }
0x45: {  	_ =	shalt  }
0x46: {  	_ =	shalt  }
0x47: {  	_ =	shalt  }
0x48: {  	_ =	shalt  }
0x49: {  	_ =	shalt  }
0x4a: {  	_ =	shalt  }
0x4b: {  	_ =	shalt  }
0x4c: {  	_ =	shalt  }
0x4d: {  	_ =	shalt  }
0x4e: {  	_ =	shalt  }
0x4f: {  	_ =	shalt  }
0x50: {  	_ =	shalt  }
0x51: {  	_ =	shalt  }
0x52: {  	_ =	shalt  }
0x53: {  	_ =	shalt  }
0x54: {  	_ =	shalt  }
0x55: {  	_ =	shalt  }
0x56: {  	_ =	shalt  }
0x57: {  	_ =	shalt  }
0x58: {  	_ =	shalt  }
0x59: {  	_ =	shalt  }
0x5a: {  	_ =	shalt  }
0x5b: {  	_ =	shalt  }
0x5c: {  	_ =	shalt  }
0x5d: {  	_ =	shalt  }
0x5e: {  	_ =	shalt  }
0x5f: {  	_ =	shalt  }
0x60: {  	_ =	shalt  }
0x61: {  	_ =	shalt  }
0x62: {  	_ =	shalt  }
0x63: {  	_ =	shalt  }
0x64: {  	_ =	shalt  }
0x65: {  	_ =	shalt  }
0x66: {  	_ =	shalt  }
0x67: {  	_ =	shalt  }
0x68: {  	_ =	shalt  }
0x69: {  	_ =	shalt  }
0x6a: {  	_ =	shalt  }
0x6b: {  	_ =	shalt  }
0x6c: {  	_ =	shalt  }
0x6d: {  	_ =	shalt  }
0x6e: {  	_ =	shalt  }
0x6f: {  	_ =	shalt  }
0x70: {  	_ =	shalt  }
0x71: {  	_ =	shalt  }
0x72: {  	_ =	shalt  }
0x73: {  	_ =	shalt  }
0x74: {  	_ =	shalt  }
0x75: {  	_ =	shalt  }
0x76: {  	_ =	shalt  }
0x77: {  	_ =	shalt  }
0x78: {  	_ =	shalt  }
0x79: {  	_ =	shalt  }
0x7a: {  	_ =	shalt  }
0x7b: {  	_ =	shalt  }
0x7c: {  	_ =	shalt  }
0x7d: {  	_ =	shalt  }
0x7e: {  	_ =	shalt  }
0x7f: {  	_ =	shalt  }
0x80: {  	_ =	shalt  }
0x81: {  	_ =	shalt  }
0x82: {  	_ =	shalt  }
0x83: {  	_ =	shalt  }
0x84: {  	_ =	shalt  }
0x85: {  	_ =	shalt  }
0x86: {  	_ =	shalt  }
0x87: {  	_ =	shalt  }
.Lfunc_end0:
.L_simem_size_0:
called_computation_lowered:
.L_overlay_start_0:
0x88: {  	s2 =	sld [smem:$0x3FD9]  }
0x89: {  	s3 =	sld [smem:$0x3FFE];
	_ =	sdelay $0x1  }
0x8a: {  	s1 =	srdreg.scid  }
0x8b: {  	s0 =	sand.u32 $0x1, s1  }
0x8c: {  	s17 =	sshll.u32 s0, $0xA;
	s2 =	sadd.s32 s3, s2  }
0x8d: {  	s2 =	sadd.s32 s2, s17  }
0x8e: {  	[smem:$0x3FC0] =	sst s2  }
0x8f: {  	_ = 	snop  }
0x90: {  	s2 =	sld [smem:$0x3FC9]  }
0x91: {  	s18 =	sld [smem:$0x3FD0];
	(tm) =	ssettm $0x1  }
0x92: {  	s4 =	sld [smem:$0x3FFB];
	_ =	sdelay $0x3  }
0x93: {  	_ =	strace s4  }
0x94: {  	s4 =	sld [smem:$0x3FFC];
	_ =	sdelay $0x3  }
0x95: {  	_ =	strace s4  }
0x96: {  	s4 =	sld [smem:$0x3FFD];
	_ =	sdelay $0x3  }
0x97: {  	_ =	strace s4  }
0x98: {  	_ =	strace $0x8FFFFFFF  }
0x99: {  	s19 =	sld [smem:$0x3FDB];
	_ =	sdelay $0x1  }
0x9a: {  	s5 =	simm.s32 $_scs_section_size  }
0x9b: {  	s6 =	simm.s32 $_size__tile_overlayer_lowered;
	s7 =	simm.s32 $_tile_overlayer_lowered  }
0x9c: {  	s22 =	simm.s32 $0x1BFF;
	s21 =	sshll.u32 s7, $0x1;
	s4 =	sadd.s32 s5, s19  }
0x9d: {  	s8 =	simm.s32 $0x0;
	s20 =	sshll.u32 s6, $0x1;
	s6 =	sadd.s32 s21, s4  }
0x9e: {  	[timem:s8], [sflag:s22] =	dma.local [hbm:s6], s20  }
0x9f: {  	_ =	swait.ge [sflag:s22], s20  }
0xa0: {  	s5 =	ssub.s32 $0x0, s20;
	[sflag:s22] =	ssyncset.done $0x0  }
0xa1: {  	[sflag:s22] =	ssyncadd.s32 s5;
	_ =	sdelay $0x1  }
0xa2: {  	s23 =	simm.s32 $0x1B8B  }
0xa3: {  	_ =	swait.ge [sflag:s23], $0x1  }
0xa4: {  	[sflag:s23] =	ssyncset.done $0x0  }
0xa5: {  	s25 =	simm.s32 $0x1B8E;
	s24 =	sld [smem:$0x3FFE];
	[sflag:s23] =	ssyncadd.s32 $0xFFFFFFFF  }
0xa6: {  	s26 =	simm.s32 $execute0_lowered;
	[smem:$0x3FD2] =	sst s25  }
0xa7: {  	s6 =	sshll.u32 s26, $0x1;
	_ =	strace $0x80000046;
	[dreg:$0x1] =	wrdreg $0xFFFFFFFF  }
0xa8: {  	s28 =	simm.s32 $_size_execute0_lowered;
	s4 =	sadd.s32 s4, s6;
	[dreg:$0x0] =	wrdreg $0x0  }
0xa9: {  	s6 =	sshll.u32 s28, $0x1;
	[dreg:$0x2] =	wrdreg s4  }
0xaa: {  	[dreg:$0x3] =	wrdreg s6  }
0xab: {  	[dreg:$0x4] =	wrdreg $0xC0  }
0xac: {  	_ =	task [dreg:s8], $0x5FFFF  }
0xad: {  	[dreg:$0x1] =	wrdreg $0xFFFFFFFF  }
0xae: {  	[dreg:$0x0] =	wrdreg $0x60  }
0xaf: {  	[dreg:$0x2] =	wrdreg s2  }
0xb0: {  	[dreg:$0x3] =	wrdreg s24  }
0xb1: {  	[dreg:$0x4] =	wrdreg s18  }
0xb2: {  	[dreg:$0x5] =	wrdreg $0x90000  }
0xb3: {  	[dreg:$0x6] =	wrdreg $0x1D0800  }
0xb4: {  	[dreg:$0x7] =	wrdreg $0x9  }
0xb5: {  	_ =	task.clear_ibuf [dreg:s8], $0x8FFFF;
	_ =	strace $0x90000046  }
0xb6: {  	s29 =	simm.s32 $0x9;
	_ =	strace $0x80000048  }
0xb7: {  	_ =	swait.ge [sflag:s29], $0x1  }
0xb8: {  	[sflag:s29] =	ssyncadd.s32 $0xFFFFFFFF  }
0xb9: {  	_ =	strace $0x90000048  }
0xba: {  	_ =	sfence  }
0xbb: {  	s30 =	sld [smem:$0x0];
	_ =	sdelay $0x2  }
0xbc: {  	s31 =	sshll.u32 s1, $0xD;
	s1 =	sshrl.u32 s1, $0x2  }
0xbd: {  	s3 =	sand.u32 $0x4000, s31;
	s1 =	sadd.s32 s1, s30  }
0xbe: {  	s0 =	sor.u32 s3, s0;
	s1 =	sshll.u32 s1, $0x11  }
0xbf: {  	s0 =	sor.u32 s1, s0  }
0xc0: {  	s0 =	sadd.s32 $0x8F2B, s0  }
0xc1: {  	[sflag:s0] =	ssyncadd.remote.s32 $0x1  }
0xc2: {  	_ =	sfence.sel $0xFFFF  }
0xc3: {  	[dreg:$0x0] =	wrdreg $0xFFFFFFFF;
	(pc) =	sbr.abs _section_cstart, $3  }
0xc4: {  	[dreg:$0x1] =	wrdreg $0xFFFFFFFF  }
0xc5: {  	_ =	task.clear_ibuf [dreg:s8], $0x2FFFF;
	_ =	strace $0x9FFFFFFF  }
0xc6: {  	(tm) =	ssettm $0x7FFFFFFF  }
0xc7: {  	_ =	shalt  }
tec
execute0_lowered:
.L_overlay_start_1:
0x0: {  	(tag) =	ssettag $0x1  }
0x1: {  	s1 =	rddreg [dreg:$0x0]  }
0x2: {  	s0 =	rddreg [dreg:$0x1]  }
0x3: {  	s2 =	rddreg [dreg:$0x2]  }
0x4: {  	s3 =	rddreg [dreg:$0x3]  }
0x5: {  	s4 =	rddreg [dreg:$0x4];
	s16 =	stileid.u32  }
0x6: {  	s5 =	simm.s32 $0x0;
	s7 =	srdreg.scid;
	s28 =	simm.s32 $0x4  }
0x7: {  	s30 =	simm.s32 $0x5;
	s31 =	simm.s32 $0x7;
	s29 =	simm.s32 $0xE80  }
0x8: {  	s6 =	smul.u32 $0x2710, s16;
	[smem:$0x7FF] =	sst s5;
	s7 =	sand.u32 $0x1, s7  }
0x9: {  	s8 =	smul.u32 $0x271, s16;
	s10 =	sadd.s32 $0xDA00, s0;
	s11 =	sadd.s32 $0x3A00, s0  }
0xa: {  	s13 =	sadd.s32 $0x1CA00, s0;
	s14 =	smul.u32 $0x13880, s16;
	s19 =	sshll.u32 s16, $0x6  }
0xb: {  	s20 =	sshll.u32 s16, $0x8;
	_ =	strace $0x80000047;
	s9 =	smul.u32 $0x2710, s7  }
0xc: {  	[dreg:$0x6] =	wrdreg s13;
	s26 =	ssub.s32 $0x2, s7;
	s7 =	sshll.u32 s7, $0x7  }
0xd: {  	s25 =	sadd.s32 s20, s10;
	s13 =	simm.s32 $0x2;
	s12 =	sshrl.u32 s6, $0x3  }
0xe: {  	s15 =	sshrl.u32 s26, $0x1;
	s18 =	sshrl.u32 s14, $0x3;
	s14 =	sadd.s32 s14, s3  }
0xf: {  	s6 =	sadd.s32 s6, s4;
	s22 =	sor.u32 s7, s20;
	s16 =	sadd.s32 s7, s25  }
0x10: {  	s25 =	simm.s32 $0x3;
	s12 =	sadd.s32 s12, s0;
	s8 =	sadd.s32 s8, s9  }
0x11: {  	s17 =	ssub.s32 s26, s15;
	s2 =	sadd.s32 s2, s18;
	s18 =	sor.u32 $0x1C09, s19  }
0x12: {  	[dreg:$0x9] =	wrdreg s6;
	s23 =	sadd.s32 s10, s22;
	s6 =	sadd.s32 s11, s22  }
0x13: {  	s14 =	sshrl.u32 s14, $0x3;
	s19 =	simm.s32 $0x9;
	s22 =	simm.s32 $0x1  }
0x14: {  	s10 =	simm.s32 $0x8;
	s15 =	simm.s32 $0xD00;
	[dreg:$0x7] =	wrdreg s2  }
0x15: {  	s9 =	sshll.u32 s8, $0x4;
	s8 =	sshll.u32 s8, $0x1;
	[dreg:$0xb] =	wrdreg s23  }
0x16: {  	s21 =	sadd.s32 $0x17A00, s12;
	[dreg:$0xc] =	wrdreg s6;
	s2 =	sadd.s32 s20, s11  }
0x17: {  	s26 =	smax.u32 s17, $0x1;
	s20 =	simm.s32 $0x1C880;
	[dreg:$0x8] =	wrdreg s18  }
0x18: {  	s11 =	simm.s32 $0x800;
	s23 =	simm.s32 $0x80;
	[dreg:$0x10] =	wrdreg s14  }
0x19: {  	s6 =	simm.s32 $0xD80;
	s12 =	simm.s32 $0x0;
	[dreg:$0xa] =	wrdreg s21  }
0x1a: {  	s9 =	sadd.s32 s9, s0;
	s0 =	sadd.s32 s8, s0;
	[dreg:$0xf] =	wrdreg s26  }
.Ltmp0:
0x1b: {  	s17 =	sadd.s32 s7, s2;
	s26 =	simm.s32 $0x5000;
	(pc) =	sbr.rel .LBB2_1-.Ltmp0, $4  }
0x1c: {  	s2 =	simm.s32 $0xC00;
	s8 =	simm.s32 $0xC80;
	s21 =	simm.s32 $0xE00  }
0x1d: {  	s7 =	simm.s32 $0xF80;
	[dreg:$0x11] =	wrdreg s12;
	s24 =	sadd.s32 $0x26A00, s9  }
0x1e: {  	s0 =	sadd.s32 $0x1CC00, s0;
	s9 =	simm.s32 $0x6;
	[dreg:$0xd] =	wrdreg s24  }
0x1f: {  	[dreg:$0xe] =	wrdreg s0;
	s24 =	simm.s32 $0x1000;
	s0 =	simm.s32 $0xF00  }
.LBB2_4:
0x20: {  	_ =	swait.ge [sflag:s9], $0x4000  }
0x21: {  	[sflag:s9] =	ssyncset.done $0x0  }
0x22: {  	[sflag:s9] =	ssyncadd.s32 $0xFFFFC000  }
0x23: {  	_ =	swait.ge [sflag:s10], $0x800  }
0x24: {  	[sflag:s10] =	ssyncset.done $0x0  }
0x25: {  	[sflag:s10] =	ssyncadd.s32 $0xFFFFF800  }
0x26: {  	[bflag:$0x0] =	sbarrier.arrive $0xFFFF  }
0x27: {  	s18 =	rddreg [dreg:$0x8]  }
0x28: {  	s12 =	rddreg [dreg:$0xd]  }
0x29: {  	s19 =	simm.s32 $0x9;
	s14 =	rddreg [dreg:$0x10]  }
0x2a: {  	[hbm:s12], [sflag:s18] =	dma.local [spmem:s14], $0x2710  }
0x2b: {  	_ =	swait.ge [sflag:s19], $0x2710  }
0x2c: {  	[sflag:s19] =	ssyncset.done $0x0;
	s12 =	rddreg [dreg:$0xe]  }
0x2d: {  	s14 =	rddreg [dreg:$0x12];
	[sflag:s19] =	ssyncadd.s32 $0xFFFFD8F0  }
0x2e: {  	[hbm:s12], [sflag:s18] =	dma.local [spmem:s14], $0x4E2  }
0x2f: {  	_ =	swait.ge [sflag:s19], $0x4E2  }
0x30: {  	s12 =	rddreg [dreg:$0x11]  }
0x31: {  	s14 =	sadd.s32 $0x1, s12;
	s12 =	rddreg [dreg:$0xf]  }
0x32: {  	p0 =	sne.s32 s14, s12  }
.Ltmp1:
0x33: {  	_ = 	snop;
	(pc) =	sbr.rel @!p0 .LBB2_5-.Ltmp1, $3  }
0x34: {  	_ =	sdelay $0x1  }
0x35: {  	[sflag:s19] =	ssyncset.done $0x0;
	[dreg:$0x11] =	wrdreg s14  }
0x36: {  	[sflag:s19] =	ssyncadd.s32 $0xFFFFFB1E;
	s14 =	rddreg [dreg:$0x10]  }
.LBB2_1:
0x37: {  	s12 =	rddreg [dreg:$0x7]  }
0x38: {  	[spmem:s14], [sflag:s18] =	dma.local [hbm:s12], $0x2710  }
0x39: {  	_ =	swait.ge [sflag:s19], $0x2710  }
0x3a: {  	s14 =	rddreg [dreg:$0x9]  }
0x3b: {  	[sflag:s19] =	ssyncset.done $0x0;
	s12 =	rddreg [dreg:$0xa];
	s14 =	sshrl.u32 s14, $0x3  }
0x3c: {  	[sflag:s19] =	ssyncadd.s32 $0xFFFFD8F0;
	[dreg:$0x12] =	wrdreg s14  }
0x3d: {  	[spmem:s14], [sflag:s18] =	dma.local [hbm:s12], $0x4E2  }
0x3e: {  	_ =	swait.ge [sflag:s19], $0x4E2  }
0x3f: {  	[sflag:s19] =	ssyncset.done $0x0  }
0x40: {  	s14 =	rddreg [dreg:$0x6];
	[sflag:s19] =	ssyncadd.s32 $0xFFFFFB1E  }
0x41: {  	[tilespmem:s20], [sflag:$0x9] =	stream.linear.gather [hbm4b:s14+s5], $0x800, $0x38;
	[tilespmem:$0x1F790] =	vst v63  }
0x42: {  	_ =	swait.ge [sflag:s19], $0x800  }
0x43: {  	[sflag:s19] =	ssyncset.done $0x0  }
0x44: {  	[sflag:s19] =	ssyncadd.s32 $0xFFFFF800  }
0x45: {  	[bflag:$0x0] =	sbarrier.arrive $0xFFFF  }
0x46: {  	s18 =	rddreg [dreg:$0xb]  }
0x47: {  	[tilespmem:s5], [sflag:$0x1] =	stream.linear.gather [hbm4b:s18+s5], $0x400, $0x38;
	[tilespmem:$0x1F790] =	vst v63  }
0x48: {  	s19 =	rddreg [dreg:$0xc]  }
0x49: {  	[tilespmem:s11], [sflag:$0x1] =	stream.linear.gather [hbm4b:s19+s5], $0x400, $0x38;
	[tilespmem:$0x1F790] =	vst v63  }
0x4a: {  	_ =	swait.ge [sflag:s22], $0x400  }
0x4b: {  	[sflag:s22] =	ssyncset.done $0x0  }
0x4c: {  	[sflag:s22] =	ssyncadd.s32 $0xFFFFFC00  }
0x4d: {  	_ =	swait.ge [sflag:s22], $0x400  }
0x4e: {  	[sflag:s22] =	ssyncset.done $0x0  }
0x4f: {  	s12 =	simm.s32 $0x0;
	[sflag:s22] =	ssyncadd.s32 $0xFFFFFC00  }
0x50: {  	[tilespmem:s24], [sflag:$0x3] =	stream.indirect.gather [hbm4b:s1+s23], $0x80, s5, s23, $0xb8;
	[tilespmem:$0x1F790] =	vst v63  }
.LBB2_2:
0x51: {  	_ =	swait.ge [sflag:s25], $0x4000  }
0x52: {  	[sflag:s25] =	ssyncset.done $0x0  }
0x53: {  	s14 =	simm.s32 $0x800;
	[sflag:s25] =	ssyncadd.s32 $0xFFFFC000  }
0x54: {  	[spmem:s3] =	stream.indirect.scatter.add.f32 [tilespmem:s24], [sflag:$0x5], $0x80, s14, s23, $0xb8;
	[tilespmem:$0x1F790] =	vst v63  }
0x55: {  	p0 =	seq.s32 s12, $0x0  }
0x56: {  	[spmem:s4] =	stream.indirect.scatter.add.f32 [tilespmem:s20], [sflag:$0x7], $0x10, s14, s23, $0xb8;
	[tilespmem:$0x1F790] =	vst v63  }
0x57: {  	s14 =	simm.s32 @!p0 $0x6  }
0x58: {  	_ =	swait.ge @!p0 [sflag:s14], $0x4000  }
0x59: {  	[sflag:s14] =	ssyncset.done @!p0 $0x0  }
0x5a: {  	[sflag:s14] =	ssyncadd.s32 @!p0 $0xFFFFC000;
	s14 =	simm.s32 @!p0 $0x8  }
0x5b: {  	_ =	swait.ge @!p0 [sflag:s14], $0x800  }
0x5c: {  	[sflag:s14] =	ssyncset.done @!p0 $0x0  }
0x5d: {  	[sflag:s14] =	ssyncadd.s32 @!p0 $0xFFFFF800  }
0x5e: {  	[tilespmem:s26], [sflag:$0x4] =	stream.indirect.gather [hbm4b:s1+s23], $0x80, s23, s23, $0xb8;
	[tilespmem:$0x1F790] =	vst v63  }
0x5f: {  	_ =	swait.ge [sflag:s28], $0x4000  }
0x60: {  	[sflag:s28] =	ssyncset.done $0x0  }
0x61: {  	s19 =	simm.s32 $0x880;
	[sflag:s28] =	ssyncadd.s32 $0xFFFFC000  }
0x62: {  	[spmem:s3] =	stream.indirect.scatter.add.f32 [tilespmem:s26], [sflag:$0x6], $0x80, s19, s23, $0xb8;
	[tilespmem:$0x1F790] =	vst v63  }
0x63: {  	_ = 	snop  }
0x64: {  	[spmem:s4] =	stream.indirect.scatter.add.f32 [tilespmem:s20], [sflag:$0x8], $0x10, s19, s23, $0xb8;
	[tilespmem:$0x1F790] =	vst v63  }
0x65: {  	_ =	swait.ge [sflag:s30], $0x4000  }
0x66: {  	[sflag:s30] =	ssyncset.done $0x0  }
0x67: {  	[sflag:s30] =	ssyncadd.s32 $0xFFFFC000  }
0x68: {  	s18 =	sadd.s32 s12, s16;
	_ =	swait.ge [sflag:s31], $0x800  }
0x69: {  	s14 =	sadd.s32 $0x1000, s18;
	[sflag:s31] =	ssyncset.done $0x0  }
0x6a: {  	s18 =	simm.s32 $0x400;
	s19 =	sadd.s32 s12, s17;
	[sflag:s31] =	ssyncadd.s32 $0xFFFFF800  }
0x6b: {  	[tilespmem:s18], [sflag:$0x2] =	stream.linear.gather [hbm4b:s14+s5], $0x400, $0x38;
	[tilespmem:$0x1F790] =	vst v63  }
0x6c: {  	s14 =	sadd.s32 $0x1000, s19  }
0x6d: {  	[tilespmem:s2], [sflag:$0x2] =	stream.linear.gather [hbm4b:s14+s5], $0x400, $0x38;
	[tilespmem:$0x1F790] =	vst v63  }
0x6e: {  	s19 =	simm.s32 $0x100  }
0x6f: {  	[tilespmem:s24], [sflag:$0x3] =	stream.indirect.gather [hbm4b:s1+s23], $0x80, s19, s23, $0xb8;
	[tilespmem:$0x1F790] =	vst v63  }
0x70: {  	_ =	swait.ge [sflag:s25], $0x4000  }
0x71: {  	[sflag:s25] =	ssyncset.done $0x0  }
0x72: {  	s19 =	simm.s32 $0x900;
	[sflag:s25] =	ssyncadd.s32 $0xFFFFC000  }
0x73: {  	[spmem:s3] =	stream.indirect.scatter.add.f32 [tilespmem:s24], [sflag:$0x5], $0x80, s19, s23, $0xb8;
	[tilespmem:$0x1F790] =	vst v63  }
0x74: {  	_ = 	snop  }
0x75: {  	[spmem:s4] =	stream.indirect.scatter.add.f32 [tilespmem:s20], [sflag:$0x7], $0x10, s19, s23, $0xb8;
	[tilespmem:$0x1F790] =	vst v63  }
0x76: {  	_ =	swait.ge [sflag:s9], $0x4000  }
0x77: {  	[sflag:s9] =	ssyncset.done $0x0  }
0x78: {  	[sflag:s9] =	ssyncadd.s32 $0xFFFFC000  }
0x79: {  	_ =	swait.ge [sflag:s10], $0x800  }
0x7a: {  	[sflag:s10] =	ssyncset.done $0x0  }
0x7b: {  	s19 =	simm.s32 $0x180;
	[sflag:s10] =	ssyncadd.s32 $0xFFFFF800  }
0x7c: {  	[tilespmem:s26], [sflag:$0x4] =	stream.indirect.gather [hbm4b:s1+s23], $0x80, s19, s23, $0xb8;
	[tilespmem:$0x1F790] =	vst v63  }
0x7d: {  	_ =	swait.ge [sflag:s28], $0x4000  }
0x7e: {  	[sflag:s28] =	ssyncset.done $0x0  }
0x7f: {  	s19 =	simm.s32 $0x980;
	[sflag:s28] =	ssyncadd.s32 $0xFFFFC000  }
0x80: {  	[spmem:s3] =	stream.indirect.scatter.add.f32 [tilespmem:s26], [sflag:$0x6], $0x80, s19, s23, $0xb8;
	[tilespmem:$0x1F790] =	vst v63  }
0x81: {  	_ = 	snop  }
0x82: {  	[spmem:s4] =	stream.indirect.scatter.add.f32 [tilespmem:s20], [sflag:$0x8], $0x10, s19, s23, $0xb8;
	[tilespmem:$0x1F790] =	vst v63  }
0x83: {  	_ =	swait.ge [sflag:s30], $0x4000  }
0x84: {  	[sflag:s30] =	ssyncset.done $0x0  }
0x85: {  	[sflag:s30] =	ssyncadd.s32 $0xFFFFC000  }
0x86: {  	_ =	swait.ge [sflag:s31], $0x800  }
0x87: {  	[sflag:s31] =	ssyncset.done $0x0  }
0x88: {  	s19 =	simm.s32 $0x200;
	[sflag:s31] =	ssyncadd.s32 $0xFFFFF800  }
0x89: {  	[tilespmem:s24], [sflag:$0x3] =	stream.indirect.gather [hbm4b:s1+s23], $0x80, s19, s23, $0xb8;
	[tilespmem:$0x1F790] =	vst v63  }
0x8a: {  	_ =	swait.ge [sflag:s25], $0x4000  }
0x8b: {  	[sflag:s25] =	ssyncset.done $0x0  }
0x8c: {  	s19 =	simm.s32 $0xA00;
	[sflag:s25] =	ssyncadd.s32 $0xFFFFC000  }
0x8d: {  	[spmem:s3] =	stream.indirect.scatter.add.f32 [tilespmem:s24], [sflag:$0x5], $0x80, s19, s23, $0xb8;
	[tilespmem:$0x1F790] =	vst v63  }
0x8e: {  	_ = 	snop  }
0x8f: {  	[spmem:s4] =	stream.indirect.scatter.add.f32 [tilespmem:s20], [sflag:$0x7], $0x10, s19, s23, $0xb8;
	[tilespmem:$0x1F790] =	vst v63  }
0x90: {  	_ =	swait.ge [sflag:s9], $0x4000  }
0x91: {  	[sflag:s9] =	ssyncset.done $0x0  }
0x92: {  	[sflag:s9] =	ssyncadd.s32 $0xFFFFC000  }
0x93: {  	_ =	swait.ge [sflag:s10], $0x800  }
0x94: {  	[sflag:s10] =	ssyncset.done $0x0  }
0x95: {  	s19 =	simm.s32 $0x280;
	[sflag:s10] =	ssyncadd.s32 $0xFFFFF800  }
0x96: {  	[tilespmem:s26], [sflag:$0x4] =	stream.indirect.gather [hbm4b:s1+s23], $0x80, s19, s23, $0xb8;
	[tilespmem:$0x1F790] =	vst v63  }
0x97: {  	_ =	swait.ge [sflag:s28], $0x4000  }
0x98: {  	[sflag:s28] =	ssyncset.done $0x0  }
0x99: {  	s19 =	simm.s32 $0xA80;
	[sflag:s28] =	ssyncadd.s32 $0xFFFFC000  }
0x9a: {  	[spmem:s3] =	stream.indirect.scatter.add.f32 [tilespmem:s26], [sflag:$0x6], $0x80, s19, s23, $0xb8;
	[tilespmem:$0x1F790] =	vst v63  }
0x9b: {  	_ = 	snop  }
0x9c: {  	[spmem:s4] =	stream.indirect.scatter.add.f32 [tilespmem:s20], [sflag:$0x8], $0x10, s19, s23, $0xb8;
	[tilespmem:$0x1F790] =	vst v63  }
0x9d: {  	_ =	swait.ge [sflag:s30], $0x4000  }
0x9e: {  	[sflag:s30] =	ssyncset.done $0x0  }
0x9f: {  	[sflag:s30] =	ssyncadd.s32 $0xFFFFC000  }
0xa0: {  	_ =	swait.ge [sflag:s31], $0x800  }
0xa1: {  	[sflag:s31] =	ssyncset.done $0x0  }
0xa2: {  	s19 =	simm.s32 $0x300;
	[sflag:s31] =	ssyncadd.s32 $0xFFFFF800  }
0xa3: {  	[tilespmem:s24], [sflag:$0x3] =	stream.indirect.gather [hbm4b:s1+s23], $0x80, s19, s23, $0xb8;
	[tilespmem:$0x1F790] =	vst v63  }
0xa4: {  	_ =	swait.ge [sflag:s25], $0x4000  }
0xa5: {  	[sflag:s25] =	ssyncset.done $0x0  }
0xa6: {  	s19 =	simm.s32 $0xB00;
	[sflag:s25] =	ssyncadd.s32 $0xFFFFC000  }
0xa7: {  	[spmem:s3] =	stream.indirect.scatter.add.f32 [tilespmem:s24], [sflag:$0x5], $0x80, s19, s23, $0xb8;
	[tilespmem:$0x1F790] =	vst v63  }
0xa8: {  	_ = 	snop  }
0xa9: {  	[spmem:s4] =	stream.indirect.scatter.add.f32 [tilespmem:s20], [sflag:$0x7], $0x10, s19, s23, $0xb8;
	[tilespmem:$0x1F790] =	vst v63  }
0xaa: {  	_ =	swait.ge [sflag:s9], $0x4000  }
0xab: {  	[sflag:s9] =	ssyncset.done $0x0  }
0xac: {  	[sflag:s9] =	ssyncadd.s32 $0xFFFFC000  }
0xad: {  	_ =	swait.ge [sflag:s10], $0x800  }
0xae: {  	[sflag:s10] =	ssyncset.done $0x0  }
0xaf: {  	s19 =	simm.s32 $0x380;
	[sflag:s10] =	ssyncadd.s32 $0xFFFFF800  }
0xb0: {  	[tilespmem:s26], [sflag:$0x4] =	stream.indirect.gather [hbm4b:s1+s23], $0x80, s19, s23, $0xb8;
	[tilespmem:$0x1F790] =	vst v63  }
0xb1: {  	_ =	swait.ge [sflag:s28], $0x4000  }
0xb2: {  	[sflag:s28] =	ssyncset.done $0x0  }
0xb3: {  	s19 =	simm.s32 $0xB80;
	[sflag:s28] =	ssyncadd.s32 $0xFFFFC000  }
0xb4: {  	[spmem:s3] =	stream.indirect.scatter.add.f32 [tilespmem:s26], [sflag:$0x6], $0x80, s19, s23, $0xb8;
	[tilespmem:$0x1F790] =	vst v63  }
0xb5: {  	_ = 	snop  }
0xb6: {  	[spmem:s4] =	stream.indirect.scatter.add.f32 [tilespmem:s20], [sflag:$0x8], $0x10, s19, s23, $0xb8;
	[tilespmem:$0x1F790] =	vst v63  }
0xb7: {  	_ =	swait.ge [sflag:s13], $0x400  }
0xb8: {  	[sflag:s13] =	ssyncset.done $0x0  }
0xb9: {  	[sflag:s13] =	ssyncadd.s32 $0xFFFFFC00  }
0xba: {  	_ =	swait.ge [sflag:s13], $0x400  }
0xbb: {  	[sflag:s13] =	ssyncset.done $0x0  }
0xbc: {  	[sflag:s13] =	ssyncadd.s32 $0xFFFFFC00  }
0xbd: {  	_ =	swait.ge [sflag:s30], $0x4000  }
0xbe: {  	[sflag:s30] =	ssyncset.done $0x0  }
0xbf: {  	[sflag:s30] =	ssyncadd.s32 $0xFFFFC000  }
0xc0: {  	_ =	swait.ge [sflag:s31], $0x800  }
0xc1: {  	[sflag:s31] =	ssyncset.done $0x0  }
0xc2: {  	[sflag:s31] =	ssyncadd.s32 $0xFFFFF800  }
0xc3: {  	[tilespmem:s24], [sflag:$0x3] =	stream.indirect.gather [hbm4b:s1+s23], $0x80, s18, s23, $0xb8;
	[tilespmem:$0x1F790] =	vst v63  }
0xc4: {  	_ =	swait.ge [sflag:s25], $0x4000  }
0xc5: {  	[sflag:s25] =	ssyncset.done $0x0  }
0xc6: {  	[sflag:s25] =	ssyncadd.s32 $0xFFFFC000  }
0xc7: {  	[spmem:s3] =	stream.indirect.scatter.add.f32 [tilespmem:s24], [sflag:$0x5], $0x80, s2, s23, $0xb8;
	[tilespmem:$0x1F790] =	vst v63  }
0xc8: {  	_ = 	snop  }
0xc9: {  	[spmem:s4] =	stream.indirect.scatter.add.f32 [tilespmem:s20], [sflag:$0x7], $0x10, s2, s23, $0xb8;
	[tilespmem:$0x1F790] =	vst v63  }
0xca: {  	_ =	swait.ge [sflag:s9], $0x4000  }
0xcb: {  	[sflag:s9] =	ssyncset.done $0x0  }
0xcc: {  	[sflag:s9] =	ssyncadd.s32 $0xFFFFC000  }
0xcd: {  	_ =	swait.ge [sflag:s10], $0x800  }
0xce: {  	[sflag:s10] =	ssyncset.done $0x0  }
0xcf: {  	s19 =	simm.s32 $0x480;
	[sflag:s10] =	ssyncadd.s32 $0xFFFFF800  }
0xd0: {  	[tilespmem:s26], [sflag:$0x4] =	stream.indirect.gather [hbm4b:s1+s23], $0x80, s19, s23, $0xb8;
	[tilespmem:$0x1F790] =	vst v63  }
0xd1: {  	_ =	swait.ge [sflag:s28], $0x4000  }
0xd2: {  	[sflag:s28] =	ssyncset.done $0x0  }
0xd3: {  	[sflag:s28] =	ssyncadd.s32 $0xFFFFC000  }
0xd4: {  	[spmem:s3] =	stream.indirect.scatter.add.f32 [tilespmem:s26], [sflag:$0x6], $0x80, s8, s23, $0xb8;
	[tilespmem:$0x1F790] =	vst v63  }
0xd5: {  	_ = 	snop  }
0xd6: {  	[spmem:s4] =	stream.indirect.scatter.add.f32 [tilespmem:s20], [sflag:$0x8], $0x10, s8, s23, $0xb8;
	[tilespmem:$0x1F790] =	vst v63  }
0xd7: {  	_ =	swait.ge [sflag:s30], $0x4000  }
0xd8: {  	[sflag:s30] =	ssyncset.done $0x0  }
0xd9: {  	[sflag:s30] =	ssyncadd.s32 $0xFFFFC000  }
0xda: {  	p0 =	seq.s32 s12, $0x8000;
	_ =	swait.ge [sflag:s31], $0x800  }
0xdb: {  	s14 =	sadd.s32 @!p0 s12, s16;
	[sflag:s31] =	ssyncset.done $0x0  }
0xdc: {  	s14 =	sadd.s32 @!p0 $0x2000, s14;
	s18 =	simm.s32 @!p0 $0x0;
	[sflag:s31] =	ssyncadd.s32 $0xFFFFF800  }
0xdd: {  	[tilespmem:s18], [sflag:$0x1] =	stream.linear.gather @!p0 [hbm4b:s14+s18], $0x400, $0x38;
	[tilespmem:$0x1F790] =	vst v63  }
0xde: {  	s14 =	sadd.s32 @!p0 s12, s17  }
0xdf: {  	s19 =	simm.s32 @!p0 $0x800;
	s14 =	sadd.s32 @!p0 $0x2000, s14  }
0xe0: {  	[tilespmem:s19], [sflag:$0x1] =	stream.linear.gather @!p0 [hbm4b:s14+s18], $0x400, $0x38;
	[tilespmem:$0x1F790] =	vst v63  }
0xe1: {  	s18 =	simm.s32 $0x500  }
0xe2: {  	[tilespmem:s24], [sflag:$0x3] =	stream.indirect.gather [hbm4b:s1+s23], $0x80, s18, s23, $0xb8;
	[tilespmem:$0x1F790] =	vst v63  }
0xe3: {  	_ =	swait.ge [sflag:s25], $0x4000  }
0xe4: {  	[sflag:s25] =	ssyncset.done $0x0  }
0xe5: {  	[sflag:s25] =	ssyncadd.s32 $0xFFFFC000  }
0xe6: {  	[spmem:s3] =	stream.indirect.scatter.add.f32 [tilespmem:s24], [sflag:$0x5], $0x80, s15, s23, $0xb8;
	[tilespmem:$0x1F790] =	vst v63  }
0xe7: {  	_ = 	snop  }
0xe8: {  	[spmem:s4] =	stream.indirect.scatter.add.f32 [tilespmem:s20], [sflag:$0x7], $0x10, s15, s23, $0xb8;
	[tilespmem:$0x1F790] =	vst v63  }
0xe9: {  	_ =	swait.ge [sflag:s9], $0x4000  }
0xea: {  	[sflag:s9] =	ssyncset.done $0x0  }
0xeb: {  	[sflag:s9] =	ssyncadd.s32 $0xFFFFC000  }
0xec: {  	_ =	swait.ge [sflag:s10], $0x800  }
0xed: {  	[sflag:s10] =	ssyncset.done $0x0  }
0xee: {  	s19 =	simm.s32 $0x580;
	[sflag:s10] =	ssyncadd.s32 $0xFFFFF800  }
0xef: {  	[tilespmem:s26], [sflag:$0x4] =	stream.indirect.gather [hbm4b:s1+s23], $0x80, s19, s23, $0xb8;
	[tilespmem:$0x1F790] =	vst v63  }
0xf0: {  	_ =	swait.ge [sflag:s28], $0x4000  }
0xf1: {  	[sflag:s28] =	ssyncset.done $0x0  }
0xf2: {  	[sflag:s28] =	ssyncadd.s32 $0xFFFFC000  }
0xf3: {  	[spmem:s3] =	stream.indirect.scatter.add.f32 [tilespmem:s26], [sflag:$0x6], $0x80, s6, s23, $0xb8;
	[tilespmem:$0x1F790] =	vst v63  }
0xf4: {  	_ = 	snop  }
0xf5: {  	[spmem:s4] =	stream.indirect.scatter.add.f32 [tilespmem:s20], [sflag:$0x8], $0x10, s6, s23, $0xb8;
	[tilespmem:$0x1F790] =	vst v63  }
0xf6: {  	_ =	swait.ge [sflag:s30], $0x4000  }
0xf7: {  	[sflag:s30] =	ssyncset.done $0x0  }
0xf8: {  	[sflag:s30] =	ssyncadd.s32 $0xFFFFC000  }
0xf9: {  	_ =	swait.ge [sflag:s31], $0x800  }
0xfa: {  	[sflag:s31] =	ssyncset.done $0x0  }
0xfb: {  	s18 =	simm.s32 $0x600;
	[sflag:s31] =	ssyncadd.s32 $0xFFFFF800  }
0xfc: {  	[tilespmem:s24], [sflag:$0x3] =	stream.indirect.gather [hbm4b:s1+s23], $0x80, s18, s23, $0xb8;
	[tilespmem:$0x1F790] =	vst v63  }
0xfd: {  	_ =	swait.ge [sflag:s25], $0x4000  }
0xfe: {  	[sflag:s25] =	ssyncset.done $0x0  }
0xff: {  	[sflag:s25] =	ssyncadd.s32 $0xFFFFC000  }
0x100: {  	[spmem:s3] =	stream.indirect.scatter.add.f32 [tilespmem:s24], [sflag:$0x5], $0x80, s21, s23, $0xb8;
	[tilespmem:$0x1F790] =	vst v63  }
0x101: {  	_ = 	snop  }
0x102: {  	[spmem:s4] =	stream.indirect.scatter.add.f32 [tilespmem:s20], [sflag:$0x7], $0x10, s21, s23, $0xb8;
	[tilespmem:$0x1F790] =	vst v63  }
0x103: {  	_ =	swait.ge [sflag:s9], $0x4000  }
0x104: {  	[sflag:s9] =	ssyncset.done $0x0  }
0x105: {  	[sflag:s9] =	ssyncadd.s32 $0xFFFFC000  }
0x106: {  	_ =	swait.ge [sflag:s10], $0x800  }
0x107: {  	[sflag:s10] =	ssyncset.done $0x0  }
0x108: {  	s19 =	simm.s32 $0x680;
	[sflag:s10] =	ssyncadd.s32 $0xFFFFF800  }
0x109: {  	[tilespmem:s26], [sflag:$0x4] =	stream.indirect.gather [hbm4b:s1+s23], $0x80, s19, s23, $0xb8;
	[tilespmem:$0x1F790] =	vst v63  }
0x10a: {  	_ =	swait.ge [sflag:s28], $0x4000  }
0x10b: {  	[sflag:s28] =	ssyncset.done $0x0  }
0x10c: {  	[sflag:s28] =	ssyncadd.s32 $0xFFFFC000  }
0x10d: {  	[spmem:s3] =	stream.indirect.scatter.add.f32 [tilespmem:s26], [sflag:$0x6], $0x80, s29, s23, $0xb8;
	[tilespmem:$0x1F790] =	vst v63  }
0x10e: {  	_ = 	snop  }
0x10f: {  	[spmem:s4] =	stream.indirect.scatter.add.f32 [tilespmem:s20], [sflag:$0x8], $0x10, s29, s23, $0xb8;
	[tilespmem:$0x1F790] =	vst v63  }
0x110: {  	_ =	swait.ge [sflag:s30], $0x4000  }
0x111: {  	[sflag:s30] =	ssyncset.done $0x0  }
0x112: {  	[sflag:s30] =	ssyncadd.s32 $0xFFFFC000  }
0x113: {  	_ =	swait.ge [sflag:s31], $0x800  }
0x114: {  	[sflag:s31] =	ssyncset.done $0x0  }
0x115: {  	s18 =	simm.s32 $0x700;
	[sflag:s31] =	ssyncadd.s32 $0xFFFFF800  }
0x116: {  	[tilespmem:s24], [sflag:$0x3] =	stream.indirect.gather [hbm4b:s1+s23], $0x80, s18, s23, $0xb8;
	[tilespmem:$0x1F790] =	vst v63  }
0x117: {  	_ =	swait.ge [sflag:s25], $0x4000  }
0x118: {  	[sflag:s25] =	ssyncset.done $0x0  }
0x119: {  	[sflag:s25] =	ssyncadd.s32 $0xFFFFC000  }
0x11a: {  	[spmem:s3] =	stream.indirect.scatter.add.f32 [tilespmem:s24], [sflag:$0x5], $0x80, s0, s23, $0xb8;
	[tilespmem:$0x1F790] =	vst v63  }
0x11b: {  	_ = 	snop  }
0x11c: {  	[spmem:s4] =	stream.indirect.scatter.add.f32 [tilespmem:s20], [sflag:$0x7], $0x10, s0, s23, $0xb8;
	[tilespmem:$0x1F790] =	vst v63  }
0x11d: {  	_ =	swait.ge [sflag:s9], $0x4000  }
0x11e: {  	[sflag:s9] =	ssyncset.done $0x0  }
0x11f: {  	[sflag:s9] =	ssyncadd.s32 $0xFFFFC000  }
0x120: {  	_ =	swait.ge [sflag:s10], $0x800  }
0x121: {  	[sflag:s10] =	ssyncset.done $0x0  }
0x122: {  	s19 =	simm.s32 $0x780;
	[sflag:s10] =	ssyncadd.s32 $0xFFFFF800  }
0x123: {  	[tilespmem:s26], [sflag:$0x4] =	stream.indirect.gather [hbm4b:s1+s23], $0x80, s19, s23, $0xb8;
	[tilespmem:$0x1F790] =	vst v63  }
0x124: {  	_ =	swait.ge [sflag:s28], $0x4000  }
0x125: {  	[sflag:s28] =	ssyncset.done $0x0  }
0x126: {  	[sflag:s28] =	ssyncadd.s32 $0xFFFFC000  }
0x127: {  	[spmem:s3] =	stream.indirect.scatter.add.f32 [tilespmem:s26], [sflag:$0x6], $0x80, s7, s23, $0xb8;
	[tilespmem:$0x1F790] =	vst v63  }
0x128: {  	_ = 	snop  }
0x129: {  	[spmem:s4] =	stream.indirect.scatter.add.f32 [tilespmem:s20], [sflag:$0x8], $0x10, s7, s23, $0xb8;
	[tilespmem:$0x1F790] =	vst v63  }
0x12a: {  	_ =	swait.ge [sflag:s30], $0x4000  }
.Ltmp2:
0x12b: {  	[sflag:s30] =	ssyncset.done $0x0;
	(pc) =	sbr.rel @p0 .LBB2_4-.Ltmp2, $4  }
0x12c: {  	[sflag:s30] =	ssyncadd.s32 $0xFFFFC000  }
0x12d: {  	_ =	swait.ge [sflag:s31], $0x800  }
0x12e: {  	[sflag:s31] =	ssyncset.done $0x0  }
0x12f: {  	s11 =	simm.s32 $0x800;
	[sflag:s31] =	ssyncadd.s32 $0xFFFFF800  }
0x130: {  	_ =	swait.ge [sflag:s22], $0x400  }
0x131: {  	[sflag:s22] =	ssyncset.done $0x0  }
.Ltmp3:
0x132: {  	[sflag:s22] =	ssyncadd.s32 $0xFFFFFC00;
	(pc) =	sbr.rel .LBB2_2-.Ltmp3, $4  }
0x133: {  	_ =	swait.ge [sflag:s22], $0x400  }
0x134: {  	[sflag:s22] =	ssyncset.done $0x0  }
0x135: {  	s12 =	sadd.s32 $0x2000, s12;
	[sflag:s22] =	ssyncadd.s32 $0xFFFFFC00  }
0x136: {  	[tilespmem:s24], [sflag:$0x3] =	stream.indirect.gather [hbm4b:s1+s23], $0x80, s5, s23, $0xb8;
	[tilespmem:$0x1F790] =	vst v63  }
.LBB2_5:
0x137: {  	_ =	sfence.sel $0x180000  }
0x138: {  	[bflag:$0x0] =	sbarrier.arrive $0xFFFF  }
0x139: {  	_ =	strace $0x90000047  }
0x13a: {  	s0 =	stileid.u32;
	[bflag:$0x2] =	sbarrier.arrive $0xFFFF  }
0x13b: {  	p0 =	sne.s32 s0, $0x0;
	s0 =	rddreg [dreg:$0x5]  }
0x13c: {  	s0 =	sadd.s32 @!p0 $0x100000, s0  }
0x13d: {  	[sflag:s0] =	ssyncadd.tile.s32 @!p0 $0x1;
	_ =	shalt  }
.Lfunc_end2:
_tile_overlayer_lowered:
.L_overlay_start_2:
0x13e: {  	(tag) =	ssettag $0x2  }
0x13f: {  	s0 =	rddreg [dreg:$0x0];
	s2 =	stileid.u32  }
0x140: {  	s1 =	rddreg [dreg:$0x1];
	p0 =	sne.s32 s2, $0x0  }
0x141: {  	s3 =	rddreg [dreg:$0x2];
	[bflag:$0x3] =	sbarrier.arrive $0xFFFF;
	s2 =	simm.s32 @!p0 $0x1C09  }
0x142: {  	[timem:s3], [sflag:s2] =	dma.local @!p0 [hbm:s0], s1  }
0x143: {  	s0 =	simm.s32 @!p0 $0x9  }
0x144: {  	_ =	swait.ge @!p0 [sflag:s0], s1  }
0x145: {  	s1 =	ssub.s32 @!p0 $0x0, s1;
	[sflag:s0] =	ssyncset.done @!p0 $0x0  }
0x146: {  	[sflag:s0] =	ssyncadd.s32 @!p0 s1  }
0x147: {  	[bflag:$0x3] =	sbarrier.arrive $0xFFFF  }
0x148: {  	_ =	shalt  }

</sc_bundles>
